<compile_context>
chip_gen: v7x
topology: tpu7x:2x2x1
jax: 0.10.2.dev20260603
libtpu: 0.0.44.dev20260713+nightly
codegen_flags: <defaults>
</compile_context>

<pallas_src>
import jax
import jax.numpy as jnp
from jax import lax
from jax.experimental import pallas as pl
from jax.experimental.pallas import tpu as pltpu
from jax.experimental.pallas import tpu_sc as plsc

N = 10000
E = 320000
D = 128
L = 3

NC = 2
NS = 16
NW = NC * NS
NP = 10240
RPT = NP // NW
K = 128
NCH = 80
EPT = NCH * K
EP = NW * EPT
DW = D

_mesh = plsc.VectorSubcoreMesh(
    core_axis_name="c", subcore_axis_name="s", num_cores=NC, num_subcores=NS)

_f32 = jnp.float32
_i32 = jnp.int32


def _fill_const(ref, rows, cols, val):
  v = jnp.full((16,), val, _f32)
  nslot = cols // 16

  def body(i, carry):
    ref[i // nslot, pl.ds((i % nslot) * 16, 16)] = v
    return carry

  lax.fori_loop(0, rows * nslot, body, 0)


def _copy_idx_chunk(src_ref, off, dst_ref):

  def body(i, carry):
    dst_ref[pl.ds(i * 16, 16)] = src_ref[pl.ds(off + i * 16, 16)]
    return carry

  lax.fori_loop(0, K // 16, body, 0)


def _sc_setup_body(emb_h, tok_h, dstp_h, x_h, deg_h,
                   tok_v, rows_v, ones_v, didx_all, didx_v, deg_acc, sem):
  c = lax.axis_index("c")
  s = lax.axis_index("s")
  wid = c * NS + s

  base = wid * RPT

  def gchunk(i, carry):
    b = base + i * 64
    pltpu.sync_copy(tok_h.at[pl.ds(b, 64)], tok_v)
    pltpu.async_copy(emb_h.at[tok_v], rows_v, sem).wait()
    pltpu.sync_copy(rows_v, x_h.at[pl.ds(b, 64)])
    return carry

  lax.fori_loop(0, RPT // 64, gchunk, 0)

  _fill_const(ones_v, K, DW, 0.0)

  def zchunk(i, carry):
    pltpu.sync_copy(ones_v, deg_acc.at[pl.ds(s * RPT * NC + i * K, K)])
    return carry

  lax.fori_loop(0, (RPT * NC) // K, zchunk, 0)
  _fill_const(ones_v, K, DW, 1.0)
  pltpu.sync_copy(dstp_h.at[pl.ds(wid * EPT, EPT)], didx_all)
  plsc.subcore_barrier()

  def echunk(i, carry):
    _copy_idx_chunk(didx_all, i * K, didx_v)
    pltpu.sync_copy(ones_v, deg_acc.at[didx_v], add=True)
    return carry

  lax.fori_loop(0, NCH, echunk, 0)
  plsc.subcore_barrier()

  def ochunk(i, carry):
    r = s * RPT * NC + i * K
    pltpu.sync_copy(deg_acc.at[pl.ds(r, K)], ones_v)
    pltpu.sync_copy(ones_v, deg_h.at[c, pl.ds(r, K)])
    return carry

  lax.fori_loop(0, (RPT * NC) // K, ochunk, 0)


_SC_SETUP_SCRATCH = [
    pltpu.VMEM((64,), _i32),
    pltpu.VMEM((64, D), _f32),
    pltpu.VMEM((K, DW), _f32),
    pltpu.VMEM((EPT,), _i32),
    pltpu.VMEM((K,), _i32),
    pltpu.VMEM_SHARED((NP, DW), _f32),
    pltpu.SemaphoreType.DMA,
]

_sc_setup = pl.kernel(
    _sc_setup_body,
    out_type=[
        jax.ShapeDtypeStruct((NP, D), _f32),
        jax.ShapeDtypeStruct((NC, NP, DW), _f32),
    ],
    mesh=_mesh,
    scratch_types=_SC_SETUP_SCRATCH,
)


def _sc_segsum_body(h_h, srcp_h, dstp_h, s_h,
                    sidx_all, da0, da1, buf_a, buf_b,
                    acc, sem_a, sem_b):
  c = lax.axis_index("c")
  s = lax.axis_index("s")
  wid = c * NS + s

  pltpu.sync_copy(srcp_h.at[pl.ds(wid * EPT, EPT)], sidx_all)

  _fill_const(buf_a, K, D, 0.0)

  def zchunk(i, carry):
    pltpu.sync_copy(buf_a, acc.at[pl.ds(s * RPT * NC + i * K, K)])
    return carry

  lax.fori_loop(0, (RPT * NC) // K, zchunk, 0)
  plsc.subcore_barrier()

  ebase = wid * EPT

  def didx_load(j, da):
    pltpu.sync_copy(dstp_h.at[pl.ds(ebase + j * K, K)], da)

  def gather(j, buf, sem):
    return pltpu.async_copy(h_h.at[sidx_all.at[pl.ds(j * K, K)]], buf, sem)

  def wait(buf, sem):
    pltpu.make_async_copy(h_h.at[sidx_all.at[pl.ds(0, K)]], buf, sem).wait()

  def scat(buf, didx):
    pltpu.sync_copy(buf, acc.at[didx], add=True)

  didx_load(0, da0)
  gather(0, buf_a, sem_a)

  def pipe(jj, carry):
    j = 2 * jj
    gather(j + 1, buf_b, sem_b)
    didx_load(j + 1, da1)
    wait(buf_a, sem_a)
    scat(buf_a, da0)
    gather(j + 2, buf_a, sem_a)
    didx_load(j + 2, da0)
    wait(buf_b, sem_b)
    scat(buf_b, da1)
    return carry

  lax.fori_loop(0, (NCH - 2) // 2, pipe, 0)
  gather(NCH - 1, buf_b, sem_b)
  didx_load(NCH - 1, da1)
  wait(buf_a, sem_a)
  scat(buf_a, da0)
  wait(buf_b, sem_b)
  scat(buf_b, da1)
  plsc.subcore_barrier()

  def ochunk(i, carry):
    r = s * RPT * NC + i * K
    pltpu.sync_copy(acc.at[pl.ds(r, K)], buf_a)
    pltpu.sync_copy(buf_a, s_h.at[c, pl.ds(r, K)])
    return carry

  lax.fori_loop(0, (RPT * NC) // K, ochunk, 0)


_SC_SEGSUM_SCRATCH = [
    pltpu.VMEM((EPT,), _i32),
    pltpu.VMEM((K,), _i32),
    pltpu.VMEM((K,), _i32),
    pltpu.VMEM((K, D), _f32),
    pltpu.VMEM((K, D), _f32),
    pltpu.VMEM_SHARED((NP, D), _f32),
    pltpu.SemaphoreType.DMA,
    pltpu.SemaphoreType.DMA,
]

_sc_segsum = pl.kernel(
    _sc_segsum_body,
    out_type=jax.ShapeDtypeStruct((NC, NP, D), _f32),
    mesh=_mesh,
    scratch_types=_SC_SEGSUM_SCRATCH,
)


_BR = 2000


def _tc_h0(x, w, b, degp, bs):

  def body(x_ref, w_ref, b_ref, d_ref, bs_ref, o_ref, w1_ref):
    deg = d_ref[0, :, 0:1] + d_ref[1, :, 0:1]
    mask = (deg > 0.0).astype(_f32)
    o_ref[...] = (jnp.dot(x_ref[...], w_ref[...], preferred_element_type=_f32)
                  + b_ref[...] + mask * bs_ref[...])
    w1_ref[...] = 1.0 / jnp.maximum(deg, 1.0)

  return pl.pallas_call(
      body,
      grid=(N // _BR,),
      in_specs=[
          pl.BlockSpec((_BR, D), lambda i: (i, 0)),
          pl.BlockSpec((D, D), lambda i: (0, 0)),
          pl.BlockSpec((1, D), lambda i: (0, 0)),
          pl.BlockSpec((NC, _BR, DW), lambda i: (0, i, 0)),
          pl.BlockSpec((1, D), lambda i: (0, 0)),
      ],
      out_specs=[
          pl.BlockSpec((_BR, D), lambda i: (i, 0)),
          pl.BlockSpec((_BR, 1), lambda i: (i, 0)),
      ],
      out_shape=[
          jax.ShapeDtypeStruct((N, D), _f32),
          jax.ShapeDtypeStruct((N, 1), _f32),
      ],
  )(x, w, b, degp, bs)


def _tc_update(sab, h0p, w1, w):
  def body(s_ref, h0_ref, w1_ref, w_ref, oh_ref, or_ref):
    ssum = s_ref[0] + s_ref[1]
    h = (h0_ref[...] +
         jnp.dot(ssum, w_ref[...], preferred_element_type=_f32) * w1_ref[...])
    oh_ref[...] = h
    or_ref[...] = jnp.maximum(h, 0.0)

  rspec = pl.BlockSpec((_BR, D), lambda i: (i, 0))
  return pl.pallas_call(
      body,
      grid=(N // _BR,),
      in_specs=[
          pl.BlockSpec((NC, _BR, D), lambda i: (0, i, 0)),
          rspec,
          pl.BlockSpec((_BR, 1), lambda i: (i, 0)),
          pl.BlockSpec((D, D), lambda i: (0, 0)),
      ],
      out_specs=[rspec, rspec],
      out_shape=[
          jax.ShapeDtypeStruct((N, D), _f32),
          jax.ShapeDtypeStruct((N, D), _f32),
      ],
  )(sab, h0p, w1, w)


def _tc_pack(sab, h0p, w1, w, r0, r1):

  def body(s_ref, h0_ref, w1_ref, w_ref, r0_ref, r1_ref, onl_ref, om_ref):
    ssum = s_ref[0] + s_ref[1]
    h = (h0_ref[...] +
         jnp.dot(ssum, w_ref[...], preferred_element_type=_f32) * w1_ref[...])
    r2 = jnp.maximum(h, 0.0)
    r0v = r0_ref[...]
    r1v = r1_ref[...]
    onl_ref[0] = r0v
    onl_ref[1] = r1v
    onl_ref[2] = r2
    om_ref[...] = jnp.maximum(jnp.maximum(r0v, r1v), r2)

  rspec = pl.BlockSpec((_BR, D), lambda i: (i, 0))
  return pl.pallas_call(
      body,
      grid=(N // _BR,),
      in_specs=[
          pl.BlockSpec((NC, _BR, D), lambda i: (0, i, 0)),
          rspec,
          pl.BlockSpec((_BR, 1), lambda i: (i, 0)),
          pl.BlockSpec((D, D), lambda i: (0, 0)),
          rspec,
          rspec,
      ],
      out_specs=[
          pl.BlockSpec((L, _BR, D), lambda i: (0, i, 0)),
          rspec,
      ],
      out_shape=[
          jax.ShapeDtypeStruct((L, N, D), _f32),
          jax.ShapeDtypeStruct((N, D), _f32),
      ],
  )(sab, h0p, w1, w, r0, r1)


def kernel(node_tokens, edge_index, emb, W_c, b_c, W_sum, b_sum):
  tok = node_tokens.astype(_i32)
  src = edge_index[0].astype(_i32)
  dst = edge_index[1].astype(_i32)
  tokp = jnp.concatenate([tok, jnp.zeros((NP - N,), _i32)])
  ppt = EPT - E // NW
  pad_dst = jnp.tile(N + jnp.arange(ppt, dtype=_i32) % (NP - N), (NW, 1))
  pad_src = jnp.tile(jnp.arange(ppt, dtype=_i32), (NW, 1))
  srcp = jnp.concatenate([src.reshape(NW, E // NW), pad_src], axis=1).reshape(-1)
  dstp = jnp.concatenate([dst.reshape(NW, E // NW), pad_dst], axis=1).reshape(-1)
  b_c2 = b_c.reshape(1, D).astype(_f32)
  b_s2 = b_sum.reshape(1, D).astype(_f32)

  x, degp = _sc_setup(emb, tokp, dstp)
  h0p, w1 = _tc_h0(x, W_c, b_c2, degp, b_s2)
  h = h0p
  rs = []
  for _ in range(L - 1):
    sab = _sc_segsum(h, srcp, dstp)
    h, r = _tc_update(sab, h0p, w1, W_sum)
    rs.append(r)
  sab = _sc_segsum(h, srcp, dstp)
  nl, m = _tc_pack(sab, h0p, w1, W_sum, rs[0], rs[1])
  return nl, m

# --- scband reference (transcript-rebuilt; emitter-appended) ---
"""Pipeline reference for scband-batch-astencoder-13280038879631 (READ-ONLY COPY).

The authoritative reference and input builder live on the scoring server;
editing this copy changes nothing except your own understanding.
"""

import jax, jax.numpy as jnp
import numpy as np

N = 10000
E = 320000
VOCAB = 100000
D = 128
L = 3

def setup_inputs(seed: int = 0):
    key = jax.random.key(seed)
    ks = jax.random.split(key, 8)
    node_tokens = jax.random.randint(ks[0], (N,), 0, VOCAB)
    edge_index = jax.random.randint(ks[1], (2, E), 0, N)
    emb = jax.random.normal(ks[2], (VOCAB, D), dtype=jnp.float32) * 0.02
    W_c = jax.random.normal(ks[3], (D, D), dtype=jnp.float32) / np.sqrt(D)
    b_c = jnp.zeros((D,), dtype=jnp.float32)
    W_sum = jax.random.normal(ks[4], (D, D), dtype=jnp.float32) / np.sqrt(D)
    b_sum = jnp.zeros((D,), dtype=jnp.float32)
    return {"node_tokens": node_tokens, "edge_index": edge_index, "emb": emb,
            "W_c": W_c, "b_c": b_c, "W_sum": W_sum, "b_sum": b_sum}

def reference(node_tokens, edge_index, emb, W_c, b_c, W_sum, b_sum):
    # Level-synchronous formulation of the recursive RvNN tree encoder:
    #   h(node) = W_c(embedding[node]) + (1/n_children) * sum_children W_sum(h(child))
    # unrolled for L levels over a child->parent edge list, with the per-level
    # activated states stacked (node_list) and max-pooled, matching
    # WeightedBatchTreeEncoder.forward's (node_list, max) output.
    src = edge_index[0]
    dst = edge_index[1]
    x = jnp.take(emb, node_tokens, axis=0)            # embedding gather
    h0 = x @ W_c + b_c                                # W_c(embedding)
    deg = jnp.bincount(dst, length=N).astype(jnp.float32)
    w = 1.0 / jnp.maximum(deg, 1.0)                   # children_weight = 1/c_num
    h = h0
    node_list = []
    for _ in range(L):
        msg = jnp.take(h, src, axis=0) @ W_sum + b_sum  # W_sum(child state), edge gather
        agg = jnp.zeros((N, D), dtype=h.dtype).at[dst].add(msg)  # scatter-add to parents
        h = h0 + agg * w[:, None]
        node_list.append(jax.nn.relu(h))              # activation(batch_node.index_copy(...))
    nl = jnp.stack(node_list)
    return nl, jnp.max(nl, axis=0)

if __name__ == "__main__":
    import jax
    _d = setup_inputs()
    print(jax.jit(kernel)(*tuple(_d.values())))

</pallas_src>

<mosaic_0001>
#map = affine_map<(d0, d1) -> (0, 0)>
#map1 = affine_map<(d0, d1) -> (0)>
#map2 = affine_map<(d0, d1) -> (0, 0, 0)>
module attributes {stable_mosaic.version = 14 : i64} {
  func.func @_sc_segsum_body(%arg0: i32, %arg1: i32, %arg2: memref<10000x128xf32, #tpu.memory_space<hbm>>, %arg3: memref<327680xi32, #tpu.memory_space<hbm>>, %arg4: memref<327680xi32, #tpu.memory_space<hbm>>, %arg5: memref<2x10240x128xf32, #tpu.memory_space<hbm>>, %arg6: memref<10240xi32, #tpu.memory_space<vmem>>, %arg7: memref<128xi32, #tpu.memory_space<vmem>>, %arg8: memref<128xi32, #tpu.memory_space<vmem>>, %arg9: memref<128x128xf32, #tpu.memory_space<vmem>>, %arg10: memref<128x128xf32, #tpu.memory_space<vmem>>, %arg11: memref<10240x128xf32, #tpu.memory_space<vmem_shared>>, %arg12: memref<!tpu.dma_semaphore, #tpu.memory_space<semaphore_mem>>, %arg13: memref<!tpu.dma_semaphore, #tpu.memory_space<semaphore_mem>>) attributes {dimension_semantics = [#tpu.dimension_semantics<core_parallel>, #tpu.dimension_semantics<subcore_parallel>], iteration_bounds = array<i64: 2, 16>, scalar_prefetch = 0 : i64, scratch_operands = 8 : i64, tpu.core_type = #tpu.core_type<sc_vector_subcore>, window_params = [{transform_indices = #map}, {transform_indices = #map1}, {transform_indices = #map1}, {transform_indices = #map2}]} {
    %mul3A = arith.constant 16 : i32
    %mul3A_0 = arith.muli %arg0, %mul3A : i32
    %add3A = arith.addi %mul3A_0, %arg1 : i32
    %mul3A_1 = arith.constant 10240 : i32
    %mul3A_2 = arith.muli %add3A, %mul3A_1 : i32
    "tpu.region"() ({
      %run_scoped3A = tpu.sem_alloc : memref<!tpu.dma_semaphore, #tpu.memory_space<semaphore_mem>>
      %dma_start3A_52 = tpu.memref_slice %arg3[%mul3A_2] : memref<327680xi32, #tpu.memory_space<hbm>> -> memref<10240xi32, #tpu.memory_space<hbm>>
      %dma_start3A_53 = tpu.memref_slice %arg3[%mul3A_2] : memref<327680xi32, #tpu.memory_space<hbm>> -> memref<10240xi32, #tpu.memory_space<hbm>>
      tpu.enqueue_dma source(%dma_start3A_53 : memref<10240xi32, #tpu.memory_space<hbm>>) target(%arg6 : memref<10240xi32, #tpu.memory_space<vmem>>) target_semaphore(%run_scoped3A : memref<!tpu.dma_semaphore, #tpu.memory_space<semaphore_mem>>)
      %dma_wait3A_54 = tpu.memref_slice %arg3[%mul3A_2] : memref<327680xi32, #tpu.memory_space<hbm>> -> memref<10240xi32, #tpu.memory_space<hbm>>
      %dma_wait3A_55 = tpu.memref_slice %arg3[%mul3A_2] : memref<327680xi32, #tpu.memory_space<hbm>> -> memref<10240xi32, #tpu.memory_space<hbm>>
      tpu.wait_dma2 semaphore(%run_scoped3A : memref<!tpu.dma_semaphore, #tpu.memory_space<semaphore_mem>>) src(%dma_wait3A_55 : memref<10240xi32, #tpu.memory_space<hbm>>) dst(%arg6 : memref<10240xi32, #tpu.memory_space<vmem>>)
      tpu.yield
    }) : () -> ()
    %broadcast_in_dim3A = arith.constant 0.000000e+00 : f32
    %broadcast_in_dim3A_3 = vector.broadcast %broadcast_in_dim3A : f32 to vector<16xf32>
    %scan3A = arith.constant 0 : i32
    %scan3A_4 = arith.constant 0 : i32
    %scan3A_5 = arith.constant 1024 : i32
    %scan3A_6 = arith.addi %scan3A_4, %scan3A_5 : i32
    %scan3A_7 = arith.constant 1 : i32
    scf.for %scan3A_52 = %scan3A_4 to %scan3A_6 step %scan3A_7  : i32 {
      %jit3A = arith.constant 8 : i32
      %div3A = arith.divsi %scan3A_52, %jit3A : i32
      %sign3A = arith.constant 0 : i32
      %sign3A_53 = arith.cmpi sgt, %scan3A_52, %sign3A : i32
      %sign3A_54 = arith.extui %sign3A_53 : i1 to i32
      %sign3A_55 = arith.constant 0 : i32
      %sign3A_56 = arith.cmpi slt, %scan3A_52, %sign3A_55 : i32
      %sign3A_57 = arith.extui %sign3A_56 : i1 to i32
      %sign3A_58 = arith.subi %sign3A_54, %sign3A_57 : i32
      %sign3A_59 = arith.constant 0 : i32
      %sign3A_60 = arith.cmpi sgt, %jit3A, %sign3A_59 : i32
      %sign3A_61 = arith.extui %sign3A_60 : i1 to i32
      %sign3A_62 = arith.constant 0 : i32
      %sign3A_63 = arith.cmpi slt, %jit3A, %sign3A_62 : i32
      %sign3A_64 = arith.extui %sign3A_63 : i1 to i32
      %sign3A_65 = arith.subi %sign3A_61, %sign3A_64 : i32
      %ne3A = arith.cmpi ne, %sign3A_58, %sign3A_65 : i32
      %rem3A = arith.remsi %scan3A_52, %jit3A : i32
      %ne3A_66 = arith.constant 0 : i32
      %ne3A_67 = arith.cmpi ne, %rem3A, %ne3A_66 : i32
      %and3A = arith.andi %ne3A, %ne3A_67 : i1
      %sub3A = arith.constant 1 : i32
      %sub3A_68 = arith.subi %div3A, %sub3A : i32
      %select_n3A = arith.select %and3A, %sub3A_68, %div3A : i32
      %jit3A_69 = arith.constant 8 : i32
      %eq3A = arith.constant 0 : i32
      %eq3A_70 = arith.cmpi eq, %jit3A_69, %eq3A : i32
      %jit3A_71 = arith.constant 1 : i32
      %select_n3A_72 = arith.select %eq3A_70, %jit3A_71, %jit3A_69 : i32
      %rem3A_73 = arith.remsi %scan3A_52, %select_n3A_72 : i32
      %ne3A_74 = arith.constant 0 : i32
      %ne3A_75 = arith.cmpi ne, %rem3A_73, %ne3A_74 : i32
      %lt3A = arith.constant 0 : i32
      %lt3A_76 = arith.cmpi slt, %rem3A_73, %lt3A : i32
      %lt3A_77 = arith.constant 0 : i32
      %lt3A_78 = arith.cmpi slt, %select_n3A_72, %lt3A_77 : i32
      %ne3A_79 = arith.xori %lt3A_76, %lt3A_78 : i1
      %and3A_80 = arith.andi %ne3A_79, %ne3A_75 : i1
      %add3A_81 = arith.addi %rem3A_73, %select_n3A_72 : i32
      %select_n3A_82 = arith.select %and3A_80, %add3A_81, %rem3A_73 : i32
      %mul3A_83 = arith.constant 16 : i32
      %mul3A_84 = arith.muli %select_n3A_82, %mul3A_83 : i32
      %swap3A = arith.index_cast %select_n3A : i32 to index
      %swap3A_85 = arith.index_cast %mul3A_84 : i32 to index
      %swap3A_86 = tpu.vector_load %arg9[%swap3A, %swap3A_85] {strides = array<i32>} : memref<128x128xf32, #tpu.memory_space<vmem>>, vector<1x16xf32>,
      %swap3A_87 = vector.shape_cast %swap3A_86 : vector<1x16xf32> to vector<16xf32>
      %swap3A_88 = vector.shape_cast %broadcast_in_dim3A_3 : vector<16xf32> to vector<1x16xf32>
      tpu.vector_store %arg9[%swap3A, %swap3A_85], %swap3A_88 {strides = array<i32>} : memref<128x128xf32, #tpu.memory_space<vmem>>, vector<1x16xf32>,
    }
    %scan3A_8 = arith.constant 1024 : i32
    %scan3A_9 = arith.constant 0 : i32
    %scan3A_10 = arith.constant 0 : i32
    %scan3A_11 = arith.constant 5 : i32
    %scan3A_12 = arith.addi %scan3A_10, %scan3A_11 : i32
    %scan3A_13 = arith.constant 1 : i32
    scf.for %scan3A_52 = %scan3A_10 to %scan3A_12 step %scan3A_13  : i32 {
      %mul3A_53 = arith.constant 320 : i32
      %mul3A_54 = arith.muli %arg1, %mul3A_53 : i32
      %mul3A_55 = arith.constant 2 : i32
      %mul3A_56 = arith.muli %mul3A_54, %mul3A_55 : i32
      %mul3A_57 = arith.constant 128 : i32
      %mul3A_58 = arith.muli %scan3A_52, %mul3A_57 : i32
      %add3A_59 = arith.addi %mul3A_56, %mul3A_58 : i32
      "tpu.region"() ({
        %run_scoped3A = tpu.sem_alloc : memref<!tpu.dma_semaphore, #tpu.memory_space<semaphore_mem>>
        %dma_start3A_60 = arith.constant 0 : i32
        %dma_start3A_61 = tpu.memref_slice %arg11[%add3A_59, %dma_start3A_60] : memref<10240x128xf32, #tpu.memory_space<vmem_shared>> -> memref<128x128xf32, #tpu.memory_space<vmem_shared>>
        %dma_start3A_62 = arith.constant 0 : i32
        %dma_start3A_63 = tpu.memref_slice %arg11[%add3A_59, %dma_start3A_62] : memref<10240x128xf32, #tpu.memory_space<vmem_shared>> -> memref<128x128xf32, #tpu.memory_space<vmem_shared>>
        tpu.enqueue_dma source(%arg9 : memref<128x128xf32, #tpu.memory_space<vmem>>) target(%dma_start3A_63 : memref<128x128xf32, #tpu.memory_space<vmem_shared>>) target_semaphore(%run_scoped3A : memref<!tpu.dma_semaphore, #tpu.memory_space<semaphore_mem>>)
        %dma_wait3A_64 = arith.constant 0 : i32
        %dma_wait3A_65 = tpu.memref_slice %arg11[%add3A_59, %dma_wait3A_64] : memref<10240x128xf32, #tpu.memory_space<vmem_shared>> -> memref<128x128xf32, #tpu.memory_space<vmem_shared>>
        %dma_wait3A_66 = arith.constant 0 : i32
        %dma_wait3A_67 = tpu.memref_slice %arg11[%add3A_59, %dma_wait3A_66] : memref<10240x128xf32, #tpu.memory_space<vmem_shared>> -> memref<128x128xf32, #tpu.memory_space<vmem_shared>>
        tpu.wait_dma2 semaphore(%run_scoped3A : memref<!tpu.dma_semaphore, #tpu.memory_space<semaphore_mem>>) src(%arg9 : memref<128x128xf32, #tpu.memory_space<vmem>>) dst(%dma_wait3A_67 : memref<128x128xf32, #tpu.memory_space<vmem_shared>>)
        tpu.yield
      }) : () -> ()
    }
    %scan3A_14 = arith.constant 5 : i32
    %barrier3A = arith.constant 0 : index
    tpu.barrier barrier_id(%barrier3A)
    %mul3A_15 = arith.constant 10240 : i32
    %mul3A_16 = arith.muli %add3A, %mul3A_15 : i32
    %add3A_17 = arith.constant 0 : i32
    %add3A_18 = arith.addi %mul3A_16, %add3A_17 : i32
    "tpu.region"() ({
      %run_scoped3A = tpu.sem_alloc : memref<!tpu.dma_semaphore, #tpu.memory_space<semaphore_mem>>
      %dma_start3A_52 = tpu.memref_slice %arg4[%add3A_18] : memref<327680xi32, #tpu.memory_space<hbm>> -> memref<128xi32, #tpu.memory_space<hbm>>
      %dma_start3A_53 = tpu.memref_slice %arg4[%add3A_18] : memref<327680xi32, #tpu.memory_space<hbm>> -> memref<128xi32, #tpu.memory_space<hbm>>
      tpu.enqueue_dma source(%dma_start3A_53 : memref<128xi32, #tpu.memory_space<hbm>>) target(%arg7 : memref<128xi32, #tpu.memory_space<vmem>>) target_semaphore(%run_scoped3A : memref<!tpu.dma_semaphore, #tpu.memory_space<semaphore_mem>>)
      %dma_wait3A_54 = tpu.memref_slice %arg4[%add3A_18] : memref<327680xi32, #tpu.memory_space<hbm>> -> memref<128xi32, #tpu.memory_space<hbm>>
      %dma_wait3A_55 = tpu.memref_slice %arg4[%add3A_18] : memref<327680xi32, #tpu.memory_space<hbm>> -> memref<128xi32, #tpu.memory_space<hbm>>
      tpu.wait_dma2 semaphore(%run_scoped3A : memref<!tpu.dma_semaphore, #tpu.memory_space<semaphore_mem>>) src(%dma_wait3A_55 : memref<128xi32, #tpu.memory_space<hbm>>) dst(%arg7 : memref<128xi32, #tpu.memory_space<vmem>>)
      tpu.yield
    }) : () -> ()
    %dma_start3A = arith.constant 0 : i32
    %dma_start3A_19 = tpu.memref_slice %arg6[%dma_start3A] : memref<10240xi32, #tpu.memory_space<vmem>> -> memref<128xi32, #tpu.memory_space<vmem>>
    %dma_start3A_20 = arith.constant 0 : i32
    %dma_start3A_21 = arith.constant 0 : i32
    %dma_start3A_22 = tpu.memref_slice %arg2[%dma_start3A_20, %dma_start3A_21] : memref<10000x128xf32, #tpu.memory_space<hbm>> -> memref<10000x128xf32, #tpu.memory_space<hbm>>
    tpu.enqueue_indirect_dma source(%dma_start3A_22 : memref<10000x128xf32, #tpu.memory_space<hbm>>) target(%arg9 : memref<128x128xf32, #tpu.memory_space<vmem>>) offsets(%dma_start3A_19 : memref<128xi32, #tpu.memory_space<vmem>>) semaphore(%arg12 : memref<!tpu.dma_semaphore, #tpu.memory_space<semaphore_mem>>)
    %scan3A_23 = arith.constant 0 : i32
    %scan3A_24 = arith.constant 0 : i32
    %scan3A_25 = arith.constant 39 : i32
    %scan3A_26 = arith.addi %scan3A_24, %scan3A_25 : i32
    %scan3A_27 = arith.constant 1 : i32
    scf.for %scan3A_52 = %scan3A_24 to %scan3A_26 step %scan3A_27  : i32 {
      %mul3A_53 = arith.constant 2 : i32
      %mul3A_54 = arith.muli %mul3A_53, %scan3A_52 : i32
      %add3A_55 = arith.constant 1 : i32
      %add3A_56 = arith.addi %mul3A_54, %add3A_55 : i32
      %mul3A_57 = arith.constant 128 : i32
      %mul3A_58 = arith.muli %add3A_56, %mul3A_57 : i32
      %dma_start3A_59 = tpu.memref_slice %arg6[%mul3A_58] : memref<10240xi32, #tpu.memory_space<vmem>> -> memref<128xi32, #tpu.memory_space<vmem>>
      %dma_start3A_60 = arith.constant 0 : i32
      %dma_start3A_61 = arith.constant 0 : i32
      %dma_start3A_62 = tpu.memref_slice %arg2[%dma_start3A_60, %dma_start3A_61] : memref<10000x128xf32, #tpu.memory_space<hbm>> -> memref<10000x128xf32, #tpu.memory_space<hbm>>
      tpu.enqueue_indirect_dma source(%dma_start3A_62 : memref<10000x128xf32, #tpu.memory_space<hbm>>) target(%arg10 : memref<128x128xf32, #tpu.memory_space<vmem>>) offsets(%dma_start3A_59 : memref<128xi32, #tpu.memory_space<vmem>>) semaphore(%arg13 : memref<!tpu.dma_semaphore, #tpu.memory_space<semaphore_mem>>)
      %add3A_63 = arith.constant 1 : i32
      %add3A_64 = arith.addi %mul3A_54, %add3A_63 : i32
      %mul3A_65 = arith.constant 128 : i32
      %mul3A_66 = arith.muli %add3A_64, %mul3A_65 : i32
      %add3A_67 = arith.addi %mul3A_16, %mul3A_66 : i32
      "tpu.region"() ({
        %run_scoped3A = tpu.sem_alloc : memref<!tpu.dma_semaphore, #tpu.memory_space<semaphore_mem>>
        %dma_start3A_91 = tpu.memref_slice %arg4[%add3A_67] : memref<327680xi32, #tpu.memory_space<hbm>> -> memref<128xi32, #tpu.memory_space<hbm>>
        %dma_start3A_92 = tpu.memref_slice %arg4[%add3A_67] : memref<327680xi32, #tpu.memory_space<hbm>> -> memref<128xi32, #tpu.memory_space<hbm>>
        tpu.enqueue_dma source(%dma_start3A_92 : memref<128xi32, #tpu.memory_space<hbm>>) target(%arg8 : memref<128xi32, #tpu.memory_space<vmem>>) target_semaphore(%run_scoped3A : memref<!tpu.dma_semaphore, #tpu.memory_space<semaphore_mem>>)
        %dma_wait3A_93 = tpu.memref_slice %arg4[%add3A_67] : memref<327680xi32, #tpu.memory_space<hbm>> -> memref<128xi32, #tpu.memory_space<hbm>>
        %dma_wait3A_94 = tpu.memref_slice %arg4[%add3A_67] : memref<327680xi32, #tpu.memory_space<hbm>> -> memref<128xi32, #tpu.memory_space<hbm>>
        tpu.wait_dma2 semaphore(%run_scoped3A : memref<!tpu.dma_semaphore, #tpu.memory_space<semaphore_mem>>) src(%dma_wait3A_94 : memref<128xi32, #tpu.memory_space<hbm>>) dst(%arg8 : memref<128xi32, #tpu.memory_space<vmem>>)
        tpu.yield
      }) : () -> ()
      %dma_wait3A_68 = arith.constant 0 : i32
      %dma_wait3A_69 = tpu.memref_slice %arg6[%dma_wait3A_68] : memref<10240xi32, #tpu.memory_space<vmem>> -> memref<128xi32, #tpu.memory_space<vmem>>
      %dma_wait3A_70 = arith.constant 0 : i32
      %dma_wait3A_71 = arith.constant 0 : i32
      %dma_wait3A_72 = tpu.memref_slice %arg2[%dma_wait3A_70, %dma_wait3A_71] : memref<10000x128xf32, #tpu.memory_space<hbm>> -> memref<10000x128xf32, #tpu.memory_space<hbm>>
      tpu.wait_indirect_dma semaphore(%arg12 : memref<!tpu.dma_semaphore, #tpu.memory_space<semaphore_mem>>) src(%dma_wait3A_72 : memref<10000x128xf32, #tpu.memory_space<hbm>>) dst(%arg9 : memref<128x128xf32, #tpu.memory_space<vmem>>)
      "tpu.region"() ({
        %run_scoped3A = tpu.sem_alloc : memref<!tpu.dma_semaphore, #tpu.memory_space<semaphore_mem>>
        %dma_start3A_91 = arith.constant 0 : i32
        %dma_start3A_92 = arith.constant 0 : i32
        %dma_start3A_93 = tpu.memref_slice %arg11[%dma_start3A_91, %dma_start3A_92] : memref<10240x128xf32, #tpu.memory_space<vmem_shared>> -> memref<10240x128xf32, #tpu.memory_space<vmem_shared>>
        tpu.enqueue_indirect_dma source(%arg9 : memref<128x128xf32, #tpu.memory_space<vmem>>) target(%dma_start3A_93 : memref<10240x128xf32, #tpu.memory_space<vmem_shared>>) offsets(%arg7 : memref<128xi32, #tpu.memory_space<vmem>>) semaphore(%run_scoped3A : memref<!tpu.dma_semaphore, #tpu.memory_space<semaphore_mem>>) {add = true}
        %dma_wait3A_94 = arith.constant 0 : i32
        %dma_wait3A_95 = arith.constant 0 : i32
        %dma_wait3A_96 = tpu.memref_slice %arg11[%dma_wait3A_94, %dma_wait3A_95] : memref<10240x128xf32, #tpu.memory_space<vmem_shared>> -> memref<10240x128xf32, #tpu.memory_space<vmem_shared>>
        tpu.wait_indirect_dma semaphore(%run_scoped3A : memref<!tpu.dma_semaphore, #tpu.memory_space<semaphore_mem>>) src(%arg9 : memref<128x128xf32, #tpu.memory_space<vmem>>) dst(%dma_wait3A_96 : memref<10240x128xf32, #tpu.memory_space<vmem_shared>>)
        tpu.yield
      }) : () -> ()
      %add3A_73 = arith.constant 2 : i32
      %add3A_74 = arith.addi %mul3A_54, %add3A_73 : i32
      %mul3A_75 = arith.constant 128 : i32
      %mul3A_76 = arith.muli %add3A_74, %mul3A_75 : i32
      %dma_start3A_77 = tpu.memref_slice %arg6[%mul3A_76] : memref<10240xi32, #tpu.memory_space<vmem>> -> memref<128xi32, #tpu.memory_space<vmem>>
      %dma_start3A_78 = arith.constant 0 : i32
      %dma_start3A_79 = arith.constant 0 : i32
      %dma_start3A_80 = tpu.memref_slice %arg2[%dma_start3A_78, %dma_start3A_79] : memref<10000x128xf32, #tpu.memory_space<hbm>> -> memref<10000x128xf32, #tpu.memory_space<hbm>>
      tpu.enqueue_indirect_dma source(%dma_start3A_80 : memref<10000x128xf32, #tpu.memory_space<hbm>>) target(%arg9 : memref<128x128xf32, #tpu.memory_space<vmem>>) offsets(%dma_start3A_77 : memref<128xi32, #tpu.memory_space<vmem>>) semaphore(%arg12 : memref<!tpu.dma_semaphore, #tpu.memory_space<semaphore_mem>>)
      %add3A_81 = arith.constant 2 : i32
      %add3A_82 = arith.addi %mul3A_54, %add3A_81 : i32
      %mul3A_83 = arith.constant 128 : i32
      %mul3A_84 = arith.muli %add3A_82, %mul3A_83 : i32
      %add3A_85 = arith.addi %mul3A_16, %mul3A_84 : i32
      "tpu.region"() ({
        %run_scoped3A = tpu.sem_alloc : memref<!tpu.dma_semaphore, #tpu.memory_space<semaphore_mem>>
        %dma_start3A_91 = tpu.memref_slice %arg4[%add3A_85] : memref<327680xi32, #tpu.memory_space<hbm>> -> memref<128xi32, #tpu.memory_space<hbm>>
        %dma_start3A_92 = tpu.memref_slice %arg4[%add3A_85] : memref<327680xi32, #tpu.memory_space<hbm>> -> memref<128xi32, #tpu.memory_space<hbm>>
        tpu.enqueue_dma source(%dma_start3A_92 : memref<128xi32, #tpu.memory_space<hbm>>) target(%arg7 : memref<128xi32, #tpu.memory_space<vmem>>) target_semaphore(%run_scoped3A : memref<!tpu.dma_semaphore, #tpu.memory_space<semaphore_mem>>)
        %dma_wait3A_93 = tpu.memref_slice %arg4[%add3A_85] : memref<327680xi32, #tpu.memory_space<hbm>> -> memref<128xi32, #tpu.memory_space<hbm>>
        %dma_wait3A_94 = tpu.memref_slice %arg4[%add3A_85] : memref<327680xi32, #tpu.memory_space<hbm>> -> memref<128xi32, #tpu.memory_space<hbm>>
        tpu.wait_dma2 semaphore(%run_scoped3A : memref<!tpu.dma_semaphore, #tpu.memory_space<semaphore_mem>>) src(%dma_wait3A_94 : memref<128xi32, #tpu.memory_space<hbm>>) dst(%arg7 : memref<128xi32, #tpu.memory_space<vmem>>)
        tpu.yield
      }) : () -> ()
      %dma_wait3A_86 = arith.constant 0 : i32
      %dma_wait3A_87 = tpu.memref_slice %arg6[%dma_wait3A_86] : memref<10240xi32, #tpu.memory_space<vmem>> -> memref<128xi32, #tpu.memory_space<vmem>>
      %dma_wait3A_88 = arith.constant 0 : i32
      %dma_wait3A_89 = arith.constant 0 : i32
      %dma_wait3A_90 = tpu.memref_slice %arg2[%dma_wait3A_88, %dma_wait3A_89] : memref<10000x128xf32, #tpu.memory_space<hbm>> -> memref<10000x128xf32, #tpu.memory_space<hbm>>
      tpu.wait_indirect_dma semaphore(%arg13 : memref<!tpu.dma_semaphore, #tpu.memory_space<semaphore_mem>>) src(%dma_wait3A_90 : memref<10000x128xf32, #tpu.memory_space<hbm>>) dst(%arg10 : memref<128x128xf32, #tpu.memory_space<vmem>>)
      "tpu.region"() ({
        %run_scoped3A = tpu.sem_alloc : memref<!tpu.dma_semaphore, #tpu.memory_space<semaphore_mem>>
        %dma_start3A_91 = arith.constant 0 : i32
        %dma_start3A_92 = arith.constant 0 : i32
        %dma_start3A_93 = tpu.memref_slice %arg11[%dma_start3A_91, %dma_start3A_92] : memref<10240x128xf32, #tpu.memory_space<vmem_shared>> -> memref<10240x128xf32, #tpu.memory_space<vmem_shared>>
        tpu.enqueue_indirect_dma source(%arg10 : memref<128x128xf32, #tpu.memory_space<vmem>>) target(%dma_start3A_93 : memref<10240x128xf32, #tpu.memory_space<vmem_shared>>) offsets(%arg8 : memref<128xi32, #tpu.memory_space<vmem>>) semaphore(%run_scoped3A : memref<!tpu.dma_semaphore, #tpu.memory_space<semaphore_mem>>) {add = true}
        %dma_wait3A_94 = arith.constant 0 : i32
        %dma_wait3A_95 = arith.constant 0 : i32
        %dma_wait3A_96 = tpu.memref_slice %arg11[%dma_wait3A_94, %dma_wait3A_95] : memref<10240x128xf32, #tpu.memory_space<vmem_shared>> -> memref<10240x128xf32, #tpu.memory_space<vmem_shared>>
        tpu.wait_indirect_dma semaphore(%run_scoped3A : memref<!tpu.dma_semaphore, #tpu.memory_space<semaphore_mem>>) src(%arg10 : memref<128x128xf32, #tpu.memory_space<vmem>>) dst(%dma_wait3A_96 : memref<10240x128xf32, #tpu.memory_space<vmem_shared>>)
        tpu.yield
      }) : () -> ()
    }
    %scan3A_28 = arith.constant 39 : i32
    %dma_start3A_29 = arith.constant 10112 : i32
    %dma_start3A_30 = tpu.memref_slice %arg6[%dma_start3A_29] : memref<10240xi32, #tpu.memory_space<vmem>> -> memref<128xi32, #tpu.memory_space<vmem>>
    %dma_start3A_31 = arith.constant 0 : i32
    %dma_start3A_32 = arith.constant 0 : i32
    %dma_start3A_33 = tpu.memref_slice %arg2[%dma_start3A_31, %dma_start3A_32] : memref<10000x128xf32, #tpu.memory_space<hbm>> -> memref<10000x128xf32, #tpu.memory_space<hbm>>
    tpu.enqueue_indirect_dma source(%dma_start3A_33 : memref<10000x128xf32, #tpu.memory_space<hbm>>) target(%arg10 : memref<128x128xf32, #tpu.memory_space<vmem>>) offsets(%dma_start3A_30 : memref<128xi32, #tpu.memory_space<vmem>>) semaphore(%arg13 : memref<!tpu.dma_semaphore, #tpu.memory_space<semaphore_mem>>)
    %add3A_34 = arith.constant 10112 : i32
    %add3A_35 = arith.addi %mul3A_16, %add3A_34 : i32
    "tpu.region"() ({
      %run_scoped3A = tpu.sem_alloc : memref<!tpu.dma_semaphore, #tpu.memory_space<semaphore_mem>>
      %dma_start3A_52 = tpu.memref_slice %arg4[%add3A_35] : memref<327680xi32, #tpu.memory_space<hbm>> -> memref<128xi32, #tpu.memory_space<hbm>>
      %dma_start3A_53 = tpu.memref_slice %arg4[%add3A_35] : memref<327680xi32, #tpu.memory_space<hbm>> -> memref<128xi32, #tpu.memory_space<hbm>>
      tpu.enqueue_dma source(%dma_start3A_53 : memref<128xi32, #tpu.memory_space<hbm>>) target(%arg8 : memref<128xi32, #tpu.memory_space<vmem>>) target_semaphore(%run_scoped3A : memref<!tpu.dma_semaphore, #tpu.memory_space<semaphore_mem>>)
      %dma_wait3A_54 = tpu.memref_slice %arg4[%add3A_35] : memref<327680xi32, #tpu.memory_space<hbm>> -> memref<128xi32, #tpu.memory_space<hbm>>
      %dma_wait3A_55 = tpu.memref_slice %arg4[%add3A_35] : memref<327680xi32, #tpu.memory_space<hbm>> -> memref<128xi32, #tpu.memory_space<hbm>>
      tpu.wait_dma2 semaphore(%run_scoped3A : memref<!tpu.dma_semaphore, #tpu.memory_space<semaphore_mem>>) src(%dma_wait3A_55 : memref<128xi32, #tpu.memory_space<hbm>>) dst(%arg8 : memref<128xi32, #tpu.memory_space<vmem>>)
      tpu.yield
    }) : () -> ()
    %dma_wait3A = arith.constant 0 : i32
    %dma_wait3A_36 = tpu.memref_slice %arg6[%dma_wait3A] : memref<10240xi32, #tpu.memory_space<vmem>> -> memref<128xi32, #tpu.memory_space<vmem>>
    %dma_wait3A_37 = arith.constant 0 : i32
    %dma_wait3A_38 = arith.constant 0 : i32
    %dma_wait3A_39 = tpu.memref_slice %arg2[%dma_wait3A_37, %dma_wait3A_38] : memref<10000x128xf32, #tpu.memory_space<hbm>> -> memref<10000x128xf32, #tpu.memory_space<hbm>>
    tpu.wait_indirect_dma semaphore(%arg12 : memref<!tpu.dma_semaphore, #tpu.memory_space<semaphore_mem>>) src(%dma_wait3A_39 : memref<10000x128xf32, #tpu.memory_space<hbm>>) dst(%arg9 : memref<128x128xf32, #tpu.memory_space<vmem>>)
    "tpu.region"() ({
      %run_scoped3A = tpu.sem_alloc : memref<!tpu.dma_semaphore, #tpu.memory_space<semaphore_mem>>
      %dma_start3A_52 = arith.constant 0 : i32
      %dma_start3A_53 = arith.constant 0 : i32
      %dma_start3A_54 = tpu.memref_slice %arg11[%dma_start3A_52, %dma_start3A_53] : memref<10240x128xf32, #tpu.memory_space<vmem_shared>> -> memref<10240x128xf32, #tpu.memory_space<vmem_shared>>
      tpu.enqueue_indirect_dma source(%arg9 : memref<128x128xf32, #tpu.memory_space<vmem>>) target(%dma_start3A_54 : memref<10240x128xf32, #tpu.memory_space<vmem_shared>>) offsets(%arg7 : memref<128xi32, #tpu.memory_space<vmem>>) semaphore(%run_scoped3A : memref<!tpu.dma_semaphore, #tpu.memory_space<semaphore_mem>>) {add = true}
      %dma_wait3A_55 = arith.constant 0 : i32
      %dma_wait3A_56 = arith.constant 0 : i32
      %dma_wait3A_57 = tpu.memref_slice %arg11[%dma_wait3A_55, %dma_wait3A_56] : memref<10240x128xf32, #tpu.memory_space<vmem_shared>> -> memref<10240x128xf32, #tpu.memory_space<vmem_shared>>
      tpu.wait_indirect_dma semaphore(%run_scoped3A : memref<!tpu.dma_semaphore, #tpu.memory_space<semaphore_mem>>) src(%arg9 : memref<128x128xf32, #tpu.memory_space<vmem>>) dst(%dma_wait3A_57 : memref<10240x128xf32, #tpu.memory_space<vmem_shared>>)
      tpu.yield
    }) : () -> ()
    %dma_wait3A_40 = arith.constant 0 : i32
    %dma_wait3A_41 = tpu.memref_slice %arg6[%dma_wait3A_40] : memref<10240xi32, #tpu.memory_space<vmem>> -> memref<128xi32, #tpu.memory_space<vmem>>
    %dma_wait3A_42 = arith.constant 0 : i32
    %dma_wait3A_43 = arith.constant 0 : i32
    %dma_wait3A_44 = tpu.memref_slice %arg2[%dma_wait3A_42, %dma_wait3A_43] : memref<10000x128xf32, #tpu.memory_space<hbm>> -> memref<10000x128xf32, #tpu.memory_space<hbm>>
    tpu.wait_indirect_dma semaphore(%arg13 : memref<!tpu.dma_semaphore, #tpu.memory_space<semaphore_mem>>) src(%dma_wait3A_44 : memref<10000x128xf32, #tpu.memory_space<hbm>>) dst(%arg10 : memref<128x128xf32, #tpu.memory_space<vmem>>)
    "tpu.region"() ({
      %run_scoped3A = tpu.sem_alloc : memref<!tpu.dma_semaphore, #tpu.memory_space<semaphore_mem>>
      %dma_start3A_52 = arith.constant 0 : i32
      %dma_start3A_53 = arith.constant 0 : i32
      %dma_start3A_54 = tpu.memref_slice %arg11[%dma_start3A_52, %dma_start3A_53] : memref<10240x128xf32, #tpu.memory_space<vmem_shared>> -> memref<10240x128xf32, #tpu.memory_space<vmem_shared>>
      tpu.enqueue_indirect_dma source(%arg10 : memref<128x128xf32, #tpu.memory_space<vmem>>) target(%dma_start3A_54 : memref<10240x128xf32, #tpu.memory_space<vmem_shared>>) offsets(%arg8 : memref<128xi32, #tpu.memory_space<vmem>>) semaphore(%run_scoped3A : memref<!tpu.dma_semaphore, #tpu.memory_space<semaphore_mem>>) {add = true}
      %dma_wait3A_55 = arith.constant 0 : i32
      %dma_wait3A_56 = arith.constant 0 : i32
      %dma_wait3A_57 = tpu.memref_slice %arg11[%dma_wait3A_55, %dma_wait3A_56] : memref<10240x128xf32, #tpu.memory_space<vmem_shared>> -> memref<10240x128xf32, #tpu.memory_space<vmem_shared>>
      tpu.wait_indirect_dma semaphore(%run_scoped3A : memref<!tpu.dma_semaphore, #tpu.memory_space<semaphore_mem>>) src(%arg10 : memref<128x128xf32, #tpu.memory_space<vmem>>) dst(%dma_wait3A_57 : memref<10240x128xf32, #tpu.memory_space<vmem_shared>>)
      tpu.yield
    }) : () -> ()
    %barrier3A_45 = arith.constant 0 : index
    tpu.barrier barrier_id(%barrier3A_45)
    %scan3A_46 = arith.constant 0 : i32
    %scan3A_47 = arith.constant 0 : i32
    %scan3A_48 = arith.constant 5 : i32
    %scan3A_49 = arith.addi %scan3A_47, %scan3A_48 : i32
    %scan3A_50 = arith.constant 1 : i32
    scf.for %scan3A_52 = %scan3A_47 to %scan3A_49 step %scan3A_50  : i32 {
      %mul3A_53 = arith.constant 320 : i32
      %mul3A_54 = arith.muli %arg1, %mul3A_53 : i32
      %mul3A_55 = arith.constant 2 : i32
      %mul3A_56 = arith.muli %mul3A_54, %mul3A_55 : i32
      %mul3A_57 = arith.constant 128 : i32
      %mul3A_58 = arith.muli %scan3A_52, %mul3A_57 : i32
      %add3A_59 = arith.addi %mul3A_56, %mul3A_58 : i32
      "tpu.region"() ({
        %run_scoped3A = tpu.sem_alloc : memref<!tpu.dma_semaphore, #tpu.memory_space<semaphore_mem>>
        %dma_start3A_60 = arith.constant 0 : i32
        %dma_start3A_61 = tpu.memref_slice %arg11[%add3A_59, %dma_start3A_60] : memref<10240x128xf32, #tpu.memory_space<vmem_shared>> -> memref<128x128xf32, #tpu.memory_space<vmem_shared>>
        %dma_start3A_62 = arith.constant 0 : i32
        %dma_start3A_63 = tpu.memref_slice %arg11[%add3A_59, %dma_start3A_62] : memref<10240x128xf32, #tpu.memory_space<vmem_shared>> -> memref<128x128xf32, #tpu.memory_space<vmem_shared>>
        tpu.enqueue_dma source(%dma_start3A_63 : memref<128x128xf32, #tpu.memory_space<vmem_shared>>) target(%arg9 : memref<128x128xf32, #tpu.memory_space<vmem>>) target_semaphore(%run_scoped3A : memref<!tpu.dma_semaphore, #tpu.memory_space<semaphore_mem>>)
        %dma_wait3A_64 = arith.constant 0 : i32
        %dma_wait3A_65 = tpu.memref_slice %arg11[%add3A_59, %dma_wait3A_64] : memref<10240x128xf32, #tpu.memory_space<vmem_shared>> -> memref<128x128xf32, #tpu.memory_space<vmem_shared>>
        %dma_wait3A_66 = arith.constant 0 : i32
        %dma_wait3A_67 = tpu.memref_slice %arg11[%add3A_59, %dma_wait3A_66] : memref<10240x128xf32, #tpu.memory_space<vmem_shared>> -> memref<128x128xf32, #tpu.memory_space<vmem_shared>>
        tpu.wait_dma2 semaphore(%run_scoped3A : memref<!tpu.dma_semaphore, #tpu.memory_space<semaphore_mem>>) src(%dma_wait3A_67 : memref<128x128xf32, #tpu.memory_space<vmem_shared>>) dst(%arg9 : memref<128x128xf32, #tpu.memory_space<vmem>>)
        tpu.yield
      }) : () -> ()
      "tpu.region"() ({
        %run_scoped3A = tpu.sem_alloc : memref<!tpu.dma_semaphore, #tpu.memory_space<semaphore_mem>>
        %dma_start3A_60 = arith.constant 0 : i32
        %dma_start3A_61 = tpu.memref_slice %arg5[%arg0, %add3A_59, %dma_start3A_60] : memref<2x10240x128xf32, #tpu.memory_space<hbm>> -> memref<1x128x128xf32, #tpu.memory_space<hbm>>
        %dma_start3A_62 = tpu.memref_squeeze %dma_start3A_61 : memref<1x128x128xf32, #tpu.memory_space<hbm>> -> memref<128x128xf32, #tpu.memory_space<hbm>>
        %dma_start3A_63 = arith.constant 0 : i32
        %dma_start3A_64 = tpu.memref_slice %arg5[%arg0, %add3A_59, %dma_start3A_63] : memref<2x10240x128xf32, #tpu.memory_space<hbm>> -> memref<1x128x128xf32, #tpu.memory_space<hbm>>
        %dma_start3A_65 = tpu.memref_squeeze %dma_start3A_64 : memref<1x128x128xf32, #tpu.memory_space<hbm>> -> memref<128x128xf32, #tpu.memory_space<hbm>>
        tpu.enqueue_dma source(%arg9 : memref<128x128xf32, #tpu.memory_space<vmem>>) target(%dma_start3A_65 : memref<128x128xf32, #tpu.memory_space<hbm>>) target_semaphore(%run_scoped3A : memref<!tpu.dma_semaphore, #tpu.memory_space<semaphore_mem>>)
        %dma_wait3A_66 = arith.constant 0 : i32
        %dma_wait3A_67 = tpu.memref_slice %arg5[%arg0, %add3A_59, %dma_wait3A_66] : memref<2x10240x128xf32, #tpu.memory_space<hbm>> -> memref<1x128x128xf32, #tpu.memory_space<hbm>>
        %dma_wait3A_68 = tpu.memref_squeeze %dma_wait3A_67 : memref<1x128x128xf32, #tpu.memory_space<hbm>> -> memref<128x128xf32, #tpu.memory_space<hbm>>
        %dma_wait3A_69 = arith.constant 0 : i32
        %dma_wait3A_70 = tpu.memref_slice %arg5[%arg0, %add3A_59, %dma_wait3A_69] : memref<2x10240x128xf32, #tpu.memory_space<hbm>> -> memref<1x128x128xf32, #tpu.memory_space<hbm>>
        %dma_wait3A_71 = tpu.memref_squeeze %dma_wait3A_70 : memref<1x128x128xf32, #tpu.memory_space<hbm>> -> memref<128x128xf32, #tpu.memory_space<hbm>>
        tpu.wait_dma2 semaphore(%run_scoped3A : memref<!tpu.dma_semaphore, #tpu.memory_space<semaphore_mem>>) src(%arg9 : memref<128x128xf32, #tpu.memory_space<vmem>>) dst(%dma_wait3A_71 : memref<128x128xf32, #tpu.memory_space<hbm>>)
        tpu.yield
      }) : () -> ()
    }
    %scan3A_51 = arith.constant 5 : i32
    return
  }
}

#map = affine_map<(d0, d1) -> (0, 0)>
#map1 = affine_map<(d0, d1) -> (0)>
#map2 = affine_map<(d0, d1) -> (0, 0, 0)>
module attributes {stable_mosaic.version = 14 : i64} {
  func.func @_sc_segsum_body(%arg0: i32, %arg1: i32, %arg2: memref<10000x128xf32, #tpu.memory_space<hbm>>, %arg3: memref<327680xi32, #tpu.memory_space<hbm>>, %arg4: memref<327680xi32, #tpu.memory_space<hbm>>, %arg5: memref<2x10240x128xf32, #tpu.memory_space<hbm>>, %arg6: memref<10240xi32, #tpu.memory_space<vmem>>, %arg7: memref<128xi32, #tpu.memory_space<vmem>>, %arg8: memref<128xi32, #tpu.memory_space<vmem>>, %arg9: memref<128x128xf32, #tpu.memory_space<vmem>>, %arg10: memref<128x128xf32, #tpu.memory_space<vmem>>, %arg11: memref<10240x128xf32, #tpu.memory_space<vmem_shared>>, %arg12: memref<!tpu.dma_semaphore, #tpu.memory_space<semaphore_mem>>, %arg13: memref<!tpu.dma_semaphore, #tpu.memory_space<semaphore_mem>>) attributes {dimension_semantics = [#tpu.dimension_semantics<core_parallel>, #tpu.dimension_semantics<subcore_parallel>], iteration_bounds = array<i64: 2, 16>, scalar_prefetch = 0 : i64, scratch_operands = 8 : i64, tpu.core_type = #tpu.core_type<sc_vector_subcore>, window_params = [{transform_indices = #map}, {transform_indices = #map1}, {transform_indices = #map1}, {transform_indices = #map2}]} {
    %mul3A = arith.constant 16 : i32
    %mul3A_0 = arith.muli %arg0, %mul3A : i32
    %add3A = arith.addi %mul3A_0, %arg1 : i32
    %mul3A_1 = arith.constant 10240 : i32
    %mul3A_2 = arith.muli %add3A, %mul3A_1 : i32
    "tpu.region"() ({
      %run_scoped3A = tpu.sem_alloc : memref<!tpu.dma_semaphore, #tpu.memory_space<semaphore_mem>>
      %dma_start3A_52 = tpu.memref_slice %arg3[%mul3A_2] : memref<327680xi32, #tpu.memory_space<hbm>> -> memref<10240xi32, #tpu.memory_space<hbm>>
      %dma_start3A_53 = tpu.memref_slice %arg3[%mul3A_2] : memref<327680xi32, #tpu.memory_space<hbm>> -> memref<10240xi32, #tpu.memory_space<hbm>>
      tpu.enqueue_dma source(%dma_start3A_53 : memref<10240xi32, #tpu.memory_space<hbm>>) target(%arg6 : memref<10240xi32, #tpu.memory_space<vmem>>) target_semaphore(%run_scoped3A : memref<!tpu.dma_semaphore, #tpu.memory_space<semaphore_mem>>)
      %dma_wait3A_54 = tpu.memref_slice %arg3[%mul3A_2] : memref<327680xi32, #tpu.memory_space<hbm>> -> memref<10240xi32, #tpu.memory_space<hbm>>
      %dma_wait3A_55 = tpu.memref_slice %arg3[%mul3A_2] : memref<327680xi32, #tpu.memory_space<hbm>> -> memref<10240xi32, #tpu.memory_space<hbm>>
      tpu.wait_dma2 semaphore(%run_scoped3A : memref<!tpu.dma_semaphore, #tpu.memory_space<semaphore_mem>>) src(%dma_wait3A_55 : memref<10240xi32, #tpu.memory_space<hbm>>) dst(%arg6 : memref<10240xi32, #tpu.memory_space<vmem>>)
      tpu.yield
    }) : () -> ()
    %broadcast_in_dim3A = arith.constant 0.000000e+00 : f32
    %broadcast_in_dim3A_3 = vector.broadcast %broadcast_in_dim3A : f32 to vector<16xf32>
    %scan3A = arith.constant 0 : i32
    %scan3A_4 = arith.constant 0 : i32
    %scan3A_5 = arith.constant 1024 : i32
    %scan3A_6 = arith.addi %scan3A_4, %scan3A_5 : i32
    %scan3A_7 = arith.constant 1 : i32
    scf.for %scan3A_52 = %scan3A_4 to %scan3A_6 step %scan3A_7  : i32 {
      %jit3A = arith.constant 8 : i32
      %div3A = arith.divsi %scan3A_52, %jit3A : i32
      %sign3A = arith.constant 0 : i32
      %sign3A_53 = arith.cmpi sgt, %scan3A_52, %sign3A : i32
      %sign3A_54 = arith.extui %sign3A_53 : i1 to i32
      %sign3A_55 = arith.constant 0 : i32
      %sign3A_56 = arith.cmpi slt, %scan3A_52, %sign3A_55 : i32
      %sign3A_57 = arith.extui %sign3A_56 : i1 to i32
      %sign3A_58 = arith.subi %sign3A_54, %sign3A_57 : i32
      %sign3A_59 = arith.constant 0 : i32
      %sign3A_60 = arith.cmpi sgt, %jit3A, %sign3A_59 : i32
      %sign3A_61 = arith.extui %sign3A_60 : i1 to i32
      %sign3A_62 = arith.constant 0 : i32
      %sign3A_63 = arith.cmpi slt, %jit3A, %sign3A_62 : i32
      %sign3A_64 = arith.extui %sign3A_63 : i1 to i32
      %sign3A_65 = arith.subi %sign3A_61, %sign3A_64 : i32
      %ne3A = arith.cmpi ne, %sign3A_58, %sign3A_65 : i32
      %rem3A = arith.remsi %scan3A_52, %jit3A : i32
      %ne3A_66 = arith.constant 0 : i32
      %ne3A_67 = arith.cmpi ne, %rem3A, %ne3A_66 : i32
      %and3A = arith.andi %ne3A, %ne3A_67 : i1
      %sub3A = arith.constant 1 : i32
      %sub3A_68 = arith.subi %div3A, %sub3A : i32
      %select_n3A = arith.select %and3A, %sub3A_68, %div3A : i32
      %jit3A_69 = arith.constant 8 : i32
      %eq3A = arith.constant 0 : i32
      %eq3A_70 = arith.cmpi eq, %jit3A_69, %eq3A : i32
      %jit3A_71 = arith.constant 1 : i32
      %select_n3A_72 = arith.select %eq3A_70, %jit3A_71, %jit3A_69 : i32
      %rem3A_73 = arith.remsi %scan3A_52, %select_n3A_72 : i32
      %ne3A_74 = arith.constant 0 : i32
      %ne3A_75 = arith.cmpi ne, %rem3A_73, %ne3A_74 : i32
      %lt3A = arith.constant 0 : i32
      %lt3A_76 = arith.cmpi slt, %rem3A_73, %lt3A : i32
      %lt3A_77 = arith.constant 0 : i32
      %lt3A_78 = arith.cmpi slt, %select_n3A_72, %lt3A_77 : i32
      %ne3A_79 = arith.xori %lt3A_76, %lt3A_78 : i1
      %and3A_80 = arith.andi %ne3A_79, %ne3A_75 : i1
      %add3A_81 = arith.addi %rem3A_73, %select_n3A_72 : i32
      %select_n3A_82 = arith.select %and3A_80, %add3A_81, %rem3A_73 : i32
      %mul3A_83 = arith.constant 16 : i32
      %mul3A_84 = arith.muli %select_n3A_82, %mul3A_83 : i32
      %swap3A = arith.index_cast %select_n3A : i32 to index
      %swap3A_85 = arith.index_cast %mul3A_84 : i32 to index
      %swap3A_86 = tpu.vector_load %arg9[%swap3A, %swap3A_85] {strides = array<i32>} : memref<128x128xf32, #tpu.memory_space<vmem>>, vector<1x16xf32>,
      %swap3A_87 = vector.shape_cast %swap3A_86 : vector<1x16xf32> to vector<16xf32>
      %swap3A_88 = vector.shape_cast %broadcast_in_dim3A_3 : vector<16xf32> to vector<1x16xf32>
      tpu.vector_store %arg9[%swap3A, %swap3A_85], %swap3A_88 {strides = array<i32>} : memref<128x128xf32, #tpu.memory_space<vmem>>, vector<1x16xf32>,
    }
    %scan3A_8 = arith.constant 1024 : i32
    %scan3A_9 = arith.constant 0 : i32
    %scan3A_10 = arith.constant 0 : i32
    %scan3A_11 = arith.constant 5 : i32
    %scan3A_12 = arith.addi %scan3A_10, %scan3A_11 : i32
    %scan3A_13 = arith.constant 1 : i32
    scf.for %scan3A_52 = %scan3A_10 to %scan3A_12 step %scan3A_13  : i32 {
      %mul3A_53 = arith.constant 320 : i32
      %mul3A_54 = arith.muli %arg1, %mul3A_53 : i32
      %mul3A_55 = arith.constant 2 : i32
      %mul3A_56 = arith.muli %mul3A_54, %mul3A_55 : i32
      %mul3A_57 = arith.constant 128 : i32
      %mul3A_58 = arith.muli %scan3A_52, %mul3A_57 : i32
      %add3A_59 = arith.addi %mul3A_56, %mul3A_58 : i32
      "tpu.region"() ({
        %run_scoped3A = tpu.sem_alloc : memref<!tpu.dma_semaphore, #tpu.memory_space<semaphore_mem>>
        %dma_start3A_60 = arith.constant 0 : i32
        %dma_start3A_61 = tpu.memref_slice %arg11[%add3A_59, %dma_start3A_60] : memref<10240x128xf32, #tpu.memory_space<vmem_shared>> -> memref<128x128xf32, #tpu.memory_space<vmem_shared>>
        %dma_start3A_62 = arith.constant 0 : i32
        %dma_start3A_63 = tpu.memref_slice %arg11[%add3A_59, %dma_start3A_62] : memref<10240x128xf32, #tpu.memory_space<vmem_shared>> -> memref<128x128xf32, #tpu.memory_space<vmem_shared>>
        tpu.enqueue_dma source(%arg9 : memref<128x128xf32, #tpu.memory_space<vmem>>) target(%dma_start3A_63 : memref<128x128xf32, #tpu.memory_space<vmem_shared>>) target_semaphore(%run_scoped3A : memref<!tpu.dma_semaphore, #tpu.memory_space<semaphore_mem>>)
        %dma_wait3A_64 = arith.constant 0 : i32
        %dma_wait3A_65 = tpu.memref_slice %arg11[%add3A_59, %dma_wait3A_64] : memref<10240x128xf32, #tpu.memory_space<vmem_shared>> -> memref<128x128xf32, #tpu.memory_space<vmem_shared>>
        %dma_wait3A_66 = arith.constant 0 : i32
        %dma_wait3A_67 = tpu.memref_slice %arg11[%add3A_59, %dma_wait3A_66] : memref<10240x128xf32, #tpu.memory_space<vmem_shared>> -> memref<128x128xf32, #tpu.memory_space<vmem_shared>>
        tpu.wait_dma2 semaphore(%run_scoped3A : memref<!tpu.dma_semaphore, #tpu.memory_space<semaphore_mem>>) src(%arg9 : memref<128x128xf32, #tpu.memory_space<vmem>>) dst(%dma_wait3A_67 : memref<128x128xf32, #tpu.memory_space<vmem_shared>>)
        tpu.yield
      }) : () -> ()
    }
    %scan3A_14 = arith.constant 5 : i32
    %barrier3A = arith.constant 0 : index
    tpu.barrier barrier_id(%barrier3A)
    %mul3A_15 = arith.constant 10240 : i32
    %mul3A_16 = arith.muli %add3A, %mul3A_15 : i32
    %add3A_17 = arith.constant 0 : i32
    %add3A_18 = arith.addi %mul3A_16, %add3A_17 : i32
    "tpu.region"() ({
      %run_scoped3A = tpu.sem_alloc : memref<!tpu.dma_semaphore, #tpu.memory_space<semaphore_mem>>
      %dma_start3A_52 = tpu.memref_slice %arg4[%add3A_18] : memref<327680xi32, #tpu.memory_space<hbm>> -> memref<128xi32, #tpu.memory_space<hbm>>
      %dma_start3A_53 = tpu.memref_slice %arg4[%add3A_18] : memref<327680xi32, #tpu.memory_space<hbm>> -> memref<128xi32, #tpu.memory_space<hbm>>
      tpu.enqueue_dma source(%dma_start3A_53 : memref<128xi32, #tpu.memory_space<hbm>>) target(%arg7 : memref<128xi32, #tpu.memory_space<vmem>>) target_semaphore(%run_scoped3A : memref<!tpu.dma_semaphore, #tpu.memory_space<semaphore_mem>>)
      %dma_wait3A_54 = tpu.memref_slice %arg4[%add3A_18] : memref<327680xi32, #tpu.memory_space<hbm>> -> memref<128xi32, #tpu.memory_space<hbm>>
      %dma_wait3A_55 = tpu.memref_slice %arg4[%add3A_18] : memref<327680xi32, #tpu.memory_space<hbm>> -> memref<128xi32, #tpu.memory_space<hbm>>
      tpu.wait_dma2 semaphore(%run_scoped3A : memref<!tpu.dma_semaphore, #tpu.memory_space<semaphore_mem>>) src(%dma_wait3A_55 : memref<128xi32, #tpu.memory_space<hbm>>) dst(%arg7 : memref<128xi32, #tpu.memory_space<vmem>>)
      tpu.yield
    }) : () -> ()
    %dma_start3A = arith.constant 0 : i32
    %dma_start3A_19 = tpu.memref_slice %arg6[%dma_start3A] : memref<10240xi32, #tpu.memory_space<vmem>> -> memref<128xi32, #tpu.memory_space<vmem>>
    %dma_start3A_20 = arith.constant 0 : i32
    %dma_start3A_21 = arith.constant 0 : i32
    %dma_start3A_22 = tpu.memref_slice %arg2[%dma_start3A_20, %dma_start3A_21] : memref<10000x128xf32, #tpu.memory_space<hbm>> -> memref<10000x128xf32, #tpu.memory_space<hbm>>
    tpu.enqueue_indirect_dma source(%dma_start3A_22 : memref<10000x128xf32, #tpu.memory_space<hbm>>) target(%arg9 : memref<128x128xf32, #tpu.memory_space<vmem>>) offsets(%dma_start3A_19 : memref<128xi32, #tpu.memory_space<vmem>>) semaphore(%arg12 : memref<!tpu.dma_semaphore, #tpu.memory_space<semaphore_mem>>)
    %scan3A_23 = arith.constant 0 : i32
    %scan3A_24 = arith.constant 0 : i32
    %scan3A_25 = arith.constant 39 : i32
    %scan3A_26 = arith.addi %scan3A_24, %scan3A_25 : i32
    %scan3A_27 = arith.constant 1 : i32
    scf.for %scan3A_52 = %scan3A_24 to %scan3A_26 step %scan3A_27  : i32 {
      %mul3A_53 = arith.constant 2 : i32
      %mul3A_54 = arith.muli %mul3A_53, %scan3A_52 : i32
      %add3A_55 = arith.constant 1 : i32
      %add3A_56 = arith.addi %mul3A_54, %add3A_55 : i32
      %mul3A_57 = arith.constant 128 : i32
      %mul3A_58 = arith.muli %add3A_56, %mul3A_57 : i32
      %dma_start3A_59 = tpu.memref_slice %arg6[%mul3A_58] : memref<10240xi32, #tpu.memory_space<vmem>> -> memref<128xi32, #tpu.memory_space<vmem>>
      %dma_start3A_60 = arith.constant 0 : i32
      %dma_start3A_61 = arith.constant 0 : i32
      %dma_start3A_62 = tpu.memref_slice %arg2[%dma_start3A_60, %dma_start3A_61] : memref<10000x128xf32, #tpu.memory_space<hbm>> -> memref<10000x128xf32, #tpu.memory_space<hbm>>
      tpu.enqueue_indirect_dma source(%dma_start3A_62 : memref<10000x128xf32, #tpu.memory_space<hbm>>) target(%arg10 : memref<128x128xf32, #tpu.memory_space<vmem>>) offsets(%dma_start3A_59 : memref<128xi32, #tpu.memory_space<vmem>>) semaphore(%arg13 : memref<!tpu.dma_semaphore, #tpu.memory_space<semaphore_mem>>)
      %add3A_63 = arith.constant 1 : i32
      %add3A_64 = arith.addi %mul3A_54, %add3A_63 : i32
      %mul3A_65 = arith.constant 128 : i32
      %mul3A_66 = arith.muli %add3A_64, %mul3A_65 : i32
      %add3A_67 = arith.addi %mul3A_16, %mul3A_66 : i32
      "tpu.region"() ({
        %run_scoped3A = tpu.sem_alloc : memref<!tpu.dma_semaphore, #tpu.memory_space<semaphore_mem>>
        %dma_start3A_91 = tpu.memref_slice %arg4[%add3A_67] : memref<327680xi32, #tpu.memory_space<hbm>> -> memref<128xi32, #tpu.memory_space<hbm>>
        %dma_start3A_92 = tpu.memref_slice %arg4[%add3A_67] : memref<327680xi32, #tpu.memory_space<hbm>> -> memref<128xi32, #tpu.memory_space<hbm>>
        tpu.enqueue_dma source(%dma_start3A_92 : memref<128xi32, #tpu.memory_space<hbm>>) target(%arg8 : memref<128xi32, #tpu.memory_space<vmem>>) target_semaphore(%run_scoped3A : memref<!tpu.dma_semaphore, #tpu.memory_space<semaphore_mem>>)
        %dma_wait3A_93 = tpu.memref_slice %arg4[%add3A_67] : memref<327680xi32, #tpu.memory_space<hbm>> -> memref<128xi32, #tpu.memory_space<hbm>>
        %dma_wait3A_94 = tpu.memref_slice %arg4[%add3A_67] : memref<327680xi32, #tpu.memory_space<hbm>> -> memref<128xi32, #tpu.memory_space<hbm>>
        tpu.wait_dma2 semaphore(%run_scoped3A : memref<!tpu.dma_semaphore, #tpu.memory_space<semaphore_mem>>) src(%dma_wait3A_94 : memref<128xi32, #tpu.memory_space<hbm>>) dst(%arg8 : memref<128xi32, #tpu.memory_space<vmem>>)
        tpu.yield
      }) : () -> ()
      %dma_wait3A_68 = arith.constant 0 : i32
      %dma_wait3A_69 = tpu.memref_slice %arg6[%dma_wait3A_68] : memref<10240xi32, #tpu.memory_space<vmem>> -> memref<128xi32, #tpu.memory_space<vmem>>
      %dma_wait3A_70 = arith.constant 0 : i32
      %dma_wait3A_71 = arith.constant 0 : i32
      %dma_wait3A_72 = tpu.memref_slice %arg2[%dma_wait3A_70, %dma_wait3A_71] : memref<10000x128xf32, #tpu.memory_space<hbm>> -> memref<10000x128xf32, #tpu.memory_space<hbm>>
      tpu.wait_indirect_dma semaphore(%arg12 : memref<!tpu.dma_semaphore, #tpu.memory_space<semaphore_mem>>) src(%dma_wait3A_72 : memref<10000x128xf32, #tpu.memory_space<hbm>>) dst(%arg9 : memref<128x128xf32, #tpu.memory_space<vmem>>)
      "tpu.region"() ({
        %run_scoped3A = tpu.sem_alloc : memref<!tpu.dma_semaphore, #tpu.memory_space<semaphore_mem>>
        %dma_start3A_91 = arith.constant 0 : i32
        %dma_start3A_92 = arith.constant 0 : i32
        %dma_start3A_93 = tpu.memref_slice %arg11[%dma_start3A_91, %dma_start3A_92] : memref<10240x128xf32, #tpu.memory_space<vmem_shared>> -> memref<10240x128xf32, #tpu.memory_space<vmem_shared>>
        tpu.enqueue_indirect_dma source(%arg9 : memref<128x128xf32, #tpu.memory_space<vmem>>) target(%dma_start3A_93 : memref<10240x128xf32, #tpu.memory_space<vmem_shared>>) offsets(%arg7 : memref<128xi32, #tpu.memory_space<vmem>>) semaphore(%run_scoped3A : memref<!tpu.dma_semaphore, #tpu.memory_space<semaphore_mem>>) {add = true}
        %dma_wait3A_94 = arith.constant 0 : i32
        %dma_wait3A_95 = arith.constant 0 : i32
        %dma_wait3A_96 = tpu.memref_slice %arg11[%dma_wait3A_94, %dma_wait3A_95] : memref<10240x128xf32, #tpu.memory_space<vmem_shared>> -> memref<10240x128xf32, #tpu.memory_space<vmem_shared>>
        tpu.wait_indirect_dma semaphore(%run_scoped3A : memref<!tpu.dma_semaphore, #tpu.memory_space<semaphore_mem>>) src(%arg9 : memref<128x128xf32, #tpu.memory_space<vmem>>) dst(%dma_wait3A_96 : memref<10240x128xf32, #tpu.memory_space<vmem_shared>>)
        tpu.yield
      }) : () -> ()
      %add3A_73 = arith.constant 2 : i32
      %add3A_74 = arith.addi %mul3A_54, %add3A_73 : i32
      %mul3A_75 = arith.constant 128 : i32
      %mul3A_76 = arith.muli %add3A_74, %mul3A_75 : i32
      %dma_start3A_77 = tpu.memref_slice %arg6[%mul3A_76] : memref<10240xi32, #tpu.memory_space<vmem>> -> memref<128xi32, #tpu.memory_space<vmem>>
      %dma_start3A_78 = arith.constant 0 : i32
      %dma_start3A_79 = arith.constant 0 : i32
      %dma_start3A_80 = tpu.memref_slice %arg2[%dma_start3A_78, %dma_start3A_79] : memref<10000x128xf32, #tpu.memory_space<hbm>> -> memref<10000x128xf32, #tpu.memory_space<hbm>>
      tpu.enqueue_indirect_dma source(%dma_start3A_80 : memref<10000x128xf32, #tpu.memory_space<hbm>>) target(%arg9 : memref<128x128xf32, #tpu.memory_space<vmem>>) offsets(%dma_start3A_77 : memref<128xi32, #tpu.memory_space<vmem>>) semaphore(%arg12 : memref<!tpu.dma_semaphore, #tpu.memory_space<semaphore_mem>>)
      %add3A_81 = arith.constant 2 : i32
      %add3A_82 = arith.addi %mul3A_54, %add3A_81 : i32
      %mul3A_83 = arith.constant 128 : i32
      %mul3A_84 = arith.muli %add3A_82, %mul3A_83 : i32
      %add3A_85 = arith.addi %mul3A_16, %mul3A_84 : i32
      "tpu.region"() ({
        %run_scoped3A = tpu.sem_alloc : memref<!tpu.dma_semaphore, #tpu.memory_space<semaphore_mem>>
        %dma_start3A_91 = tpu.memref_slice %arg4[%add3A_85] : memref<327680xi32, #tpu.memory_space<hbm>> -> memref<128xi32, #tpu.memory_space<hbm>>
        %dma_start3A_92 = tpu.memref_slice %arg4[%add3A_85] : memref<327680xi32, #tpu.memory_space<hbm>> -> memref<128xi32, #tpu.memory_space<hbm>>
        tpu.enqueue_dma source(%dma_start3A_92 : memref<128xi32, #tpu.memory_space<hbm>>) target(%arg7 : memref<128xi32, #tpu.memory_space<vmem>>) target_semaphore(%run_scoped3A : memref<!tpu.dma_semaphore, #tpu.memory_space<semaphore_mem>>)
        %dma_wait3A_93 = tpu.memref_slice %arg4[%add3A_85] : memref<327680xi32, #tpu.memory_space<hbm>> -> memref<128xi32, #tpu.memory_space<hbm>>
        %dma_wait3A_94 = tpu.memref_slice %arg4[%add3A_85] : memref<327680xi32, #tpu.memory_space<hbm>> -> memref<128xi32, #tpu.memory_space<hbm>>
        tpu.wait_dma2 semaphore(%run_scoped3A : memref<!tpu.dma_semaphore, #tpu.memory_space<semaphore_mem>>) src(%dma_wait3A_94 : memref<128xi32, #tpu.memory_space<hbm>>) dst(%arg7 : memref<128xi32, #tpu.memory_space<vmem>>)
        tpu.yield
      }) : () -> ()
      %dma_wait3A_86 = arith.constant 0 : i32
      %dma_wait3A_87 = tpu.memref_slice %arg6[%dma_wait3A_86] : memref<10240xi32, #tpu.memory_space<vmem>> -> memref<128xi32, #tpu.memory_space<vmem>>
      %dma_wait3A_88 = arith.constant 0 : i32
      %dma_wait3A_89 = arith.constant 0 : i32
      %dma_wait3A_90 = tpu.memref_slice %arg2[%dma_wait3A_88, %dma_wait3A_89] : memref<10000x128xf32, #tpu.memory_space<hbm>> -> memref<10000x128xf32, #tpu.memory_space<hbm>>
      tpu.wait_indirect_dma semaphore(%arg13 : memref<!tpu.dma_semaphore, #tpu.memory_space<semaphore_mem>>) src(%dma_wait3A_90 : memref<10000x128xf32, #tpu.memory_space<hbm>>) dst(%arg10 : memref<128x128xf32, #tpu.memory_space<vmem>>)
      "tpu.region"() ({
        %run_scoped3A = tpu.sem_alloc : memref<!tpu.dma_semaphore, #tpu.memory_space<semaphore_mem>>
        %dma_start3A_91 = arith.constant 0 : i32
        %dma_start3A_92 = arith.constant 0 : i32
        %dma_start3A_93 = tpu.memref_slice %arg11[%dma_start3A_91, %dma_start3A_92] : memref<10240x128xf32, #tpu.memory_space<vmem_shared>> -> memref<10240x128xf32, #tpu.memory_space<vmem_shared>>
        tpu.enqueue_indirect_dma source(%arg10 : memref<128x128xf32, #tpu.memory_space<vmem>>) target(%dma_start3A_93 : memref<10240x128xf32, #tpu.memory_space<vmem_shared>>) offsets(%arg8 : memref<128xi32, #tpu.memory_space<vmem>>) semaphore(%run_scoped3A : memref<!tpu.dma_semaphore, #tpu.memory_space<semaphore_mem>>) {add = true}
        %dma_wait3A_94 = arith.constant 0 : i32
        %dma_wait3A_95 = arith.constant 0 : i32
        %dma_wait3A_96 = tpu.memref_slice %arg11[%dma_wait3A_94, %dma_wait3A_95] : memref<10240x128xf32, #tpu.memory_space<vmem_shared>> -> memref<10240x128xf32, #tpu.memory_space<vmem_shared>>
        tpu.wait_indirect_dma semaphore(%run_scoped3A : memref<!tpu.dma_semaphore, #tpu.memory_space<semaphore_mem>>) src(%arg10 : memref<128x128xf32, #tpu.memory_space<vmem>>) dst(%dma_wait3A_96 : memref<10240x128xf32, #tpu.memory_space<vmem_shared>>)
        tpu.yield
      }) : () -> ()
    }
    %scan3A_28 = arith.constant 39 : i32
    %dma_start3A_29 = arith.constant 10112 : i32
    %dma_start3A_30 = tpu.memref_slice %arg6[%dma_start3A_29] : memref<10240xi32, #tpu.memory_space<vmem>> -> memref<128xi32, #tpu.memory_space<vmem>>
    %dma_start3A_31 = arith.constant 0 : i32
    %dma_start3A_32 = arith.constant 0 : i32
    %dma_start3A_33 = tpu.memref_slice %arg2[%dma_start3A_31, %dma_start3A_32] : memref<10000x128xf32, #tpu.memory_space<hbm>> -> memref<10000x128xf32, #tpu.memory_space<hbm>>
    tpu.enqueue_indirect_dma source(%dma_start3A_33 : memref<10000x128xf32, #tpu.memory_space<hbm>>) target(%arg10 : memref<128x128xf32, #tpu.memory_space<vmem>>) offsets(%dma_start3A_30 : memref<128xi32, #tpu.memory_space<vmem>>) semaphore(%arg13 : memref<!tpu.dma_semaphore, #tpu.memory_space<semaphore_mem>>)
    %add3A_34 = arith.constant 10112 : i32
    %add3A_35 = arith.addi %mul3A_16, %add3A_34 : i32
    "tpu.region"() ({
      %run_scoped3A = tpu.sem_alloc : memref<!tpu.dma_semaphore, #tpu.memory_space<semaphore_mem>>
      %dma_start3A_52 = tpu.memref_slice %arg4[%add3A_35] : memref<327680xi32, #tpu.memory_space<hbm>> -> memref<128xi32, #tpu.memory_space<hbm>>
      %dma_start3A_53 = tpu.memref_slice %arg4[%add3A_35] : memref<327680xi32, #tpu.memory_space<hbm>> -> memref<128xi32, #tpu.memory_space<hbm>>
      tpu.enqueue_dma source(%dma_start3A_53 : memref<128xi32, #tpu.memory_space<hbm>>) target(%arg8 : memref<128xi32, #tpu.memory_space<vmem>>) target_semaphore(%run_scoped3A : memref<!tpu.dma_semaphore, #tpu.memory_space<semaphore_mem>>)
      %dma_wait3A_54 = tpu.memref_slice %arg4[%add3A_35] : memref<327680xi32, #tpu.memory_space<hbm>> -> memref<128xi32, #tpu.memory_space<hbm>>
      %dma_wait3A_55 = tpu.memref_slice %arg4[%add3A_35] : memref<327680xi32, #tpu.memory_space<hbm>> -> memref<128xi32, #tpu.memory_space<hbm>>
      tpu.wait_dma2 semaphore(%run_scoped3A : memref<!tpu.dma_semaphore, #tpu.memory_space<semaphore_mem>>) src(%dma_wait3A_55 : memref<128xi32, #tpu.memory_space<hbm>>) dst(%arg8 : memref<128xi32, #tpu.memory_space<vmem>>)
      tpu.yield
    }) : () -> ()
    %dma_wait3A = arith.constant 0 : i32
    %dma_wait3A_36 = tpu.memref_slice %arg6[%dma_wait3A] : memref<10240xi32, #tpu.memory_space<vmem>> -> memref<128xi32, #tpu.memory_space<vmem>>
    %dma_wait3A_37 = arith.constant 0 : i32
    %dma_wait3A_38 = arith.constant 0 : i32
    %dma_wait3A_39 = tpu.memref_slice %arg2[%dma_wait3A_37, %dma_wait3A_38] : memref<10000x128xf32, #tpu.memory_space<hbm>> -> memref<10000x128xf32, #tpu.memory_space<hbm>>
    tpu.wait_indirect_dma semaphore(%arg12 : memref<!tpu.dma_semaphore, #tpu.memory_space<semaphore_mem>>) src(%dma_wait3A_39 : memref<10000x128xf32, #tpu.memory_space<hbm>>) dst(%arg9 : memref<128x128xf32, #tpu.memory_space<vmem>>)
    "tpu.region"() ({
      %run_scoped3A = tpu.sem_alloc : memref<!tpu.dma_semaphore, #tpu.memory_space<semaphore_mem>>
      %dma_start3A_52 = arith.constant 0 : i32
      %dma_start3A_53 = arith.constant 0 : i32
      %dma_start3A_54 = tpu.memref_slice %arg11[%dma_start3A_52, %dma_start3A_53] : memref<10240x128xf32, #tpu.memory_space<vmem_shared>> -> memref<10240x128xf32, #tpu.memory_space<vmem_shared>>
      tpu.enqueue_indirect_dma source(%arg9 : memref<128x128xf32, #tpu.memory_space<vmem>>) target(%dma_start3A_54 : memref<10240x128xf32, #tpu.memory_space<vmem_shared>>) offsets(%arg7 : memref<128xi32, #tpu.memory_space<vmem>>) semaphore(%run_scoped3A : memref<!tpu.dma_semaphore, #tpu.memory_space<semaphore_mem>>) {add = true}
      %dma_wait3A_55 = arith.constant 0 : i32
      %dma_wait3A_56 = arith.constant 0 : i32
      %dma_wait3A_57 = tpu.memref_slice %arg11[%dma_wait3A_55, %dma_wait3A_56] : memref<10240x128xf32, #tpu.memory_space<vmem_shared>> -> memref<10240x128xf32, #tpu.memory_space<vmem_shared>>
      tpu.wait_indirect_dma semaphore(%run_scoped3A : memref<!tpu.dma_semaphore, #tpu.memory_space<semaphore_mem>>) src(%arg9 : memref<128x128xf32, #tpu.memory_space<vmem>>) dst(%dma_wait3A_57 : memref<10240x128xf32, #tpu.memory_space<vmem_shared>>)
      tpu.yield
    }) : () -> ()
    %dma_wait3A_40 = arith.constant 0 : i32
    %dma_wait3A_41 = tpu.memref_slice %arg6[%dma_wait3A_40] : memref<10240xi32, #tpu.memory_space<vmem>> -> memref<128xi32, #tpu.memory_space<vmem>>
    %dma_wait3A_42 = arith.constant 0 : i32
    %dma_wait3A_43 = arith.constant 0 : i32
    %dma_wait3A_44 = tpu.memref_slice %arg2[%dma_wait3A_42, %dma_wait3A_43] : memref<10000x128xf32, #tpu.memory_space<hbm>> -> memref<10000x128xf32, #tpu.memory_space<hbm>>
    tpu.wait_indirect_dma semaphore(%arg13 : memref<!tpu.dma_semaphore, #tpu.memory_space<semaphore_mem>>) src(%dma_wait3A_44 : memref<10000x128xf32, #tpu.memory_space<hbm>>) dst(%arg10 : memref<128x128xf32, #tpu.memory_space<vmem>>)
    "tpu.region"() ({
      %run_scoped3A = tpu.sem_alloc : memref<!tpu.dma_semaphore, #tpu.memory_space<semaphore_mem>>
      %dma_start3A_52 = arith.constant 0 : i32
      %dma_start3A_53 = arith.constant 0 : i32
      %dma_start3A_54 = tpu.memref_slice %arg11[%dma_start3A_52, %dma_start3A_53] : memref<10240x128xf32, #tpu.memory_space<vmem_shared>> -> memref<10240x128xf32, #tpu.memory_space<vmem_shared>>
      tpu.enqueue_indirect_dma source(%arg10 : memref<128x128xf32, #tpu.memory_space<vmem>>) target(%dma_start3A_54 : memref<10240x128xf32, #tpu.memory_space<vmem_shared>>) offsets(%arg8 : memref<128xi32, #tpu.memory_space<vmem>>) semaphore(%run_scoped3A : memref<!tpu.dma_semaphore, #tpu.memory_space<semaphore_mem>>) {add = true}
      %dma_wait3A_55 = arith.constant 0 : i32
      %dma_wait3A_56 = arith.constant 0 : i32
      %dma_wait3A_57 = tpu.memref_slice %arg11[%dma_wait3A_55, %dma_wait3A_56] : memref<10240x128xf32, #tpu.memory_space<vmem_shared>> -> memref<10240x128xf32, #tpu.memory_space<vmem_shared>>
      tpu.wait_indirect_dma semaphore(%run_scoped3A : memref<!tpu.dma_semaphore, #tpu.memory_space<semaphore_mem>>) src(%arg10 : memref<128x128xf32, #tpu.memory_space<vmem>>) dst(%dma_wait3A_57 : memref<10240x128xf32, #tpu.memory_space<vmem_shared>>)
      tpu.yield
    }) : () -> ()
    %barrier3A_45 = arith.constant 0 : index
    tpu.barrier barrier_id(%barrier3A_45)
    %scan3A_46 = arith.constant 0 : i32
    %scan3A_47 = arith.constant 0 : i32
    %scan3A_48 = arith.constant 5 : i32
    %scan3A_49 = arith.addi %scan3A_47, %scan3A_48 : i32
    %scan3A_50 = arith.constant 1 : i32
    scf.for %scan3A_52 = %scan3A_47 to %scan3A_49 step %scan3A_50  : i32 {
      %mul3A_53 = arith.constant 320 : i32
      %mul3A_54 = arith.muli %arg1, %mul3A_53 : i32
      %mul3A_55 = arith.constant 2 : i32
      %mul3A_56 = arith.muli %mul3A_54, %mul3A_55 : i32
      %mul3A_57 = arith.constant 128 : i32
      %mul3A_58 = arith.muli %scan3A_52, %mul3A_57 : i32
      %add3A_59 = arith.addi %mul3A_56, %mul3A_58 : i32
      "tpu.region"() ({
        %run_scoped3A = tpu.sem_alloc : memref<!tpu.dma_semaphore, #tpu.memory_space<semaphore_mem>>
        %dma_start3A_60 = arith.constant 0 : i32
        %dma_start3A_61 = tpu.memref_slice %arg11[%add3A_59, %dma_start3A_60] : memref<10240x128xf32, #tpu.memory_space<vmem_shared>> -> memref<128x128xf32, #tpu.memory_space<vmem_shared>>
        %dma_start3A_62 = arith.constant 0 : i32
        %dma_start3A_63 = tpu.memref_slice %arg11[%add3A_59, %dma_start3A_62] : memref<10240x128xf32, #tpu.memory_space<vmem_shared>> -> memref<128x128xf32, #tpu.memory_space<vmem_shared>>
        tpu.enqueue_dma source(%dma_start3A_63 : memref<128x128xf32, #tpu.memory_space<vmem_shared>>) target(%arg9 : memref<128x128xf32, #tpu.memory_space<vmem>>) target_semaphore(%run_scoped3A : memref<!tpu.dma_semaphore, #tpu.memory_space<semaphore_mem>>)
        %dma_wait3A_64 = arith.constant 0 : i32
        %dma_wait3A_65 = tpu.memref_slice %arg11[%add3A_59, %dma_wait3A_64] : memref<10240x128xf32, #tpu.memory_space<vmem_shared>> -> memref<128x128xf32, #tpu.memory_space<vmem_shared>>
        %dma_wait3A_66 = arith.constant 0 : i32
        %dma_wait3A_67 = tpu.memref_slice %arg11[%add3A_59, %dma_wait3A_66] : memref<10240x128xf32, #tpu.memory_space<vmem_shared>> -> memref<128x128xf32, #tpu.memory_space<vmem_shared>>
        tpu.wait_dma2 semaphore(%run_scoped3A : memref<!tpu.dma_semaphore, #tpu.memory_space<semaphore_mem>>) src(%dma_wait3A_67 : memref<128x128xf32, #tpu.memory_space<vmem_shared>>) dst(%arg9 : memref<128x128xf32, #tpu.memory_space<vmem>>)
        tpu.yield
      }) : () -> ()
      "tpu.region"() ({
        %run_scoped3A = tpu.sem_alloc : memref<!tpu.dma_semaphore, #tpu.memory_space<semaphore_mem>>
        %dma_start3A_60 = arith.constant 0 : i32
        %dma_start3A_61 = tpu.memref_slice %arg5[%arg0, %add3A_59, %dma_start3A_60] : memref<2x10240x128xf32, #tpu.memory_space<hbm>> -> memref<1x128x128xf32, #tpu.memory_space<hbm>>
        %dma_start3A_62 = tpu.memref_squeeze %dma_start3A_61 : memref<1x128x128xf32, #tpu.memory_space<hbm>> -> memref<128x128xf32, #tpu.memory_space<hbm>>
        %dma_start3A_63 = arith.constant 0 : i32
        %dma_start3A_64 = tpu.memref_slice %arg5[%arg0, %add3A_59, %dma_start3A_63] : memref<2x10240x128xf32, #tpu.memory_space<hbm>> -> memref<1x128x128xf32, #tpu.memory_space<hbm>>
        %dma_start3A_65 = tpu.memref_squeeze %dma_start3A_64 : memref<1x128x128xf32, #tpu.memory_space<hbm>> -> memref<128x128xf32, #tpu.memory_space<hbm>>
        tpu.enqueue_dma source(%arg9 : memref<128x128xf32, #tpu.memory_space<vmem>>) target(%dma_start3A_65 : memref<128x128xf32, #tpu.memory_space<hbm>>) target_semaphore(%run_scoped3A : memref<!tpu.dma_semaphore, #tpu.memory_space<semaphore_mem>>)
        %dma_wait3A_66 = arith.constant 0 : i32
        %dma_wait3A_67 = tpu.memref_slice %arg5[%arg0, %add3A_59, %dma_wait3A_66] : memref<2x10240x128xf32, #tpu.memory_space<hbm>> -> memref<1x128x128xf32, #tpu.memory_space<hbm>>
        %dma_wait3A_68 = tpu.memref_squeeze %dma_wait3A_67 : memref<1x128x128xf32, #tpu.memory_space<hbm>> -> memref<128x128xf32, #tpu.memory_space<hbm>>
        %dma_wait3A_69 = arith.constant 0 : i32
        %dma_wait3A_70 = tpu.memref_slice %arg5[%arg0, %add3A_59, %dma_wait3A_69] : memref<2x10240x128xf32, #tpu.memory_space<hbm>> -> memref<1x128x128xf32, #tpu.memory_space<hbm>>
        %dma_wait3A_71 = tpu.memref_squeeze %dma_wait3A_70 : memref<1x128x128xf32, #tpu.memory_space<hbm>> -> memref<128x128xf32, #tpu.memory_space<hbm>>
        tpu.wait_dma2 semaphore(%run_scoped3A : memref<!tpu.dma_semaphore, #tpu.memory_space<semaphore_mem>>) src(%arg9 : memref<128x128xf32, #tpu.memory_space<vmem>>) dst(%dma_wait3A_71 : memref<128x128xf32, #tpu.memory_space<hbm>>)
        tpu.yield
      }) : () -> ()
    }
    %scan3A_51 = arith.constant 5 : i32
    return
  }
}

#map = affine_map<(d0, d1) -> (0, 0)>
#map1 = affine_map<(d0, d1) -> (0)>
#map2 = affine_map<(d0, d1) -> (0, 0, 0)>
module attributes {stable_mosaic.version = 14 : i64} {
  func.func @_sc_setup_body(%arg0: i32, %arg1: i32, %arg2: memref<100000x128xf32, #tpu.memory_space<hbm>>, %arg3: memref<10240xi32, #tpu.memory_space<hbm>>, %arg4: memref<327680xi32, #tpu.memory_space<hbm>>, %arg5: memref<10240x128xf32, #tpu.memory_space<hbm>>, %arg6: memref<2x10240x128xf32, #tpu.memory_space<hbm>>, %arg7: memref<64xi32, #tpu.memory_space<vmem>>, %arg8: memref<64x128xf32, #tpu.memory_space<vmem>>, %arg9: memref<128x128xf32, #tpu.memory_space<vmem>>, %arg10: memref<10240xi32, #tpu.memory_space<vmem>>, %arg11: memref<128xi32, #tpu.memory_space<vmem>>, %arg12: memref<10240x128xf32, #tpu.memory_space<vmem_shared>>, %arg13: memref<!tpu.dma_semaphore, #tpu.memory_space<semaphore_mem>>) attributes {dimension_semantics = [#tpu.dimension_semantics<core_parallel>, #tpu.dimension_semantics<subcore_parallel>], iteration_bounds = array<i64: 2, 16>, scalar_prefetch = 0 : i64, scratch_operands = 7 : i64, tpu.core_type = #tpu.core_type<sc_vector_subcore>, window_params = [{transform_indices = #map}, {transform_indices = #map1}, {transform_indices = #map1}, {transform_indices = #map}, {transform_indices = #map2}]} {
    %mul3A = arith.constant 16 : i32
    %mul3A_0 = arith.muli %arg0, %mul3A : i32
    %add3A = arith.addi %mul3A_0, %arg1 : i32
    %mul3A_1 = arith.constant 320 : i32
    %mul3A_2 = arith.muli %add3A, %mul3A_1 : i32
    %scan3A = arith.constant 0 : i32
    %scan3A_3 = arith.constant 0 : i32
    %scan3A_4 = arith.constant 5 : i32
    %scan3A_5 = arith.addi %scan3A_3, %scan3A_4 : i32
    %scan3A_6 = arith.constant 1 : i32
    scf.for %scan3A_44 = %scan3A_3 to %scan3A_5 step %scan3A_6  : i32 {
      %mul3A_45 = arith.constant 64 : i32
      %mul3A_46 = arith.muli %scan3A_44, %mul3A_45 : i32
      %add3A_47 = arith.addi %mul3A_2, %mul3A_46 : i32
      "tpu.region"() ({
        %run_scoped3A = tpu.sem_alloc : memref<!tpu.dma_semaphore, #tpu.memory_space<semaphore_mem>>
        %dma_start3A_52 = tpu.memref_slice %arg3[%add3A_47] : memref<10240xi32, #tpu.memory_space<hbm>> -> memref<64xi32, #tpu.memory_space<hbm>>
        %dma_start3A_53 = tpu.memref_slice %arg3[%add3A_47] : memref<10240xi32, #tpu.memory_space<hbm>> -> memref<64xi32, #tpu.memory_space<hbm>>
        tpu.enqueue_dma source(%dma_start3A_53 : memref<64xi32, #tpu.memory_space<hbm>>) target(%arg7 : memref<64xi32, #tpu.memory_space<vmem>>) target_semaphore(%run_scoped3A : memref<!tpu.dma_semaphore, #tpu.memory_space<semaphore_mem>>)
        %dma_wait3A_54 = tpu.memref_slice %arg3[%add3A_47] : memref<10240xi32, #tpu.memory_space<hbm>> -> memref<64xi32, #tpu.memory_space<hbm>>
        %dma_wait3A_55 = tpu.memref_slice %arg3[%add3A_47] : memref<10240xi32, #tpu.memory_space<hbm>> -> memref<64xi32, #tpu.memory_space<hbm>>
        tpu.wait_dma2 semaphore(%run_scoped3A : memref<!tpu.dma_semaphore, #tpu.memory_space<semaphore_mem>>) src(%dma_wait3A_55 : memref<64xi32, #tpu.memory_space<hbm>>) dst(%arg7 : memref<64xi32, #tpu.memory_space<vmem>>)
        tpu.yield
      }) : () -> ()
      %dma_start3A = arith.constant 0 : i32
      %dma_start3A_48 = arith.constant 0 : i32
      %dma_start3A_49 = tpu.memref_slice %arg2[%dma_start3A, %dma_start3A_48] : memref<100000x128xf32, #tpu.memory_space<hbm>> -> memref<100000x128xf32, #tpu.memory_space<hbm>>
      tpu.enqueue_indirect_dma source(%dma_start3A_49 : memref<100000x128xf32, #tpu.memory_space<hbm>>) target(%arg8 : memref<64x128xf32, #tpu.memory_space<vmem>>) offsets(%arg7 : memref<64xi32, #tpu.memory_space<vmem>>) semaphore(%arg13 : memref<!tpu.dma_semaphore, #tpu.memory_space<semaphore_mem>>)
      %dma_wait3A = arith.constant 0 : i32
      %dma_wait3A_50 = arith.constant 0 : i32
      %dma_wait3A_51 = tpu.memref_slice %arg2[%dma_wait3A, %dma_wait3A_50] : memref<100000x128xf32, #tpu.memory_space<hbm>> -> memref<100000x128xf32, #tpu.memory_space<hbm>>
      tpu.wait_indirect_dma semaphore(%arg13 : memref<!tpu.dma_semaphore, #tpu.memory_space<semaphore_mem>>) src(%dma_wait3A_51 : memref<100000x128xf32, #tpu.memory_space<hbm>>) dst(%arg8 : memref<64x128xf32, #tpu.memory_space<vmem>>)
      "tpu.region"() ({
        %run_scoped3A = tpu.sem_alloc : memref<!tpu.dma_semaphore, #tpu.memory_space<semaphore_mem>>
        %dma_start3A_52 = arith.constant 0 : i32
        %dma_start3A_53 = tpu.memref_slice %arg5[%add3A_47, %dma_start3A_52] : memref<10240x128xf32, #tpu.memory_space<hbm>> -> memref<64x128xf32, #tpu.memory_space<hbm>>
        %dma_start3A_54 = arith.constant 0 : i32
        %dma_start3A_55 = tpu.memref_slice %arg5[%add3A_47, %dma_start3A_54] : memref<10240x128xf32, #tpu.memory_space<hbm>> -> memref<64x128xf32, #tpu.memory_space<hbm>>
        tpu.enqueue_dma source(%arg8 : memref<64x128xf32, #tpu.memory_space<vmem>>) target(%dma_start3A_55 : memref<64x128xf32, #tpu.memory_space<hbm>>) target_semaphore(%run_scoped3A : memref<!tpu.dma_semaphore, #tpu.memory_space<semaphore_mem>>)
        %dma_wait3A_56 = arith.constant 0 : i32
        %dma_wait3A_57 = tpu.memref_slice %arg5[%add3A_47, %dma_wait3A_56] : memref<10240x128xf32, #tpu.memory_space<hbm>> -> memref<64x128xf32, #tpu.memory_space<hbm>>
        %dma_wait3A_58 = arith.constant 0 : i32
        %dma_wait3A_59 = tpu.memref_slice %arg5[%add3A_47, %dma_wait3A_58] : memref<10240x128xf32, #tpu.memory_space<hbm>> -> memref<64x128xf32, #tpu.memory_space<hbm>>
        tpu.wait_dma2 semaphore(%run_scoped3A : memref<!tpu.dma_semaphore, #tpu.memory_space<semaphore_mem>>) src(%arg8 : memref<64x128xf32, #tpu.memory_space<vmem>>) dst(%dma_wait3A_59 : memref<64x128xf32, #tpu.memory_space<hbm>>)
        tpu.yield
      }) : () -> ()
    }
    %scan3A_7 = arith.constant 5 : i32
    %broadcast_in_dim3A = arith.constant 0.000000e+00 : f32
    %broadcast_in_dim3A_8 = vector.broadcast %broadcast_in_dim3A : f32 to vector<16xf32>
    %scan3A_9 = arith.constant 0 : i32
    %scan3A_10 = arith.constant 0 : i32
    %scan3A_11 = arith.constant 1024 : i32
    %scan3A_12 = arith.addi %scan3A_10, %scan3A_11 : i32
    %scan3A_13 = arith.constant 1 : i32
    scf.for %scan3A_44 = %scan3A_10 to %scan3A_12 step %scan3A_13  : i32 {
      %jit3A = arith.constant 8 : i32
      %div3A = arith.divsi %scan3A_44, %jit3A : i32
      %sign3A = arith.constant 0 : i32
      %sign3A_45 = arith.cmpi sgt, %scan3A_44, %sign3A : i32
      %sign3A_46 = arith.extui %sign3A_45 : i1 to i32
      %sign3A_47 = arith.constant 0 : i32
      %sign3A_48 = arith.cmpi slt, %scan3A_44, %sign3A_47 : i32
      %sign3A_49 = arith.extui %sign3A_48 : i1 to i32
      %sign3A_50 = arith.subi %sign3A_46, %sign3A_49 : i32
      %sign3A_51 = arith.constant 0 : i32
      %sign3A_52 = arith.cmpi sgt, %jit3A, %sign3A_51 : i32
      %sign3A_53 = arith.extui %sign3A_52 : i1 to i32
      %sign3A_54 = arith.constant 0 : i32
      %sign3A_55 = arith.cmpi slt, %jit3A, %sign3A_54 : i32
      %sign3A_56 = arith.extui %sign3A_55 : i1 to i32
      %sign3A_57 = arith.subi %sign3A_53, %sign3A_56 : i32
      %ne3A = arith.cmpi ne, %sign3A_50, %sign3A_57 : i32
      %rem3A = arith.remsi %scan3A_44, %jit3A : i32
      %ne3A_58 = arith.constant 0 : i32
      %ne3A_59 = arith.cmpi ne, %rem3A, %ne3A_58 : i32
      %and3A = arith.andi %ne3A, %ne3A_59 : i1
      %sub3A = arith.constant 1 : i32
      %sub3A_60 = arith.subi %div3A, %sub3A : i32
      %select_n3A = arith.select %and3A, %sub3A_60, %div3A : i32
      %jit3A_61 = arith.constant 8 : i32
      %eq3A = arith.constant 0 : i32
      %eq3A_62 = arith.cmpi eq, %jit3A_61, %eq3A : i32
      %jit3A_63 = arith.constant 1 : i32
      %select_n3A_64 = arith.select %eq3A_62, %jit3A_63, %jit3A_61 : i32
      %rem3A_65 = arith.remsi %scan3A_44, %select_n3A_64 : i32
      %ne3A_66 = arith.constant 0 : i32
      %ne3A_67 = arith.cmpi ne, %rem3A_65, %ne3A_66 : i32
      %lt3A = arith.constant 0 : i32
      %lt3A_68 = arith.cmpi slt, %rem3A_65, %lt3A : i32
      %lt3A_69 = arith.constant 0 : i32
      %lt3A_70 = arith.cmpi slt, %select_n3A_64, %lt3A_69 : i32
      %ne3A_71 = arith.xori %lt3A_68, %lt3A_70 : i1
      %and3A_72 = arith.andi %ne3A_71, %ne3A_67 : i1
      %add3A_73 = arith.addi %rem3A_65, %select_n3A_64 : i32
      %select_n3A_74 = arith.select %and3A_72, %add3A_73, %rem3A_65 : i32
      %mul3A_75 = arith.constant 16 : i32
      %mul3A_76 = arith.muli %select_n3A_74, %mul3A_75 : i32
      %swap3A = arith.index_cast %select_n3A : i32 to index
      %swap3A_77 = arith.index_cast %mul3A_76 : i32 to index
      %swap3A_78 = tpu.vector_load %arg9[%swap3A, %swap3A_77] {strides = array<i32>} : memref<128x128xf32, #tpu.memory_space<vmem>>, vector<1x16xf32>,
      %swap3A_79 = vector.shape_cast %swap3A_78 : vector<1x16xf32> to vector<16xf32>
      %swap3A_80 = vector.shape_cast %broadcast_in_dim3A_8 : vector<16xf32> to vector<1x16xf32>
      tpu.vector_store %arg9[%swap3A, %swap3A_77], %swap3A_80 {strides = array<i32>} : memref<128x128xf32, #tpu.memory_space<vmem>>, vector<1x16xf32>,
    }
    %scan3A_14 = arith.constant 1024 : i32
    %scan3A_15 = arith.constant 0 : i32
    %scan3A_16 = arith.constant 0 : i32
    %scan3A_17 = arith.constant 5 : i32
    %scan3A_18 = arith.addi %scan3A_16, %scan3A_17 : i32
    %scan3A_19 = arith.constant 1 : i32
    scf.for %scan3A_44 = %scan3A_16 to %scan3A_18 step %scan3A_19  : i32 {
      %mul3A_45 = arith.constant 320 : i32
      %mul3A_46 = arith.muli %arg1, %mul3A_45 : i32
      %mul3A_47 = arith.constant 2 : i32
      %mul3A_48 = arith.muli %mul3A_46, %mul3A_47 : i32
      %mul3A_49 = arith.constant 128 : i32
      %mul3A_50 = arith.muli %scan3A_44, %mul3A_49 : i32
      %add3A_51 = arith.addi %mul3A_48, %mul3A_50 : i32
      "tpu.region"() ({
        %run_scoped3A = tpu.sem_alloc : memref<!tpu.dma_semaphore, #tpu.memory_space<semaphore_mem>>
        %dma_start3A = arith.constant 0 : i32
        %dma_start3A_52 = tpu.memref_slice %arg12[%add3A_51, %dma_start3A] : memref<10240x128xf32, #tpu.memory_space<vmem_shared>> -> memref<128x128xf32, #tpu.memory_space<vmem_shared>>
        %dma_start3A_53 = arith.constant 0 : i32
        %dma_start3A_54 = tpu.memref_slice %arg12[%add3A_51, %dma_start3A_53] : memref<10240x128xf32, #tpu.memory_space<vmem_shared>> -> memref<128x128xf32, #tpu.memory_space<vmem_shared>>
        tpu.enqueue_dma source(%arg9 : memref<128x128xf32, #tpu.memory_space<vmem>>) target(%dma_start3A_54 : memref<128x128xf32, #tpu.memory_space<vmem_shared>>) target_semaphore(%run_scoped3A : memref<!tpu.dma_semaphore, #tpu.memory_space<semaphore_mem>>)
        %dma_wait3A = arith.constant 0 : i32
        %dma_wait3A_55 = tpu.memref_slice %arg12[%add3A_51, %dma_wait3A] : memref<10240x128xf32, #tpu.memory_space<vmem_shared>> -> memref<128x128xf32, #tpu.memory_space<vmem_shared>>
        %dma_wait3A_56 = arith.constant 0 : i32
        %dma_wait3A_57 = tpu.memref_slice %arg12[%add3A_51, %dma_wait3A_56] : memref<10240x128xf32, #tpu.memory_space<vmem_shared>> -> memref<128x128xf32, #tpu.memory_space<vmem_shared>>
        tpu.wait_dma2 semaphore(%run_scoped3A : memref<!tpu.dma_semaphore, #tpu.memory_space<semaphore_mem>>) src(%arg9 : memref<128x128xf32, #tpu.memory_space<vmem>>) dst(%dma_wait3A_57 : memref<128x128xf32, #tpu.memory_space<vmem_shared>>)
        tpu.yield
      }) : () -> ()
    }
    %scan3A_20 = arith.constant 5 : i32
    %broadcast_in_dim3A_21 = arith.constant 1.000000e+00 : f32
    %broadcast_in_dim3A_22 = vector.broadcast %broadcast_in_dim3A_21 : f32 to vector<16xf32>
    %scan3A_23 = arith.constant 0 : i32
    %scan3A_24 = arith.constant 0 : i32
    %scan3A_25 = arith.constant 1024 : i32
    %scan3A_26 = arith.addi %scan3A_24, %scan3A_25 : i32
    %scan3A_27 = arith.constant 1 : i32
    scf.for %scan3A_44 = %scan3A_24 to %scan3A_26 step %scan3A_27  : i32 {
      %jit3A = arith.constant 8 : i32
      %div3A = arith.divsi %scan3A_44, %jit3A : i32
      %sign3A = arith.constant 0 : i32
      %sign3A_45 = arith.cmpi sgt, %scan3A_44, %sign3A : i32
      %sign3A_46 = arith.extui %sign3A_45 : i1 to i32
      %sign3A_47 = arith.constant 0 : i32
      %sign3A_48 = arith.cmpi slt, %scan3A_44, %sign3A_47 : i32
      %sign3A_49 = arith.extui %sign3A_48 : i1 to i32
      %sign3A_50 = arith.subi %sign3A_46, %sign3A_49 : i32
      %sign3A_51 = arith.constant 0 : i32
      %sign3A_52 = arith.cmpi sgt, %jit3A, %sign3A_51 : i32
      %sign3A_53 = arith.extui %sign3A_52 : i1 to i32
      %sign3A_54 = arith.constant 0 : i32
      %sign3A_55 = arith.cmpi slt, %jit3A, %sign3A_54 : i32
      %sign3A_56 = arith.extui %sign3A_55 : i1 to i32
      %sign3A_57 = arith.subi %sign3A_53, %sign3A_56 : i32
      %ne3A = arith.cmpi ne, %sign3A_50, %sign3A_57 : i32
      %rem3A = arith.remsi %scan3A_44, %jit3A : i32
      %ne3A_58 = arith.constant 0 : i32
      %ne3A_59 = arith.cmpi ne, %rem3A, %ne3A_58 : i32
      %and3A = arith.andi %ne3A, %ne3A_59 : i1
      %sub3A = arith.constant 1 : i32
      %sub3A_60 = arith.subi %div3A, %sub3A : i32
      %select_n3A = arith.select %and3A, %sub3A_60, %div3A : i32
      %jit3A_61 = arith.constant 8 : i32
      %eq3A = arith.constant 0 : i32
      %eq3A_62 = arith.cmpi eq, %jit3A_61, %eq3A : i32
      %jit3A_63 = arith.constant 1 : i32
      %select_n3A_64 = arith.select %eq3A_62, %jit3A_63, %jit3A_61 : i32
      %rem3A_65 = arith.remsi %scan3A_44, %select_n3A_64 : i32
      %ne3A_66 = arith.constant 0 : i32
      %ne3A_67 = arith.cmpi ne, %rem3A_65, %ne3A_66 : i32
      %lt3A = arith.constant 0 : i32
      %lt3A_68 = arith.cmpi slt, %rem3A_65, %lt3A : i32
      %lt3A_69 = arith.constant 0 : i32
      %lt3A_70 = arith.cmpi slt, %select_n3A_64, %lt3A_69 : i32
      %ne3A_71 = arith.xori %lt3A_68, %lt3A_70 : i1
      %and3A_72 = arith.andi %ne3A_71, %ne3A_67 : i1
      %add3A_73 = arith.addi %rem3A_65, %select_n3A_64 : i32
      %select_n3A_74 = arith.select %and3A_72, %add3A_73, %rem3A_65 : i32
      %mul3A_75 = arith.constant 16 : i32
      %mul3A_76 = arith.muli %select_n3A_74, %mul3A_75 : i32
      %swap3A = arith.index_cast %select_n3A : i32 to index
      %swap3A_77 = arith.index_cast %mul3A_76 : i32 to index
      %swap3A_78 = tpu.vector_load %arg9[%swap3A, %swap3A_77] {strides = array<i32>} : memref<128x128xf32, #tpu.memory_space<vmem>>, vector<1x16xf32>,
      %swap3A_79 = vector.shape_cast %swap3A_78 : vector<1x16xf32> to vector<16xf32>
      %swap3A_80 = vector.shape_cast %broadcast_in_dim3A_22 : vector<16xf32> to vector<1x16xf32>
      tpu.vector_store %arg9[%swap3A, %swap3A_77], %swap3A_80 {strides = array<i32>} : memref<128x128xf32, #tpu.memory_space<vmem>>, vector<1x16xf32>,
    }
    %scan3A_28 = arith.constant 1024 : i32
    %mul3A_29 = arith.constant 10240 : i32
    %mul3A_30 = arith.muli %add3A, %mul3A_29 : i32
    "tpu.region"() ({
      %run_scoped3A = tpu.sem_alloc : memref<!tpu.dma_semaphore, #tpu.memory_space<semaphore_mem>>
      %dma_start3A = tpu.memref_slice %arg4[%mul3A_30] : memref<327680xi32, #tpu.memory_space<hbm>> -> memref<10240xi32, #tpu.memory_space<hbm>>
      %dma_start3A_44 = tpu.memref_slice %arg4[%mul3A_30] : memref<327680xi32, #tpu.memory_space<hbm>> -> memref<10240xi32, #tpu.memory_space<hbm>>
      tpu.enqueue_dma source(%dma_start3A_44 : memref<10240xi32, #tpu.memory_space<hbm>>) target(%arg10 : memref<10240xi32, #tpu.memory_space<vmem>>) target_semaphore(%run_scoped3A : memref<!tpu.dma_semaphore, #tpu.memory_space<semaphore_mem>>)
      %dma_wait3A = tpu.memref_slice %arg4[%mul3A_30] : memref<327680xi32, #tpu.memory_space<hbm>> -> memref<10240xi32, #tpu.memory_space<hbm>>
      %dma_wait3A_45 = tpu.memref_slice %arg4[%mul3A_30] : memref<327680xi32, #tpu.memory_space<hbm>> -> memref<10240xi32, #tpu.memory_space<hbm>>
      tpu.wait_dma2 semaphore(%run_scoped3A : memref<!tpu.dma_semaphore, #tpu.memory_space<semaphore_mem>>) src(%dma_wait3A_45 : memref<10240xi32, #tpu.memory_space<hbm>>) dst(%arg10 : memref<10240xi32, #tpu.memory_space<vmem>>)
      tpu.yield
    }) : () -> ()
    %barrier3A = arith.constant 0 : index
    tpu.barrier barrier_id(%barrier3A)
    %scan3A_31 = arith.constant 0 : i32
    %scan3A_32 = arith.constant 0 : i32
    %scan3A_33 = arith.constant 80 : i32
    %scan3A_34 = arith.addi %scan3A_32, %scan3A_33 : i32
    %scan3A_35 = arith.constant 1 : i32
    scf.for %scan3A_44 = %scan3A_32 to %scan3A_34 step %scan3A_35  : i32 {
      %mul3A_45 = arith.constant 128 : i32
      %mul3A_46 = arith.muli %scan3A_44, %mul3A_45 : i32
      %scan3A_47 = arith.constant 0 : i32
      %scan3A_48 = arith.constant 0 : i32
      %scan3A_49 = arith.constant 8 : i32
      %scan3A_50 = arith.addi %scan3A_48, %scan3A_49 : i32
      %scan3A_51 = arith.constant 1 : i32
      scf.for %scan3A_53 = %scan3A_48 to %scan3A_50 step %scan3A_51  : i32 {
        %mul3A_54 = arith.constant 16 : i32
        %mul3A_55 = arith.muli %scan3A_53, %mul3A_54 : i32
        %add3A_56 = arith.addi %mul3A_46, %mul3A_55 : i32
        %get3A = arith.index_cast %add3A_56 : i32 to index
        %get3A_57 = tpu.vector_load %arg10[%get3A] {strides = array<i32>} : memref<10240xi32, #tpu.memory_space<vmem>>, vector<16xi32>,
        %get3A_58 = vector.shape_cast %get3A_57 : vector<16xi32> to vector<16xi32>
        %mul3A_59 = arith.constant 16 : i32
        %mul3A_60 = arith.muli %scan3A_53, %mul3A_59 : i32
        %swap3A = arith.index_cast %mul3A_60 : i32 to index
        %swap3A_61 = tpu.vector_load %arg11[%swap3A] {strides = array<i32>} : memref<128xi32, #tpu.memory_space<vmem>>, vector<16xi32>,
        %swap3A_62 = vector.shape_cast %swap3A_61 : vector<16xi32> to vector<16xi32>
        %swap3A_63 = vector.shape_cast %get3A_58 : vector<16xi32> to vector<16xi32>
        tpu.vector_store %arg11[%swap3A], %swap3A_63 {strides = array<i32>} : memref<128xi32, #tpu.memory_space<vmem>>, vector<16xi32>,
      }
      %scan3A_52 = arith.constant 8 : i32
      "tpu.region"() ({
        %run_scoped3A = tpu.sem_alloc : memref<!tpu.dma_semaphore, #tpu.memory_space<semaphore_mem>>
        %dma_start3A = arith.constant 0 : i32
        %dma_start3A_53 = arith.constant 0 : i32
        %dma_start3A_54 = tpu.memref_slice %arg12[%dma_start3A, %dma_start3A_53] : memref<10240x128xf32, #tpu.memory_space<vmem_shared>> -> memref<10240x128xf32, #tpu.memory_space<vmem_shared>>
        tpu.enqueue_indirect_dma source(%arg9 : memref<128x128xf32, #tpu.memory_space<vmem>>) target(%dma_start3A_54 : memref<10240x128xf32, #tpu.memory_space<vmem_shared>>) offsets(%arg11 : memref<128xi32, #tpu.memory_space<vmem>>) semaphore(%run_scoped3A : memref<!tpu.dma_semaphore, #tpu.memory_space<semaphore_mem>>) {add = true}
        %dma_wait3A = arith.constant 0 : i32
        %dma_wait3A_55 = arith.constant 0 : i32
        %dma_wait3A_56 = tpu.memref_slice %arg12[%dma_wait3A, %dma_wait3A_55] : memref<10240x128xf32, #tpu.memory_space<vmem_shared>> -> memref<10240x128xf32, #tpu.memory_space<vmem_shared>>
        tpu.wait_indirect_dma semaphore(%run_scoped3A : memref<!tpu.dma_semaphore, #tpu.memory_space<semaphore_mem>>) src(%arg9 : memref<128x128xf32, #tpu.memory_space<vmem>>) dst(%dma_wait3A_56 : memref<10240x128xf32, #tpu.memory_space<vmem_shared>>)
        tpu.yield
      }) : () -> ()
    }
    %scan3A_36 = arith.constant 80 : i32
    %barrier3A_37 = arith.constant 0 : index
    tpu.barrier barrier_id(%barrier3A_37)
    %scan3A_38 = arith.constant 0 : i32
    %scan3A_39 = arith.constant 0 : i32
    %scan3A_40 = arith.constant 5 : i32
    %scan3A_41 = arith.addi %scan3A_39, %scan3A_40 : i32
    %scan3A_42 = arith.constant 1 : i32
    scf.for %scan3A_44 = %scan3A_39 to %scan3A_41 step %scan3A_42  : i32 {
      %mul3A_45 = arith.constant 320 : i32
      %mul3A_46 = arith.muli %arg1, %mul3A_45 : i32
      %mul3A_47 = arith.constant 2 : i32
      %mul3A_48 = arith.muli %mul3A_46, %mul3A_47 : i32
      %mul3A_49 = arith.constant 128 : i32
      %mul3A_50 = arith.muli %scan3A_44, %mul3A_49 : i32
      %add3A_51 = arith.addi %mul3A_48, %mul3A_50 : i32
      "tpu.region"() ({
        %run_scoped3A = tpu.sem_alloc : memref<!tpu.dma_semaphore, #tpu.memory_space<semaphore_mem>>
        %dma_start3A = arith.constant 0 : i32
        %dma_start3A_52 = tpu.memref_slice %arg12[%add3A_51, %dma_start3A] : memref<10240x128xf32, #tpu.memory_space<vmem_shared>> -> memref<128x128xf32, #tpu.memory_space<vmem_shared>>
        %dma_start3A_53 = arith.constant 0 : i32
        %dma_start3A_54 = tpu.memref_slice %arg12[%add3A_51, %dma_start3A_53] : memref<10240x128xf32, #tpu.memory_space<vmem_shared>> -> memref<128x128xf32, #tpu.memory_space<vmem_shared>>
        tpu.enqueue_dma source(%dma_start3A_54 : memref<128x128xf32, #tpu.memory_space<vmem_shared>>) target(%arg9 : memref<128x128xf32, #tpu.memory_space<vmem>>) target_semaphore(%run_scoped3A : memref<!tpu.dma_semaphore, #tpu.memory_space<semaphore_mem>>)
        %dma_wait3A = arith.constant 0 : i32
        %dma_wait3A_55 = tpu.memref_slice %arg12[%add3A_51, %dma_wait3A] : memref<10240x128xf32, #tpu.memory_space<vmem_shared>> -> memref<128x128xf32, #tpu.memory_space<vmem_shared>>
        %dma_wait3A_56 = arith.constant 0 : i32
        %dma_wait3A_57 = tpu.memref_slice %arg12[%add3A_51, %dma_wait3A_56] : memref<10240x128xf32, #tpu.memory_space<vmem_shared>> -> memref<128x128xf32, #tpu.memory_space<vmem_shared>>
        tpu.wait_dma2 semaphore(%run_scoped3A : memref<!tpu.dma_semaphore, #tpu.memory_space<semaphore_mem>>) src(%dma_wait3A_57 : memref<128x128xf32, #tpu.memory_space<vmem_shared>>) dst(%arg9 : memref<128x128xf32, #tpu.memory_space<vmem>>)
        tpu.yield
      }) : () -> ()
      "tpu.region"() ({
        %run_scoped3A = tpu.sem_alloc : memref<!tpu.dma_semaphore, #tpu.memory_space<semaphore_mem>>
        %dma_start3A = arith.constant 0 : i32
        %dma_start3A_52 = tpu.memref_slice %arg6[%arg0, %add3A_51, %dma_start3A] : memref<2x10240x128xf32, #tpu.memory_space<hbm>> -> memref<1x128x128xf32, #tpu.memory_space<hbm>>
        %dma_start3A_53 = tpu.memref_squeeze %dma_start3A_52 : memref<1x128x128xf32, #tpu.memory_space<hbm>> -> memref<128x128xf32, #tpu.memory_space<hbm>>
        %dma_start3A_54 = arith.constant 0 : i32
        %dma_start3A_55 = tpu.memref_slice %arg6[%arg0, %add3A_51, %dma_start3A_54] : memref<2x10240x128xf32, #tpu.memory_space<hbm>> -> memref<1x128x128xf32, #tpu.memory_space<hbm>>
        %dma_start3A_56 = tpu.memref_squeeze %dma_start3A_55 : memref<1x128x128xf32, #tpu.memory_space<hbm>> -> memref<128x128xf32, #tpu.memory_space<hbm>>
        tpu.enqueue_dma source(%arg9 : memref<128x128xf32, #tpu.memory_space<vmem>>) target(%dma_start3A_56 : memref<128x128xf32, #tpu.memory_space<hbm>>) target_semaphore(%run_scoped3A : memref<!tpu.dma_semaphore, #tpu.memory_space<semaphore_mem>>)
        %dma_wait3A = arith.constant 0 : i32
        %dma_wait3A_57 = tpu.memref_slice %arg6[%arg0, %add3A_51, %dma_wait3A] : memref<2x10240x128xf32, #tpu.memory_space<hbm>> -> memref<1x128x128xf32, #tpu.memory_space<hbm>>
        %dma_wait3A_58 = tpu.memref_squeeze %dma_wait3A_57 : memref<1x128x128xf32, #tpu.memory_space<hbm>> -> memref<128x128xf32, #tpu.memory_space<hbm>>
        %dma_wait3A_59 = arith.constant 0 : i32
        %dma_wait3A_60 = tpu.memref_slice %arg6[%arg0, %add3A_51, %dma_wait3A_59] : memref<2x10240x128xf32, #tpu.memory_space<hbm>> -> memref<1x128x128xf32, #tpu.memory_space<hbm>>
        %dma_wait3A_61 = tpu.memref_squeeze %dma_wait3A_60 : memref<1x128x128xf32, #tpu.memory_space<hbm>> -> memref<128x128xf32, #tpu.memory_space<hbm>>
        tpu.wait_dma2 semaphore(%run_scoped3A : memref<!tpu.dma_semaphore, #tpu.memory_space<semaphore_mem>>) src(%arg9 : memref<128x128xf32, #tpu.memory_space<vmem>>) dst(%dma_wait3A_61 : memref<128x128xf32, #tpu.memory_space<hbm>>)
        tpu.yield
      }) : () -> ()
    }
    %scan3A_43 = arith.constant 5 : i32
    return
  }
}

#map = affine_map<(d0, d1) -> (0, 0)>
#map1 = affine_map<(d0, d1) -> (0)>
#map2 = affine_map<(d0, d1) -> (0, 0, 0)>
module attributes {stable_mosaic.version = 14 : i64} {
  func.func @_sc_segsum_body(%arg0: i32, %arg1: i32, %arg2: memref<10000x128xf32, #tpu.memory_space<hbm>>, %arg3: memref<327680xi32, #tpu.memory_space<hbm>>, %arg4: memref<327680xi32, #tpu.memory_space<hbm>>, %arg5: memref<2x10240x128xf32, #tpu.memory_space<hbm>>, %arg6: memref<10240xi32, #tpu.memory_space<vmem>>, %arg7: memref<128xi32, #tpu.memory_space<vmem>>, %arg8: memref<128xi32, #tpu.memory_space<vmem>>, %arg9: memref<128x128xf32, #tpu.memory_space<vmem>>, %arg10: memref<128x128xf32, #tpu.memory_space<vmem>>, %arg11: memref<10240x128xf32, #tpu.memory_space<vmem_shared>>, %arg12: memref<!tpu.dma_semaphore, #tpu.memory_space<semaphore_mem>>, %arg13: memref<!tpu.dma_semaphore, #tpu.memory_space<semaphore_mem>>) attributes {dimension_semantics = [#tpu.dimension_semantics<core_parallel>, #tpu.dimension_semantics<subcore_parallel>], iteration_bounds = array<i64: 2, 16>, scalar_prefetch = 0 : i64, scratch_operands = 8 : i64, tpu.core_type = #tpu.core_type<sc_vector_subcore>, window_params = [{transform_indices = #map}, {transform_indices = #map1}, {transform_indices = #map1}, {transform_indices = #map2}]} {
    %mul3A = arith.constant 16 : i32
    %mul3A_0 = arith.muli %arg0, %mul3A : i32
    %add3A = arith.addi %mul3A_0, %arg1 : i32
    %mul3A_1 = arith.constant 10240 : i32
    %mul3A_2 = arith.muli %add3A, %mul3A_1 : i32
    "tpu.region"() ({
      %run_scoped3A = tpu.sem_alloc : memref<!tpu.dma_semaphore, #tpu.memory_space<semaphore_mem>>
      %dma_start3A_52 = tpu.memref_slice %arg3[%mul3A_2] : memref<327680xi32, #tpu.memory_space<hbm>> -> memref<10240xi32, #tpu.memory_space<hbm>>
      %dma_start3A_53 = tpu.memref_slice %arg3[%mul3A_2] : memref<327680xi32, #tpu.memory_space<hbm>> -> memref<10240xi32, #tpu.memory_space<hbm>>
      tpu.enqueue_dma source(%dma_start3A_53 : memref<10240xi32, #tpu.memory_space<hbm>>) target(%arg6 : memref<10240xi32, #tpu.memory_space<vmem>>) target_semaphore(%run_scoped3A : memref<!tpu.dma_semaphore, #tpu.memory_space<semaphore_mem>>)
      %dma_wait3A_54 = tpu.memref_slice %arg3[%mul3A_2] : memref<327680xi32, #tpu.memory_space<hbm>> -> memref<10240xi32, #tpu.memory_space<hbm>>
      %dma_wait3A_55 = tpu.memref_slice %arg3[%mul3A_2] : memref<327680xi32, #tpu.memory_space<hbm>> -> memref<10240xi32, #tpu.memory_space<hbm>>
      tpu.wait_dma2 semaphore(%run_scoped3A : memref<!tpu.dma_semaphore, #tpu.memory_space<semaphore_mem>>) src(%dma_wait3A_55 : memref<10240xi32, #tpu.memory_space<hbm>>) dst(%arg6 : memref<10240xi32, #tpu.memory_space<vmem>>)
      tpu.yield
    }) : () -> ()
    %broadcast_in_dim3A = arith.constant 0.000000e+00 : f32
    %broadcast_in_dim3A_3 = vector.broadcast %broadcast_in_dim3A : f32 to vector<16xf32>
    %scan3A = arith.constant 0 : i32
    %scan3A_4 = arith.constant 0 : i32
    %scan3A_5 = arith.constant 1024 : i32
    %scan3A_6 = arith.addi %scan3A_4, %scan3A_5 : i32
    %scan3A_7 = arith.constant 1 : i32
    scf.for %scan3A_52 = %scan3A_4 to %scan3A_6 step %scan3A_7  : i32 {
      %jit3A = arith.constant 8 : i32
      %div3A = arith.divsi %scan3A_52, %jit3A : i32
      %sign3A = arith.constant 0 : i32
      %sign3A_53 = arith.cmpi sgt, %scan3A_52, %sign3A : i32
      %sign3A_54 = arith.extui %sign3A_53 : i1 to i32
      %sign3A_55 = arith.constant 0 : i32
      %sign3A_56 = arith.cmpi slt, %scan3A_52, %sign3A_55 : i32
      %sign3A_57 = arith.extui %sign3A_56 : i1 to i32
      %sign3A_58 = arith.subi %sign3A_54, %sign3A_57 : i32
      %sign3A_59 = arith.constant 0 : i32
      %sign3A_60 = arith.cmpi sgt, %jit3A, %sign3A_59 : i32
      %sign3A_61 = arith.extui %sign3A_60 : i1 to i32
      %sign3A_62 = arith.constant 0 : i32
      %sign3A_63 = arith.cmpi slt, %jit3A, %sign3A_62 : i32
      %sign3A_64 = arith.extui %sign3A_63 : i1 to i32
      %sign3A_65 = arith.subi %sign3A_61, %sign3A_64 : i32
      %ne3A = arith.cmpi ne, %sign3A_58, %sign3A_65 : i32
      %rem3A = arith.remsi %scan3A_52, %jit3A : i32
      %ne3A_66 = arith.constant 0 : i32
      %ne3A_67 = arith.cmpi ne, %rem3A, %ne3A_66 : i32
      %and3A = arith.andi %ne3A, %ne3A_67 : i1
      %sub3A = arith.constant 1 : i32
      %sub3A_68 = arith.subi %div3A, %sub3A : i32
      %select_n3A = arith.select %and3A, %sub3A_68, %div3A : i32
      %jit3A_69 = arith.constant 8 : i32
      %eq3A = arith.constant 0 : i32
      %eq3A_70 = arith.cmpi eq, %jit3A_69, %eq3A : i32
      %jit3A_71 = arith.constant 1 : i32
      %select_n3A_72 = arith.select %eq3A_70, %jit3A_71, %jit3A_69 : i32
      %rem3A_73 = arith.remsi %scan3A_52, %select_n3A_72 : i32
      %ne3A_74 = arith.constant 0 : i32
      %ne3A_75 = arith.cmpi ne, %rem3A_73, %ne3A_74 : i32
      %lt3A = arith.constant 0 : i32
      %lt3A_76 = arith.cmpi slt, %rem3A_73, %lt3A : i32
      %lt3A_77 = arith.constant 0 : i32
      %lt3A_78 = arith.cmpi slt, %select_n3A_72, %lt3A_77 : i32
      %ne3A_79 = arith.xori %lt3A_76, %lt3A_78 : i1
      %and3A_80 = arith.andi %ne3A_79, %ne3A_75 : i1
      %add3A_81 = arith.addi %rem3A_73, %select_n3A_72 : i32
      %select_n3A_82 = arith.select %and3A_80, %add3A_81, %rem3A_73 : i32
      %mul3A_83 = arith.constant 16 : i32
      %mul3A_84 = arith.muli %select_n3A_82, %mul3A_83 : i32
      %swap3A = arith.index_cast %select_n3A : i32 to index
      %swap3A_85 = arith.index_cast %mul3A_84 : i32 to index
      %swap3A_86 = tpu.vector_load %arg9[%swap3A, %swap3A_85] {strides = array<i32>} : memref<128x128xf32, #tpu.memory_space<vmem>>, vector<1x16xf32>,
      %swap3A_87 = vector.shape_cast %swap3A_86 : vector<1x16xf32> to vector<16xf32>
      %swap3A_88 = vector.shape_cast %broadcast_in_dim3A_3 : vector<16xf32> to vector<1x16xf32>
      tpu.vector_store %arg9[%swap3A, %swap3A_85], %swap3A_88 {strides = array<i32>} : memref<128x128xf32, #tpu.memory_space<vmem>>, vector<1x16xf32>,
    }
    %scan3A_8 = arith.constant 1024 : i32
    %scan3A_9 = arith.constant 0 : i32
    %scan3A_10 = arith.constant 0 : i32
    %scan3A_11 = arith.constant 5 : i32
    %scan3A_12 = arith.addi %scan3A_10, %scan3A_11 : i32
    %scan3A_13 = arith.constant 1 : i32
    scf.for %scan3A_52 = %scan3A_10 to %scan3A_12 step %scan3A_13  : i32 {
      %mul3A_53 = arith.constant 320 : i32
      %mul3A_54 = arith.muli %arg1, %mul3A_53 : i32
      %mul3A_55 = arith.constant 2 : i32
      %mul3A_56 = arith.muli %mul3A_54, %mul3A_55 : i32
      %mul3A_57 = arith.constant 128 : i32
      %mul3A_58 = arith.muli %scan3A_52, %mul3A_57 : i32
      %add3A_59 = arith.addi %mul3A_56, %mul3A_58 : i32
      "tpu.region"() ({
        %run_scoped3A = tpu.sem_alloc : memref<!tpu.dma_semaphore, #tpu.memory_space<semaphore_mem>>
        %dma_start3A_60 = arith.constant 0 : i32
        %dma_start3A_61 = tpu.memref_slice %arg11[%add3A_59, %dma_start3A_60] : memref<10240x128xf32, #tpu.memory_space<vmem_shared>> -> memref<128x128xf32, #tpu.memory_space<vmem_shared>>
        %dma_start3A_62 = arith.constant 0 : i32
        %dma_start3A_63 = tpu.memref_slice %arg11[%add3A_59, %dma_start3A_62] : memref<10240x128xf32, #tpu.memory_space<vmem_shared>> -> memref<128x128xf32, #tpu.memory_space<vmem_shared>>
        tpu.enqueue_dma source(%arg9 : memref<128x128xf32, #tpu.memory_space<vmem>>) target(%dma_start3A_63 : memref<128x128xf32, #tpu.memory_space<vmem_shared>>) target_semaphore(%run_scoped3A : memref<!tpu.dma_semaphore, #tpu.memory_space<semaphore_mem>>)
        %dma_wait3A_64 = arith.constant 0 : i32
        %dma_wait3A_65 = tpu.memref_slice %arg11[%add3A_59, %dma_wait3A_64] : memref<10240x128xf32, #tpu.memory_space<vmem_shared>> -> memref<128x128xf32, #tpu.memory_space<vmem_shared>>
        %dma_wait3A_66 = arith.constant 0 : i32
        %dma_wait3A_67 = tpu.memref_slice %arg11[%add3A_59, %dma_wait3A_66] : memref<10240x128xf32, #tpu.memory_space<vmem_shared>> -> memref<128x128xf32, #tpu.memory_space<vmem_shared>>
        tpu.wait_dma2 semaphore(%run_scoped3A : memref<!tpu.dma_semaphore, #tpu.memory_space<semaphore_mem>>) src(%arg9 : memref<128x128xf32, #tpu.memory_space<vmem>>) dst(%dma_wait3A_67 : memref<128x128xf32, #tpu.memory_space<vmem_shared>>)
        tpu.yield
      }) : () -> ()
    }
    %scan3A_14 = arith.constant 5 : i32
    %barrier3A = arith.constant 0 : index
    tpu.barrier barrier_id(%barrier3A)
    %mul3A_15 = arith.constant 10240 : i32
    %mul3A_16 = arith.muli %add3A, %mul3A_15 : i32
    %add3A_17 = arith.constant 0 : i32
    %add3A_18 = arith.addi %mul3A_16, %add3A_17 : i32
    "tpu.region"() ({
      %run_scoped3A = tpu.sem_alloc : memref<!tpu.dma_semaphore, #tpu.memory_space<semaphore_mem>>
      %dma_start3A_52 = tpu.memref_slice %arg4[%add3A_18] : memref<327680xi32, #tpu.memory_space<hbm>> -> memref<128xi32, #tpu.memory_space<hbm>>
      %dma_start3A_53 = tpu.memref_slice %arg4[%add3A_18] : memref<327680xi32, #tpu.memory_space<hbm>> -> memref<128xi32, #tpu.memory_space<hbm>>
      tpu.enqueue_dma source(%dma_start3A_53 : memref<128xi32, #tpu.memory_space<hbm>>) target(%arg7 : memref<128xi32, #tpu.memory_space<vmem>>) target_semaphore(%run_scoped3A : memref<!tpu.dma_semaphore, #tpu.memory_space<semaphore_mem>>)
      %dma_wait3A_54 = tpu.memref_slice %arg4[%add3A_18] : memref<327680xi32, #tpu.memory_space<hbm>> -> memref<128xi32, #tpu.memory_space<hbm>>
      %dma_wait3A_55 = tpu.memref_slice %arg4[%add3A_18] : memref<327680xi32, #tpu.memory_space<hbm>> -> memref<128xi32, #tpu.memory_space<hbm>>
      tpu.wait_dma2 semaphore(%run_scoped3A : memref<!tpu.dma_semaphore, #tpu.memory_space<semaphore_mem>>) src(%dma_wait3A_55 : memref<128xi32, #tpu.memory_space<hbm>>) dst(%arg7 : memref<128xi32, #tpu.memory_space<vmem>>)
      tpu.yield
    }) : () -> ()
    %dma_start3A = arith.constant 0 : i32
    %dma_start3A_19 = tpu.memref_slice %arg6[%dma_start3A] : memref<10240xi32, #tpu.memory_space<vmem>> -> memref<128xi32, #tpu.memory_space<vmem>>
    %dma_start3A_20 = arith.constant 0 : i32
    %dma_start3A_21 = arith.constant 0 : i32
    %dma_start3A_22 = tpu.memref_slice %arg2[%dma_start3A_20, %dma_start3A_21] : memref<10000x128xf32, #tpu.memory_space<hbm>> -> memref<10000x128xf32, #tpu.memory_space<hbm>>
    tpu.enqueue_indirect_dma source(%dma_start3A_22 : memref<10000x128xf32, #tpu.memory_space<hbm>>) target(%arg9 : memref<128x128xf32, #tpu.memory_space<vmem>>) offsets(%dma_start3A_19 : memref<128xi32, #tpu.memory_space<vmem>>) semaphore(%arg12 : memref<!tpu.dma_semaphore, #tpu.memory_space<semaphore_mem>>)
    %scan3A_23 = arith.constant 0 : i32
    %scan3A_24 = arith.constant 0 : i32
    %scan3A_25 = arith.constant 39 : i32
    %scan3A_26 = arith.addi %scan3A_24, %scan3A_25 : i32
    %scan3A_27 = arith.constant 1 : i32
    scf.for %scan3A_52 = %scan3A_24 to %scan3A_26 step %scan3A_27  : i32 {
      %mul3A_53 = arith.constant 2 : i32
      %mul3A_54 = arith.muli %mul3A_53, %scan3A_52 : i32
      %add3A_55 = arith.constant 1 : i32
      %add3A_56 = arith.addi %mul3A_54, %add3A_55 : i32
      %mul3A_57 = arith.constant 128 : i32
      %mul3A_58 = arith.muli %add3A_56, %mul3A_57 : i32
      %dma_start3A_59 = tpu.memref_slice %arg6[%mul3A_58] : memref<10240xi32, #tpu.memory_space<vmem>> -> memref<128xi32, #tpu.memory_space<vmem>>
      %dma_start3A_60 = arith.constant 0 : i32
      %dma_start3A_61 = arith.constant 0 : i32
      %dma_start3A_62 = tpu.memref_slice %arg2[%dma_start3A_60, %dma_start3A_61] : memref<10000x128xf32, #tpu.memory_space<hbm>> -> memref<10000x128xf32, #tpu.memory_space<hbm>>
      tpu.enqueue_indirect_dma source(%dma_start3A_62 : memref<10000x128xf32, #tpu.memory_space<hbm>>) target(%arg10 : memref<128x128xf32, #tpu.memory_space<vmem>>) offsets(%dma_start3A_59 : memref<128xi32, #tpu.memory_space<vmem>>) semaphore(%arg13 : memref<!tpu.dma_semaphore, #tpu.memory_space<semaphore_mem>>)
      %add3A_63 = arith.constant 1 : i32
      %add3A_64 = arith.addi %mul3A_54, %add3A_63 : i32
      %mul3A_65 = arith.constant 128 : i32
      %mul3A_66 = arith.muli %add3A_64, %mul3A_65 : i32
      %add3A_67 = arith.addi %mul3A_16, %mul3A_66 : i32
      "tpu.region"() ({
        %run_scoped3A = tpu.sem_alloc : memref<!tpu.dma_semaphore, #tpu.memory_space<semaphore_mem>>
        %dma_start3A_91 = tpu.memref_slice %arg4[%add3A_67] : memref<327680xi32, #tpu.memory_space<hbm>> -> memref<128xi32, #tpu.memory_space<hbm>>
        %dma_start3A_92 = tpu.memref_slice %arg4[%add3A_67] : memref<327680xi32, #tpu.memory_space<hbm>> -> memref<128xi32, #tpu.memory_space<hbm>>
        tpu.enqueue_dma source(%dma_start3A_92 : memref<128xi32, #tpu.memory_space<hbm>>) target(%arg8 : memref<128xi32, #tpu.memory_space<vmem>>) target_semaphore(%run_scoped3A : memref<!tpu.dma_semaphore, #tpu.memory_space<semaphore_mem>>)
        %dma_wait3A_93 = tpu.memref_slice %arg4[%add3A_67] : memref<327680xi32, #tpu.memory_space<hbm>> -> memref<128xi32, #tpu.memory_space<hbm>>
        %dma_wait3A_94 = tpu.memref_slice %arg4[%add3A_67] : memref<327680xi32, #tpu.memory_space<hbm>> -> memref<128xi32, #tpu.memory_space<hbm>>
        tpu.wait_dma2 semaphore(%run_scoped3A : memref<!tpu.dma_semaphore, #tpu.memory_space<semaphore_mem>>) src(%dma_wait3A_94 : memref<128xi32, #tpu.memory_space<hbm>>) dst(%arg8 : memref<128xi32, #tpu.memory_space<vmem>>)
        tpu.yield
      }) : () -> ()
      %dma_wait3A_68 = arith.constant 0 : i32
      %dma_wait3A_69 = tpu.memref_slice %arg6[%dma_wait3A_68] : memref<10240xi32, #tpu.memory_space<vmem>> -> memref<128xi32, #tpu.memory_space<vmem>>
      %dma_wait3A_70 = arith.constant 0 : i32
      %dma_wait3A_71 = arith.constant 0 : i32
      %dma_wait3A_72 = tpu.memref_slice %arg2[%dma_wait3A_70, %dma_wait3A_71] : memref<10000x128xf32, #tpu.memory_space<hbm>> -> memref<10000x128xf32, #tpu.memory_space<hbm>>
      tpu.wait_indirect_dma semaphore(%arg12 : memref<!tpu.dma_semaphore, #tpu.memory_space<semaphore_mem>>) src(%dma_wait3A_72 : memref<10000x128xf32, #tpu.memory_space<hbm>>) dst(%arg9 : memref<128x128xf32, #tpu.memory_space<vmem>>)
      "tpu.region"() ({
        %run_scoped3A = tpu.sem_alloc : memref<!tpu.dma_semaphore, #tpu.memory_space<semaphore_mem>>
        %dma_start3A_91 = arith.constant 0 : i32
        %dma_start3A_92 = arith.constant 0 : i32
        %dma_start3A_93 = tpu.memref_slice %arg11[%dma_start3A_91, %dma_start3A_92] : memref<10240x128xf32, #tpu.memory_space<vmem_shared>> -> memref<10240x128xf32, #tpu.memory_space<vmem_shared>>
        tpu.enqueue_indirect_dma source(%arg9 : memref<128x128xf32, #tpu.memory_space<vmem>>) target(%dma_start3A_93 : memref<10240x128xf32, #tpu.memory_space<vmem_shared>>) offsets(%arg7 : memref<128xi32, #tpu.memory_space<vmem>>) semaphore(%run_scoped3A : memref<!tpu.dma_semaphore, #tpu.memory_space<semaphore_mem>>) {add = true}
        %dma_wait3A_94 = arith.constant 0 : i32
        %dma_wait3A_95 = arith.constant 0 : i32
        %dma_wait3A_96 = tpu.memref_slice %arg11[%dma_wait3A_94, %dma_wait3A_95] : memref<10240x128xf32, #tpu.memory_space<vmem_shared>> -> memref<10240x128xf32, #tpu.memory_space<vmem_shared>>
        tpu.wait_indirect_dma semaphore(%run_scoped3A : memref<!tpu.dma_semaphore, #tpu.memory_space<semaphore_mem>>) src(%arg9 : memref<128x128xf32, #tpu.memory_space<vmem>>) dst(%dma_wait3A_96 : memref<10240x128xf32, #tpu.memory_space<vmem_shared>>)
        tpu.yield
      }) : () -> ()
      %add3A_73 = arith.constant 2 : i32
      %add3A_74 = arith.addi %mul3A_54, %add3A_73 : i32
      %mul3A_75 = arith.constant 128 : i32
      %mul3A_76 = arith.muli %add3A_74, %mul3A_75 : i32
      %dma_start3A_77 = tpu.memref_slice %arg6[%mul3A_76] : memref<10240xi32, #tpu.memory_space<vmem>> -> memref<128xi32, #tpu.memory_space<vmem>>
      %dma_start3A_78 = arith.constant 0 : i32
      %dma_start3A_79 = arith.constant 0 : i32
      %dma_start3A_80 = tpu.memref_slice %arg2[%dma_start3A_78, %dma_start3A_79] : memref<10000x128xf32, #tpu.memory_space<hbm>> -> memref<10000x128xf32, #tpu.memory_space<hbm>>
      tpu.enqueue_indirect_dma source(%dma_start3A_80 : memref<10000x128xf32, #tpu.memory_space<hbm>>) target(%arg9 : memref<128x128xf32, #tpu.memory_space<vmem>>) offsets(%dma_start3A_77 : memref<128xi32, #tpu.memory_space<vmem>>) semaphore(%arg12 : memref<!tpu.dma_semaphore, #tpu.memory_space<semaphore_mem>>)
      %add3A_81 = arith.constant 2 : i32
      %add3A_82 = arith.addi %mul3A_54, %add3A_81 : i32
      %mul3A_83 = arith.constant 128 : i32
      %mul3A_84 = arith.muli %add3A_82, %mul3A_83 : i32
      %add3A_85 = arith.addi %mul3A_16, %mul3A_84 : i32
      "tpu.region"() ({
        %run_scoped3A = tpu.sem_alloc : memref<!tpu.dma_semaphore, #tpu.memory_space<semaphore_mem>>
        %dma_start3A_91 = tpu.memref_slice %arg4[%add3A_85] : memref<327680xi32, #tpu.memory_space<hbm>> -> memref<128xi32, #tpu.memory_space<hbm>>
        %dma_start3A_92 = tpu.memref_slice %arg4[%add3A_85] : memref<327680xi32, #tpu.memory_space<hbm>> -> memref<128xi32, #tpu.memory_space<hbm>>
        tpu.enqueue_dma source(%dma_start3A_92 : memref<128xi32, #tpu.memory_space<hbm>>) target(%arg7 : memref<128xi32, #tpu.memory_space<vmem>>) target_semaphore(%run_scoped3A : memref<!tpu.dma_semaphore, #tpu.memory_space<semaphore_mem>>)
        %dma_wait3A_93 = tpu.memref_slice %arg4[%add3A_85] : memref<327680xi32, #tpu.memory_space<hbm>> -> memref<128xi32, #tpu.memory_space<hbm>>
        %dma_wait3A_94 = tpu.memref_slice %arg4[%add3A_85] : memref<327680xi32, #tpu.memory_space<hbm>> -> memref<128xi32, #tpu.memory_space<hbm>>
        tpu.wait_dma2 semaphore(%run_scoped3A : memref<!tpu.dma_semaphore, #tpu.memory_space<semaphore_mem>>) src(%dma_wait3A_94 : memref<128xi32, #tpu.memory_space<hbm>>) dst(%arg7 : memref<128xi32, #tpu.memory_space<vmem>>)
        tpu.yield
      }) : () -> ()
      %dma_wait3A_86 = arith.constant 0 : i32
      %dma_wait3A_87 = tpu.memref_slice %arg6[%dma_wait3A_86] : memref<10240xi32, #tpu.memory_space<vmem>> -> memref<128xi32, #tpu.memory_space<vmem>>
      %dma_wait3A_88 = arith.constant 0 : i32
      %dma_wait3A_89 = arith.constant 0 : i32
      %dma_wait3A_90 = tpu.memref_slice %arg2[%dma_wait3A_88, %dma_wait3A_89] : memref<10000x128xf32, #tpu.memory_space<hbm>> -> memref<10000x128xf32, #tpu.memory_space<hbm>>
      tpu.wait_indirect_dma semaphore(%arg13 : memref<!tpu.dma_semaphore, #tpu.memory_space<semaphore_mem>>) src(%dma_wait3A_90 : memref<10000x128xf32, #tpu.memory_space<hbm>>) dst(%arg10 : memref<128x128xf32, #tpu.memory_space<vmem>>)
      "tpu.region"() ({
        %run_scoped3A = tpu.sem_alloc : memref<!tpu.dma_semaphore, #tpu.memory_space<semaphore_mem>>
        %dma_start3A_91 = arith.constant 0 : i32
        %dma_start3A_92 = arith.constant 0 : i32
        %dma_start3A_93 = tpu.memref_slice %arg11[%dma_start3A_91, %dma_start3A_92] : memref<10240x128xf32, #tpu.memory_space<vmem_shared>> -> memref<10240x128xf32, #tpu.memory_space<vmem_shared>>
        tpu.enqueue_indirect_dma source(%arg10 : memref<128x128xf32, #tpu.memory_space<vmem>>) target(%dma_start3A_93 : memref<10240x128xf32, #tpu.memory_space<vmem_shared>>) offsets(%arg8 : memref<128xi32, #tpu.memory_space<vmem>>) semaphore(%run_scoped3A : memref<!tpu.dma_semaphore, #tpu.memory_space<semaphore_mem>>) {add = true}
        %dma_wait3A_94 = arith.constant 0 : i32
        %dma_wait3A_95 = arith.constant 0 : i32
        %dma_wait3A_96 = tpu.memref_slice %arg11[%dma_wait3A_94, %dma_wait3A_95] : memref<10240x128xf32, #tpu.memory_space<vmem_shared>> -> memref<10240x128xf32, #tpu.memory_space<vmem_shared>>
        tpu.wait_indirect_dma semaphore(%run_scoped3A : memref<!tpu.dma_semaphore, #tpu.memory_space<semaphore_mem>>) src(%arg10 : memref<128x128xf32, #tpu.memory_space<vmem>>) dst(%dma_wait3A_96 : memref<10240x128xf32, #tpu.memory_space<vmem_shared>>)
        tpu.yield
      }) : () -> ()
    }
    %scan3A_28 = arith.constant 39 : i32
    %dma_start3A_29 = arith.constant 10112 : i32
    %dma_start3A_30 = tpu.memref_slice %arg6[%dma_start3A_29] : memref<10240xi32, #tpu.memory_space<vmem>> -> memref<128xi32, #tpu.memory_space<vmem>>
    %dma_start3A_31 = arith.constant 0 : i32
    %dma_start3A_32 = arith.constant 0 : i32
    %dma_start3A_33 = tpu.memref_slice %arg2[%dma_start3A_31, %dma_start3A_32] : memref<10000x128xf32, #tpu.memory_space<hbm>> -> memref<10000x128xf32, #tpu.memory_space<hbm>>
    tpu.enqueue_indirect_dma source(%dma_start3A_33 : memref<10000x128xf32, #tpu.memory_space<hbm>>) target(%arg10 : memref<128x128xf32, #tpu.memory_space<vmem>>) offsets(%dma_start3A_30 : memref<128xi32, #tpu.memory_space<vmem>>) semaphore(%arg13 : memref<!tpu.dma_semaphore, #tpu.memory_space<semaphore_mem>>)
    %add3A_34 = arith.constant 10112 : i32
    %add3A_35 = arith.addi %mul3A_16, %add3A_34 : i32
    "tpu.region"() ({
      %run_scoped3A = tpu.sem_alloc : memref<!tpu.dma_semaphore, #tpu.memory_space<semaphore_mem>>
      %dma_start3A_52 = tpu.memref_slice %arg4[%add3A_35] : memref<327680xi32, #tpu.memory_space<hbm>> -> memref<128xi32, #tpu.memory_space<hbm>>
      %dma_start3A_53 = tpu.memref_slice %arg4[%add3A_35] : memref<327680xi32, #tpu.memory_space<hbm>> -> memref<128xi32, #tpu.memory_space<hbm>>
      tpu.enqueue_dma source(%dma_start3A_53 : memref<128xi32, #tpu.memory_space<hbm>>) target(%arg8 : memref<128xi32, #tpu.memory_space<vmem>>) target_semaphore(%run_scoped3A : memref<!tpu.dma_semaphore, #tpu.memory_space<semaphore_mem>>)
      %dma_wait3A_54 = tpu.memref_slice %arg4[%add3A_35] : memref<327680xi32, #tpu.memory_space<hbm>> -> memref<128xi32, #tpu.memory_space<hbm>>
      %dma_wait3A_55 = tpu.memref_slice %arg4[%add3A_35] : memref<327680xi32, #tpu.memory_space<hbm>> -> memref<128xi32, #tpu.memory_space<hbm>>
      tpu.wait_dma2 semaphore(%run_scoped3A : memref<!tpu.dma_semaphore, #tpu.memory_space<semaphore_mem>>) src(%dma_wait3A_55 : memref<128xi32, #tpu.memory_space<hbm>>) dst(%arg8 : memref<128xi32, #tpu.memory_space<vmem>>)
      tpu.yield
    }) : () -> ()
    %dma_wait3A = arith.constant 0 : i32
    %dma_wait3A_36 = tpu.memref_slice %arg6[%dma_wait3A] : memref<10240xi32, #tpu.memory_space<vmem>> -> memref<128xi32, #tpu.memory_space<vmem>>
    %dma_wait3A_37 = arith.constant 0 : i32
    %dma_wait3A_38 = arith.constant 0 : i32
    %dma_wait3A_39 = tpu.memref_slice %arg2[%dma_wait3A_37, %dma_wait3A_38] : memref<10000x128xf32, #tpu.memory_space<hbm>> -> memref<10000x128xf32, #tpu.memory_space<hbm>>
    tpu.wait_indirect_dma semaphore(%arg12 : memref<!tpu.dma_semaphore, #tpu.memory_space<semaphore_mem>>) src(%dma_wait3A_39 : memref<10000x128xf32, #tpu.memory_space<hbm>>) dst(%arg9 : memref<128x128xf32, #tpu.memory_space<vmem>>)
    "tpu.region"() ({
      %run_scoped3A = tpu.sem_alloc : memref<!tpu.dma_semaphore, #tpu.memory_space<semaphore_mem>>
      %dma_start3A_52 = arith.constant 0 : i32
      %dma_start3A_53 = arith.constant 0 : i32
      %dma_start3A_54 = tpu.memref_slice %arg11[%dma_start3A_52, %dma_start3A_53] : memref<10240x128xf32, #tpu.memory_space<vmem_shared>> -> memref<10240x128xf32, #tpu.memory_space<vmem_shared>>
      tpu.enqueue_indirect_dma source(%arg9 : memref<128x128xf32, #tpu.memory_space<vmem>>) target(%dma_start3A_54 : memref<10240x128xf32, #tpu.memory_space<vmem_shared>>) offsets(%arg7 : memref<128xi32, #tpu.memory_space<vmem>>) semaphore(%run_scoped3A : memref<!tpu.dma_semaphore, #tpu.memory_space<semaphore_mem>>) {add = true}
      %dma_wait3A_55 = arith.constant 0 : i32
      %dma_wait3A_56 = arith.constant 0 : i32
      %dma_wait3A_57 = tpu.memref_slice %arg11[%dma_wait3A_55, %dma_wait3A_56] : memref<10240x128xf32, #tpu.memory_space<vmem_shared>> -> memref<10240x128xf32, #tpu.memory_space<vmem_shared>>
      tpu.wait_indirect_dma semaphore(%run_scoped3A : memref<!tpu.dma_semaphore, #tpu.memory_space<semaphore_mem>>) src(%arg9 : memref<128x128xf32, #tpu.memory_space<vmem>>) dst(%dma_wait3A_57 : memref<10240x128xf32, #tpu.memory_space<vmem_shared>>)
      tpu.yield
    }) : () -> ()
    %dma_wait3A_40 = arith.constant 0 : i32
    %dma_wait3A_41 = tpu.memref_slice %arg6[%dma_wait3A_40] : memref<10240xi32, #tpu.memory_space<vmem>> -> memref<128xi32, #tpu.memory_space<vmem>>
    %dma_wait3A_42 = arith.constant 0 : i32
    %dma_wait3A_43 = arith.constant 0 : i32
    %dma_wait3A_44 = tpu.memref_slice %arg2[%dma_wait3A_42, %dma_wait3A_43] : memref<10000x128xf32, #tpu.memory_space<hbm>> -> memref<10000x128xf32, #tpu.memory_space<hbm>>
    tpu.wait_indirect_dma semaphore(%arg13 : memref<!tpu.dma_semaphore, #tpu.memory_space<semaphore_mem>>) src(%dma_wait3A_44 : memref<10000x128xf32, #tpu.memory_space<hbm>>) dst(%arg10 : memref<128x128xf32, #tpu.memory_space<vmem>>)
    "tpu.region"() ({
      %run_scoped3A = tpu.sem_alloc : memref<!tpu.dma_semaphore, #tpu.memory_space<semaphore_mem>>
      %dma_start3A_52 = arith.constant 0 : i32
      %dma_start3A_53 = arith.constant 0 : i32
      %dma_start3A_54 = tpu.memref_slice %arg11[%dma_start3A_52, %dma_start3A_53] : memref<10240x128xf32, #tpu.memory_space<vmem_shared>> -> memref<10240x128xf32, #tpu.memory_space<vmem_shared>>
      tpu.enqueue_indirect_dma source(%arg10 : memref<128x128xf32, #tpu.memory_space<vmem>>) target(%dma_start3A_54 : memref<10240x128xf32, #tpu.memory_space<vmem_shared>>) offsets(%arg8 : memref<128xi32, #tpu.memory_space<vmem>>) semaphore(%run_scoped3A : memref<!tpu.dma_semaphore, #tpu.memory_space<semaphore_mem>>) {add = true}
      %dma_wait3A_55 = arith.constant 0 : i32
      %dma_wait3A_56 = arith.constant 0 : i32
      %dma_wait3A_57 = tpu.memref_slice %arg11[%dma_wait3A_55, %dma_wait3A_56] : memref<10240x128xf32, #tpu.memory_space<vmem_shared>> -> memref<10240x128xf32, #tpu.memory_space<vmem_shared>>
      tpu.wait_indirect_dma semaphore(%run_scoped3A : memref<!tpu.dma_semaphore, #tpu.memory_space<semaphore_mem>>) src(%arg10 : memref<128x128xf32, #tpu.memory_space<vmem>>) dst(%dma_wait3A_57 : memref<10240x128xf32, #tpu.memory_space<vmem_shared>>)
      tpu.yield
    }) : () -> ()
    %barrier3A_45 = arith.constant 0 : index
    tpu.barrier barrier_id(%barrier3A_45)
    %scan3A_46 = arith.constant 0 : i32
    %scan3A_47 = arith.constant 0 : i32
    %scan3A_48 = arith.constant 5 : i32
    %scan3A_49 = arith.addi %scan3A_47, %scan3A_48 : i32
    %scan3A_50 = arith.constant 1 : i32
    scf.for %scan3A_52 = %scan3A_47 to %scan3A_49 step %scan3A_50  : i32 {
      %mul3A_53 = arith.constant 320 : i32
      %mul3A_54 = arith.muli %arg1, %mul3A_53 : i32
      %mul3A_55 = arith.constant 2 : i32
      %mul3A_56 = arith.muli %mul3A_54, %mul3A_55 : i32
      %mul3A_57 = arith.constant 128 : i32
      %mul3A_58 = arith.muli %scan3A_52, %mul3A_57 : i32
      %add3A_59 = arith.addi %mul3A_56, %mul3A_58 : i32
      "tpu.region"() ({
        %run_scoped3A = tpu.sem_alloc : memref<!tpu.dma_semaphore, #tpu.memory_space<semaphore_mem>>
        %dma_start3A_60 = arith.constant 0 : i32
        %dma_start3A_61 = tpu.memref_slice %arg11[%add3A_59, %dma_start3A_60] : memref<10240x128xf32, #tpu.memory_space<vmem_shared>> -> memref<128x128xf32, #tpu.memory_space<vmem_shared>>
        %dma_start3A_62 = arith.constant 0 : i32
        %dma_start3A_63 = tpu.memref_slice %arg11[%add3A_59, %dma_start3A_62] : memref<10240x128xf32, #tpu.memory_space<vmem_shared>> -> memref<128x128xf32, #tpu.memory_space<vmem_shared>>
        tpu.enqueue_dma source(%dma_start3A_63 : memref<128x128xf32, #tpu.memory_space<vmem_shared>>) target(%arg9 : memref<128x128xf32, #tpu.memory_space<vmem>>) target_semaphore(%run_scoped3A : memref<!tpu.dma_semaphore, #tpu.memory_space<semaphore_mem>>)
        %dma_wait3A_64 = arith.constant 0 : i32
        %dma_wait3A_65 = tpu.memref_slice %arg11[%add3A_59, %dma_wait3A_64] : memref<10240x128xf32, #tpu.memory_space<vmem_shared>> -> memref<128x128xf32, #tpu.memory_space<vmem_shared>>
        %dma_wait3A_66 = arith.constant 0 : i32
        %dma_wait3A_67 = tpu.memref_slice %arg11[%add3A_59, %dma_wait3A_66] : memref<10240x128xf32, #tpu.memory_space<vmem_shared>> -> memref<128x128xf32, #tpu.memory_space<vmem_shared>>
        tpu.wait_dma2 semaphore(%run_scoped3A : memref<!tpu.dma_semaphore, #tpu.memory_space<semaphore_mem>>) src(%dma_wait3A_67 : memref<128x128xf32, #tpu.memory_space<vmem_shared>>) dst(%arg9 : memref<128x128xf32, #tpu.memory_space<vmem>>)
        tpu.yield
      }) : () -> ()
      "tpu.region"() ({
        %run_scoped3A = tpu.sem_alloc : memref<!tpu.dma_semaphore, #tpu.memory_space<semaphore_mem>>
        %dma_start3A_60 = arith.constant 0 : i32
        %dma_start3A_61 = tpu.memref_slice %arg5[%arg0, %add3A_59, %dma_start3A_60] : memref<2x10240x128xf32, #tpu.memory_space<hbm>> -> memref<1x128x128xf32, #tpu.memory_space<hbm>>
        %dma_start3A_62 = tpu.memref_squeeze %dma_start3A_61 : memref<1x128x128xf32, #tpu.memory_space<hbm>> -> memref<128x128xf32, #tpu.memory_space<hbm>>
        %dma_start3A_63 = arith.constant 0 : i32
        %dma_start3A_64 = tpu.memref_slice %arg5[%arg0, %add3A_59, %dma_start3A_63] : memref<2x10240x128xf32, #tpu.memory_space<hbm>> -> memref<1x128x128xf32, #tpu.memory_space<hbm>>
        %dma_start3A_65 = tpu.memref_squeeze %dma_start3A_64 : memref<1x128x128xf32, #tpu.memory_space<hbm>> -> memref<128x128xf32, #tpu.memory_space<hbm>>
        tpu.enqueue_dma source(%arg9 : memref<128x128xf32, #tpu.memory_space<vmem>>) target(%dma_start3A_65 : memref<128x128xf32, #tpu.memory_space<hbm>>) target_semaphore(%run_scoped3A : memref<!tpu.dma_semaphore, #tpu.memory_space<semaphore_mem>>)
        %dma_wait3A_66 = arith.constant 0 : i32
        %dma_wait3A_67 = tpu.memref_slice %arg5[%arg0, %add3A_59, %dma_wait3A_66] : memref<2x10240x128xf32, #tpu.memory_space<hbm>> -> memref<1x128x128xf32, #tpu.memory_space<hbm>>
        %dma_wait3A_68 = tpu.memref_squeeze %dma_wait3A_67 : memref<1x128x128xf32, #tpu.memory_space<hbm>> -> memref<128x128xf32, #tpu.memory_space<hbm>>
        %dma_wait3A_69 = arith.constant 0 : i32
        %dma_wait3A_70 = tpu.memref_slice %arg5[%arg0, %add3A_59, %dma_wait3A_69] : memref<2x10240x128xf32, #tpu.memory_space<hbm>> -> memref<1x128x128xf32, #tpu.memory_space<hbm>>
        %dma_wait3A_71 = tpu.memref_squeeze %dma_wait3A_70 : memref<1x128x128xf32, #tpu.memory_space<hbm>> -> memref<128x128xf32, #tpu.memory_space<hbm>>
        tpu.wait_dma2 semaphore(%run_scoped3A : memref<!tpu.dma_semaphore, #tpu.memory_space<semaphore_mem>>) src(%arg9 : memref<128x128xf32, #tpu.memory_space<vmem>>) dst(%dma_wait3A_71 : memref<128x128xf32, #tpu.memory_space<hbm>>)
        tpu.yield
      }) : () -> ()
    }
    %scan3A_51 = arith.constant 5 : i32
    return
  }
}

module attributes {stable_mosaic.version = 14 : i64} {
  func.func @body(%arg0: i32, %arg1: memref<2000x128xf32, #tpu.memory_space<vmem>>, %arg2: memref<128x128xf32, #tpu.memory_space<vmem>>, %arg3: memref<1x128xf32, #tpu.memory_space<vmem>>, %arg4: memref<2x2000x128xf32, #tpu.memory_space<vmem>>, %arg5: memref<1x128xf32, #tpu.memory_space<vmem>>, %arg6: memref<2000x128xf32, #tpu.memory_space<vmem>>, %arg7: memref<2000x1xf32, #tpu.memory_space<vmem>>) attributes {dimension_semantics = [#tpu.dimension_semantics<arbitrary>], iteration_bounds = array<i64: 5>, scalar_prefetch = 0 : i64, scratch_operands = 0 : i64, tpu.core_type = #tpu.core_type<tc>, window_params = [{transform_indices = @transform_0, window_bounds = array<i64: 2000, 128>}, {pipeline_mode = #tpu.pipeline_mode<synchronous>, transform_indices = @transform_1, window_bounds = array<i64: 128, 128>}, {pipeline_mode = #tpu.pipeline_mode<synchronous>, transform_indices = @transform_2, window_bounds = array<i64: 1, 128>}, {transform_indices = @transform_3, window_bounds = array<i64: 2, 2000, 128>}, {pipeline_mode = #tpu.pipeline_mode<synchronous>, transform_indices = @transform_4, window_bounds = array<i64: 1, 128>}, {transform_indices = @transform_5, window_bounds = array<i64: 2000, 128>}, {transform_indices = @transform_6, window_bounds = array<i64: 2000, 1>}]} {
    %get3A = arith.constant 0 : index
    %get3A_0 = arith.constant 0 : index
    %get3A_1 = arith.constant 0 : index
    %get3A_2 = vector.load %arg4[%get3A, %get3A_0, %get3A_1] : memref<2x2000x128xf32, #tpu.memory_space<vmem>>, vector<1x2000x1xf32>
    %get3A_3 = vector.shape_cast %get3A_2 : vector<1x2000x1xf32> to vector<2000x1xf32>
    %get3A_4 = arith.constant 1 : index
    %get3A_5 = arith.constant 0 : index
    %get3A_6 = arith.constant 0 : index
    %get3A_7 = vector.load %arg4[%get3A_4, %get3A_5, %get3A_6] : memref<2x2000x128xf32, #tpu.memory_space<vmem>>, vector<1x2000x1xf32>
    %get3A_8 = vector.shape_cast %get3A_7 : vector<1x2000x1xf32> to vector<2000x1xf32>
    %add3A = arith.addf %get3A_3, %get3A_8 : vector<2000x1xf32>
    %gt3A = arith.constant 0.000000e+00 : f32
    %gt3A_9 = vector.broadcast %gt3A : f32 to vector<2000x1xf32>
    %gt3A_10 = arith.cmpf ogt, %add3A, %gt3A_9 : vector<2000x1xf32>
    %convert_element_type3A = arith.extui %gt3A_10 : vector<2000x1xi1> to vector<2000x1xi32>
    %convert_element_type3A_11 = arith.sitofp %convert_element_type3A : vector<2000x1xi32> to vector<2000x1xf32>
    %get3A_12 = arith.constant 0 : index
    %get3A_13 = arith.constant 0 : index
    %get3A_14 = vector.load %arg1[%get3A_12, %get3A_13] : memref<2000x128xf32, #tpu.memory_space<vmem>>, vector<2000x128xf32>
    %get3A_15 = arith.constant 0 : index
    %get3A_16 = arith.constant 0 : index
    %get3A_17 = vector.load %arg2[%get3A_15, %get3A_16] : memref<128x128xf32, #tpu.memory_space<vmem>>, vector<128x128xf32>
    %dot_general3A = arith.constant dense<0.000000e+00> : vector<2000x128xf32>
    %dot_general3A_18 = tpu.matmul %get3A_14, %get3A_17, %dot_general3A {dimension_numbers = #tpu.dot_dimension_numbers<[1], [0], [0], [1], [0, 0, 1, 1], [], []>, transpose_lhs_hint = false} : vector<2000x128xf32>, vector<128x128xf32>, vector<2000x128xf32> -> vector<2000x128xf32>
    %get3A_19 = arith.constant 0 : index
    %get3A_20 = arith.constant 0 : index
    %get3A_21 = vector.load %arg3[%get3A_19, %get3A_20] : memref<1x128xf32, #tpu.memory_space<vmem>>, vector<1x128xf32>
    %add3A_22 = vector.broadcast %get3A_21 : vector<1x128xf32> to vector<2000x128xf32>
    %add3A_23 = arith.addf %dot_general3A_18, %add3A_22 : vector<2000x128xf32>
    %get3A_24 = arith.constant 0 : index
    %get3A_25 = arith.constant 0 : index
    %get3A_26 = vector.load %arg5[%get3A_24, %get3A_25] : memref<1x128xf32, #tpu.memory_space<vmem>>, vector<1x128xf32>
    %mul3A = vector.broadcast %convert_element_type3A_11 : vector<2000x1xf32> to vector<2000x128xf32>
    %mul3A_27 = vector.broadcast %get3A_26 : vector<1x128xf32> to vector<2000x128xf32>
    %mul3A_28 = arith.mulf %mul3A, %mul3A_27 : vector<2000x128xf32>
    %add3A_29 = arith.addf %add3A_23, %mul3A_28 : vector<2000x128xf32>
    %swap3A = arith.constant 0 : index
    %swap3A_30 = arith.constant 0 : index
    %swap3A_31 = vector.load %arg6[%swap3A, %swap3A_30] : memref<2000x128xf32, #tpu.memory_space<vmem>>, vector<2000x128xf32>
    tpu.vector_store %arg6[%swap3A, %swap3A_30], %add3A_29 {strides = array<i32>} : memref<2000x128xf32, #tpu.memory_space<vmem>>, vector<2000x128xf32>,
    %max3A = arith.constant 1.000000e+00 : f32
    %max3A_32 = vector.broadcast %max3A : f32 to vector<2000x1xf32>
    %max3A_33 = arith.maximumf %add3A, %max3A_32 : vector<2000x1xf32>
    %div3A = arith.constant 1.000000e+00 : f32
    %div3A_34 = vector.broadcast %div3A : f32 to vector<2000x1xf32>
    %div3A_35 = arith.divf %div3A_34, %max3A_33 : vector<2000x1xf32>
    %swap3A_36 = arith.constant 0 : index
    %swap3A_37 = arith.constant 0 : index
    %swap3A_38 = vector.load %arg7[%swap3A_36, %swap3A_37] : memref<2000x1xf32, #tpu.memory_space<vmem>>, vector<2000x1xf32>
    tpu.vector_store %arg7[%swap3A_36, %swap3A_37], %div3A_35 {strides = array<i32>} : memref<2000x1xf32, #tpu.memory_space<vmem>>, vector<2000x1xf32>,
    return
  }
  func.func @transform_0(%arg0: i32) -> (i32, i32) {
    %c0_i32 = arith.constant 0 : i32
    %c0_i32_0 = arith.constant 0 : i32
    return %arg0, %c0_i32 : i32, i32
  }
  func.func @transform_1(%arg0: i32) -> (i32, i32) {
    %c0_i32 = arith.constant 0 : i32
    %c0_i32_0 = arith.constant 0 : i32
    %c0_i32_1 = arith.constant 0 : i32
    return %c0_i32, %c0_i32_0 : i32, i32
  }
  func.func @transform_2(%arg0: i32) -> (i32, i32) {
    %c0_i32 = arith.constant 0 : i32
    %c0_i32_0 = arith.constant 0 : i32
    %c0_i32_1 = arith.constant 0 : i32
    return %c0_i32, %c0_i32_0 : i32, i32
  }
  func.func @transform_3(%arg0: i32) -> (i32, i32, i32) {
    %c0_i32 = arith.constant 0 : i32
    %c0_i32_0 = arith.constant 0 : i32
    %c0_i32_1 = arith.constant 0 : i32
    return %c0_i32, %arg0, %c0_i32_0 : i32, i32, i32
  }
  func.func @transform_4(%arg0: i32) -> (i32, i32) {
    %c0_i32 = arith.constant 0 : i32
    %c0_i32_0 = arith.constant 0 : i32
    %c0_i32_1 = arith.constant 0 : i32
    return %c0_i32, %c0_i32_0 : i32, i32
  }
  func.func @transform_5(%arg0: i32) -> (i32, i32) {
    %c0_i32 = arith.constant 0 : i32
    %c0_i32_0 = arith.constant 0 : i32
    return %arg0, %c0_i32 : i32, i32
  }
  func.func @transform_6(%arg0: i32) -> (i32, i32) {
    %c0_i32 = arith.constant 0 : i32
    %c0_i32_0 = arith.constant 0 : i32
    return %arg0, %c0_i32 : i32, i32
  }
}

module attributes {stable_mosaic.version = 14 : i64} {
  func.func @body(%arg0: i32, %arg1: memref<2x2000x128xf32, #tpu.memory_space<vmem>>, %arg2: memref<2000x128xf32, #tpu.memory_space<vmem>>, %arg3: memref<2000x1xf32, #tpu.memory_space<vmem>>, %arg4: memref<128x128xf32, #tpu.memory_space<vmem>>, %arg5: memref<2000x128xf32, #tpu.memory_space<vmem>>, %arg6: memref<2000x128xf32, #tpu.memory_space<vmem>>) attributes {dimension_semantics = [#tpu.dimension_semantics<arbitrary>], iteration_bounds = array<i64: 5>, scalar_prefetch = 0 : i64, scratch_operands = 0 : i64, tpu.core_type = #tpu.core_type<tc>, window_params = [{transform_indices = @transform_0, window_bounds = array<i64: 2, 2000, 128>}, {transform_indices = @transform_1, window_bounds = array<i64: 2000, 128>}, {transform_indices = @transform_2, window_bounds = array<i64: 2000, 1>}, {pipeline_mode = #tpu.pipeline_mode<synchronous>, transform_indices = @transform_3, window_bounds = array<i64: 128, 128>}, {transform_indices = @transform_4, window_bounds = array<i64: 2000, 128>}, {transform_indices = @transform_5, window_bounds = array<i64: 2000, 128>}]} {
    %get3A = arith.constant 0 : index
    %get3A_0 = arith.constant 0 : index
    %get3A_1 = arith.constant 0 : index
    %get3A_2 = vector.load %arg1[%get3A, %get3A_0, %get3A_1] : memref<2x2000x128xf32, #tpu.memory_space<vmem>>, vector<1x2000x128xf32>
    %get3A_3 = vector.shape_cast %get3A_2 : vector<1x2000x128xf32> to vector<2000x128xf32>
    %get3A_4 = arith.constant 1 : index
    %get3A_5 = arith.constant 0 : index
    %get3A_6 = arith.constant 0 : index
    %get3A_7 = vector.load %arg1[%get3A_4, %get3A_5, %get3A_6] : memref<2x2000x128xf32, #tpu.memory_space<vmem>>, vector<1x2000x128xf32>
    %get3A_8 = vector.shape_cast %get3A_7 : vector<1x2000x128xf32> to vector<2000x128xf32>
    %add3A = arith.addf %get3A_3, %get3A_8 : vector<2000x128xf32>
    %get3A_9 = arith.constant 0 : index
    %get3A_10 = arith.constant 0 : index
    %get3A_11 = vector.load %arg2[%get3A_9, %get3A_10] : memref<2000x128xf32, #tpu.memory_space<vmem>>, vector<2000x128xf32>
    %get3A_12 = arith.constant 0 : index
    %get3A_13 = arith.constant 0 : index
    %get3A_14 = vector.load %arg4[%get3A_12, %get3A_13] : memref<128x128xf32, #tpu.memory_space<vmem>>, vector<128x128xf32>
    %dot_general3A = arith.constant dense<0.000000e+00> : vector<2000x128xf32>
    %dot_general3A_15 = tpu.matmul %add3A, %get3A_14, %dot_general3A {dimension_numbers = #tpu.dot_dimension_numbers<[1], [0], [0], [1], [0, 0, 1, 1], [], []>, transpose_lhs_hint = false} : vector<2000x128xf32>, vector<128x128xf32>, vector<2000x128xf32> -> vector<2000x128xf32>
    %get3A_16 = arith.constant 0 : index
    %get3A_17 = arith.constant 0 : index
    %get3A_18 = vector.load %arg3[%get3A_16, %get3A_17] : memref<2000x1xf32, #tpu.memory_space<vmem>>, vector<2000x1xf32>
    %mul3A = vector.broadcast %get3A_18 : vector<2000x1xf32> to vector<2000x128xf32>
    %mul3A_19 = arith.mulf %dot_general3A_15, %mul3A : vector<2000x128xf32>
    %add3A_20 = arith.addf %get3A_11, %mul3A_19 : vector<2000x128xf32>
    %swap3A = arith.constant 0 : index
    %swap3A_21 = arith.constant 0 : index
    %swap3A_22 = vector.load %arg5[%swap3A, %swap3A_21] : memref<2000x128xf32, #tpu.memory_space<vmem>>, vector<2000x128xf32>
    tpu.vector_store %arg5[%swap3A, %swap3A_21], %add3A_20 {strides = array<i32>} : memref<2000x128xf32, #tpu.memory_space<vmem>>, vector<2000x128xf32>,
    %max3A = arith.constant 0.000000e+00 : f32
    %max3A_23 = vector.broadcast %max3A : f32 to vector<2000x128xf32>
    %max3A_24 = arith.maximumf %add3A_20, %max3A_23 : vector<2000x128xf32>
    %swap3A_25 = arith.constant 0 : index
    %swap3A_26 = arith.constant 0 : index
    %swap3A_27 = vector.load %arg6[%swap3A_25, %swap3A_26] : memref<2000x128xf32, #tpu.memory_space<vmem>>, vector<2000x128xf32>
    tpu.vector_store %arg6[%swap3A_25, %swap3A_26], %max3A_24 {strides = array<i32>} : memref<2000x128xf32, #tpu.memory_space<vmem>>, vector<2000x128xf32>,
    return
  }
  func.func @transform_0(%arg0: i32) -> (i32, i32, i32) {
    %c0_i32 = arith.constant 0 : i32
    %c0_i32_0 = arith.constant 0 : i32
    %c0_i32_1 = arith.constant 0 : i32
    return %c0_i32, %arg0, %c0_i32_0 : i32, i32, i32
  }
  func.func @transform_1(%arg0: i32) -> (i32, i32) {
    %c0_i32 = arith.constant 0 : i32
    %c0_i32_0 = arith.constant 0 : i32
    return %arg0, %c0_i32 : i32, i32
  }
  func.func @transform_2(%arg0: i32) -> (i32, i32) {
    %c0_i32 = arith.constant 0 : i32
    %c0_i32_0 = arith.constant 0 : i32
    return %arg0, %c0_i32 : i32, i32
  }
  func.func @transform_3(%arg0: i32) -> (i32, i32) {
    %c0_i32 = arith.constant 0 : i32
    %c0_i32_0 = arith.constant 0 : i32
    %c0_i32_1 = arith.constant 0 : i32
    return %c0_i32, %c0_i32_0 : i32, i32
  }
  func.func @transform_4(%arg0: i32) -> (i32, i32) {
    %c0_i32 = arith.constant 0 : i32
    %c0_i32_0 = arith.constant 0 : i32
    return %arg0, %c0_i32 : i32, i32
  }
  func.func @transform_5(%arg0: i32) -> (i32, i32) {
    %c0_i32 = arith.constant 0 : i32
    %c0_i32_0 = arith.constant 0 : i32
    return %arg0, %c0_i32 : i32, i32
  }
}

module attributes {stable_mosaic.version = 14 : i64} {
  func.func @body(%arg0: i32, %arg1: memref<2x2000x128xf32, #tpu.memory_space<vmem>>, %arg2: memref<2000x128xf32, #tpu.memory_space<vmem>>, %arg3: memref<2000x1xf32, #tpu.memory_space<vmem>>, %arg4: memref<128x128xf32, #tpu.memory_space<vmem>>, %arg5: memref<2000x128xf32, #tpu.memory_space<vmem>>, %arg6: memref<2000x128xf32, #tpu.memory_space<vmem>>, %arg7: memref<3x2000x128xf32, #tpu.memory_space<vmem>>, %arg8: memref<2000x128xf32, #tpu.memory_space<vmem>>) attributes {dimension_semantics = [#tpu.dimension_semantics<arbitrary>], iteration_bounds = array<i64: 5>, scalar_prefetch = 0 : i64, scratch_operands = 0 : i64, tpu.core_type = #tpu.core_type<tc>, window_params = [{transform_indices = @transform_0, window_bounds = array<i64: 2, 2000, 128>}, {transform_indices = @transform_1, window_bounds = array<i64: 2000, 128>}, {transform_indices = @transform_2, window_bounds = array<i64: 2000, 1>}, {pipeline_mode = #tpu.pipeline_mode<synchronous>, transform_indices = @transform_3, window_bounds = array<i64: 128, 128>}, {transform_indices = @transform_4, window_bounds = array<i64: 2000, 128>}, {transform_indices = @transform_5, window_bounds = array<i64: 2000, 128>}, {transform_indices = @transform_6, window_bounds = array<i64: 3, 2000, 128>}, {transform_indices = @transform_7, window_bounds = array<i64: 2000, 128>}]} {
    %get3A = arith.constant 0 : index
    %get3A_0 = arith.constant 0 : index
    %get3A_1 = arith.constant 0 : index
    %get3A_2 = vector.load %arg1[%get3A, %get3A_0, %get3A_1] : memref<2x2000x128xf32, #tpu.memory_space<vmem>>, vector<1x2000x128xf32>
    %get3A_3 = vector.shape_cast %get3A_2 : vector<1x2000x128xf32> to vector<2000x128xf32>
    %get3A_4 = arith.constant 1 : index
    %get3A_5 = arith.constant 0 : index
    %get3A_6 = arith.constant 0 : index
    %get3A_7 = vector.load %arg1[%get3A_4, %get3A_5, %get3A_6] : memref<2x2000x128xf32, #tpu.memory_space<vmem>>, vector<1x2000x128xf32>
    %get3A_8 = vector.shape_cast %get3A_7 : vector<1x2000x128xf32> to vector<2000x128xf32>
    %add3A = arith.addf %get3A_3, %get3A_8 : vector<2000x128xf32>
    %get3A_9 = arith.constant 0 : index
    %get3A_10 = arith.constant 0 : index
    %get3A_11 = vector.load %arg2[%get3A_9, %get3A_10] : memref<2000x128xf32, #tpu.memory_space<vmem>>, vector<2000x128xf32>
    %get3A_12 = arith.constant 0 : index
    %get3A_13 = arith.constant 0 : index
    %get3A_14 = vector.load %arg4[%get3A_12, %get3A_13] : memref<128x128xf32, #tpu.memory_space<vmem>>, vector<128x128xf32>
    %dot_general3A = arith.constant dense<0.000000e+00> : vector<2000x128xf32>
    %dot_general3A_15 = tpu.matmul %add3A, %get3A_14, %dot_general3A {dimension_numbers = #tpu.dot_dimension_numbers<[1], [0], [0], [1], [0, 0, 1, 1], [], []>, transpose_lhs_hint = false} : vector<2000x128xf32>, vector<128x128xf32>, vector<2000x128xf32> -> vector<2000x128xf32>
    %get3A_16 = arith.constant 0 : index
    %get3A_17 = arith.constant 0 : index
    %get3A_18 = vector.load %arg3[%get3A_16, %get3A_17] : memref<2000x1xf32, #tpu.memory_space<vmem>>, vector<2000x1xf32>
    %mul3A = vector.broadcast %get3A_18 : vector<2000x1xf32> to vector<2000x128xf32>
    %mul3A_19 = arith.mulf %dot_general3A_15, %mul3A : vector<2000x128xf32>
    %add3A_20 = arith.addf %get3A_11, %mul3A_19 : vector<2000x128xf32>
    %max3A = arith.constant 0.000000e+00 : f32
    %max3A_21 = vector.broadcast %max3A : f32 to vector<2000x128xf32>
    %max3A_22 = arith.maximumf %add3A_20, %max3A_21 : vector<2000x128xf32>
    %get3A_23 = arith.constant 0 : index
    %get3A_24 = arith.constant 0 : index
    %get3A_25 = vector.load %arg5[%get3A_23, %get3A_24] : memref<2000x128xf32, #tpu.memory_space<vmem>>, vector<2000x128xf32>
    %get3A_26 = arith.constant 0 : index
    %get3A_27 = arith.constant 0 : index
    %get3A_28 = vector.load %arg6[%get3A_26, %get3A_27] : memref<2000x128xf32, #tpu.memory_space<vmem>>, vector<2000x128xf32>
    %swap3A = arith.constant 0 : index
    %swap3A_29 = arith.constant 0 : index
    %swap3A_30 = arith.constant 0 : index
    %swap3A_31 = vector.load %arg7[%swap3A, %swap3A_29, %swap3A_30] : memref<3x2000x128xf32, #tpu.memory_space<vmem>>, vector<1x2000x128xf32>
    %swap3A_32 = vector.shape_cast %swap3A_31 : vector<1x2000x128xf32> to vector<2000x128xf32>
    %swap3A_33 = vector.shape_cast %get3A_25 : vector<2000x128xf32> to vector<1x2000x128xf32>
    tpu.vector_store %arg7[%swap3A, %swap3A_29, %swap3A_30], %swap3A_33 {strides = array<i32>} : memref<3x2000x128xf32, #tpu.memory_space<vmem>>, vector<1x2000x128xf32>,
    %swap3A_34 = arith.constant 1 : index
    %swap3A_35 = arith.constant 0 : index
    %swap3A_36 = arith.constant 0 : index
    %swap3A_37 = vector.load %arg7[%swap3A_34, %swap3A_35, %swap3A_36] : memref<3x2000x128xf32, #tpu.memory_space<vmem>>, vector<1x2000x128xf32>
    %swap3A_38 = vector.shape_cast %swap3A_37 : vector<1x2000x128xf32> to vector<2000x128xf32>
    %swap3A_39 = vector.shape_cast %get3A_28 : vector<2000x128xf32> to vector<1x2000x128xf32>
    tpu.vector_store %arg7[%swap3A_34, %swap3A_35, %swap3A_36], %swap3A_39 {strides = array<i32>} : memref<3x2000x128xf32, #tpu.memory_space<vmem>>, vector<1x2000x128xf32>,
    %swap3A_40 = arith.constant 2 : index
    %swap3A_41 = arith.constant 0 : index
    %swap3A_42 = arith.constant 0 : index
    %swap3A_43 = vector.load %arg7[%swap3A_40, %swap3A_41, %swap3A_42] : memref<3x2000x128xf32, #tpu.memory_space<vmem>>, vector<1x2000x128xf32>
    %swap3A_44 = vector.shape_cast %swap3A_43 : vector<1x2000x128xf32> to vector<2000x128xf32>
    %swap3A_45 = vector.shape_cast %max3A_22 : vector<2000x128xf32> to vector<1x2000x128xf32>
    tpu.vector_store %arg7[%swap3A_40, %swap3A_41, %swap3A_42], %swap3A_45 {strides = array<i32>} : memref<3x2000x128xf32, #tpu.memory_space<vmem>>, vector<1x2000x128xf32>,
    %max3A_46 = arith.maximumf %get3A_25, %get3A_28 : vector<2000x128xf32>
    %max3A_47 = arith.maximumf %max3A_46, %max3A_22 : vector<2000x128xf32>
    %swap3A_48 = arith.constant 0 : index
    %swap3A_49 = arith.constant 0 : index
    %swap3A_50 = vector.load %arg8[%swap3A_48, %swap3A_49] : memref<2000x128xf32, #tpu.memory_space<vmem>>, vector<2000x128xf32>
    tpu.vector_store %arg8[%swap3A_48, %swap3A_49], %max3A_47 {strides = array<i32>} : memref<2000x128xf32, #tpu.memory_space<vmem>>, vector<2000x128xf32>,
    return
  }
  func.func @transform_0(%arg0: i32) -> (i32, i32, i32) {
    %c0_i32 = arith.constant 0 : i32
    %c0_i32_0 = arith.constant 0 : i32
    %c0_i32_1 = arith.constant 0 : i32
    return %c0_i32, %arg0, %c0_i32_0 : i32, i32, i32
  }
  func.func @transform_1(%arg0: i32) -> (i32, i32) {
    %c0_i32 = arith.constant 0 : i32
    %c0_i32_0 = arith.constant 0 : i32
    return %arg0, %c0_i32 : i32, i32
  }
  func.func @transform_2(%arg0: i32) -> (i32, i32) {
    %c0_i32 = arith.constant 0 : i32
    %c0_i32_0 = arith.constant 0 : i32
    return %arg0, %c0_i32 : i32, i32
  }
  func.func @transform_3(%arg0: i32) -> (i32, i32) {
    %c0_i32 = arith.constant 0 : i32
    %c0_i32_0 = arith.constant 0 : i32
    %c0_i32_1 = arith.constant 0 : i32
    return %c0_i32, %c0_i32_0 : i32, i32
  }
  func.func @transform_4(%arg0: i32) -> (i32, i32) {
    %c0_i32 = arith.constant 0 : i32
    %c0_i32_0 = arith.constant 0 : i32
    return %arg0, %c0_i32 : i32, i32
  }
  func.func @transform_5(%arg0: i32) -> (i32, i32) {
    %c0_i32 = arith.constant 0 : i32
    %c0_i32_0 = arith.constant 0 : i32
    return %arg0, %c0_i32 : i32, i32
  }
  func.func @transform_6(%arg0: i32) -> (i32, i32, i32) {
    %c0_i32 = arith.constant 0 : i32
    %c0_i32_0 = arith.constant 0 : i32
    %c0_i32_1 = arith.constant 0 : i32
    return %c0_i32, %arg0, %c0_i32_0 : i32, i32, i32
  }
  func.func @transform_7(%arg0: i32) -> (i32, i32) {
    %c0_i32 = arith.constant 0 : i32
    %c0_i32_0 = arith.constant 0 : i32
    return %arg0, %c0_i32 : i32, i32
  }
}

</mosaic_0001>

<sc_bundles>
// kernel: kernel.10.cloned.1.call-start
scs
__scs_entry_jumppad:
0x0: {  	(pc) =	sbr.rel $0x88, $3  }
0x1: {  	(tag) =	ssettag $0x0;
	lr =	simm.s32 $0x1  }
0x2: {  	[smem:$0x3F9A] =	sst lr;
	_ =	strace $0xD0000000  }
0x3: {  	_ = 	snop  }
0x4: {  	_ = 	snop  }
0x5: {  	_ = 	snop  }
0x6: {  	_ = 	snop  }
0x7: {  	_ = 	snop  }
__scs_overlays_trampoline_lowered:
0x8: {  	[smem:$0x3FA9] =	sst s0  }
0x9: {  	[smem:$0x3FAA] =	sst s1  }
0xa: {  	[smem:$0x3FAB] =	sst s2  }
0xb: {  	[smem:$0x3FAC] =	sst s3  }
0xc: {  	[smem:$0x3FAD] =	sst s4  }
0xd: {  	[smem:$0x3FAE] =	sst s5  }
0xe: {  	[smem:$0x3FAF] =	sst s6  }
0xf: {  	[smem:$0x3FB0] =	sst s7  }
0x10: {  	[smem:$0x3FB1] =	sst s8  }
0x11: {  	[smem:$0x3FB2] =	sst s9;
	s0 =	simm.s32 @!p0 $0x0  }
0x12: {  	s1 =	sld [smem:$0x3F98];
	s0 =	simm.s32 @p0 $0x1  }
0x13: {  	[smem:$0x3FB3] =	sst s0;
	s0 =	simm.s32 @!p1 $0x0  }
0x14: {  	s2 =	sld [smem:$0x3F97];
	s0 =	simm.s32 @p1 $0x1  }
0x15: {  	[smem:$0x3FB4] =	sst s0;
	s0 =	simm.s32 @!p2 $0x0  }
0x16: {  	s3 =	sld [smem:$0x3FDB];
	s0 =	simm.s32 @p2 $0x1  }
0x17: {  	s4 =	simm.s32 $0x1BF5;
	[smem:$0x3FB6] =	sst s0  }
0x18: {  	s0 =	sld [smem:$0x3F99];
	_ =	swait.ge [sflag:s4], $0x0  }
0x19: {  	s7 =	sld [smem:$0x3F9A]  }
0x1a: {  	s8 =	sadd.s32 $0xFFFFE003, lr  }
0x1b: {  	s9 =	sadd.s32 $0xFFFFFEF7, lr;
	s5 =	simm.s32 $0xFFFFFFFF;
	p2 =	slt.u32 s8, $0xFFFFF086  }
0x1c: {  	p1 =	slt.u32 s9, $0xF7A;
	s5 =	simm.s32 @!p2 $0x0  }
0x1d: {  	s5 =	simm.s32 @p1 $0x1;
	p0 =	seq.s32 s7, s2  }
0x1e: {  	s7 =	smul.u32 @!p0 $0xF7A, s2;
	p2 =	seq.s32 @!p0 s5, $0x0  }
0x1f: {  	s9 =	smul.u32 $0xF7A, s1;
	s8 =	simm.s32 @!p0 $0x1BF5;
	p2 =	por !p2, p0  }
0x20: {  	[sflag:s8] =	ssyncset.s32 @!p0 $0xFFFFF086;
	s6 =	sadd.s32 @!p0 s3, s7;
	s7 =	simm.s32 @!p0 $0x108  }
0x21: {  	s3 =	sadd.s32 s3, s9;
	s6 =	sadd.s32 @!p0 $0x88, s6;
	s7 =	simm.s32 @p2 $0x1082  }
0x22: {  	[simem:s7], [sflag:s8] =	dma.local @!p0 [hbm:s6], $0xF7A  }
0x23: {  	s9 =	sor.u32 $0xD0000000, s2;
	s6 =	simm.s32 $0x108;
	_ =	swait.ge @!p0 [sflag:s8], $0x0  }
0x24: {  	s3 =	sadd.s32 $0x88, s3;
	s6 =	simm.s32 @!p1 $0x1082;
	[sflag:s4] =	ssyncset.s32 $0xFFFFF086  }
0x25: {  	[simem:s6], [sflag:s4] =	dma.local [hbm:s3], $0xF7A  }
0x26: {  	[smem:$0x3F9A] =	sst s1;
	(tag) =	ssettag s2;
	_ =	strace s9  }
0x27: {  	s1 =	sld [smem:$0x3FAA]  }
0x28: {  	s2 =	sld [smem:$0x3FAB]  }
0x29: {  	s4 =	sld [smem:$0x3FAD]  }
0x2a: {  	p0 =	seq.s32 s5, $0x0;
	s5 =	sld [smem:$0x3FAE]  }
0x2b: {  	s6 =	sld [smem:$0x3FAF]  }
0x2c: {  	s7 =	sld [smem:$0x3FB0]  }
0x2d: {  	s3 =	simm.s32 $0x108;
	s8 =	sld [smem:$0x3FB1]  }
0x2e: {  	s3 =	simm.s32 @!p0 $0x1082;
	s9 =	sld [smem:$0x3FB2]  }
0x2f: {  	lr =	sadd.s32 s0, s3;
	s0 =	sld [smem:$0x3FA9]  }
0x30: {  	s3 =	sld [smem:$0x3FAC]  }
0x31: {  	[smem:$0x3FB5] =	sst s10  }
0x32: {  	s10 =	sld [smem:$0x3FB3];
	_ =	sdelay $0x3  }
0x33: {  	p0 =	seq.s32 s10, $0x1;
	s10 =	sld [smem:$0x3FB5];
	_ =	sdelay $0x3  }
0x34: {  	[smem:$0x3FB5] =	sst s10  }
0x35: {  	s10 =	sld [smem:$0x3FB4];
	_ =	sdelay $0x3  }
0x36: {  	p1 =	seq.s32 s10, $0x1;
	s10 =	sld [smem:$0x3FB5];
	_ =	sdelay $0x3  }
0x37: {  	[smem:$0x3FB5] =	sst s10  }
0x38: {  	s10 =	sld [smem:$0x3FB6]  }
0x39: {  	_ = 	snop;
	(pc) =	sbr.ind lr, $3  }
0x3a: {  	_ = 	snop  }
0x3b: {  	_ = 	snop  }
0x3c: {  	p2 =	seq.s32 s10, $0x1;
	s10 =	sld [smem:$0x3FB5]  }
0x3d: {  	_ =	shalt  }
0x3e: {  	_ =	shalt  }
0x3f: {  	_ =	shalt  }
0x40: {  	_ =	shalt  }
0x41: {  	_ =	shalt  }
0x42: {  	_ =	shalt  }
0x43: {  	_ =	shalt  }
0x44: {  	_ =	shalt  }
0x45: {  	_ =	shalt  }
0x46: {  	_ =	shalt  }
0x47: {  	_ =	shalt  }
0x48: {  	_ =	shalt  }
0x49: {  	_ =	shalt  }
0x4a: {  	_ =	shalt  }
0x4b: {  	_ =	shalt  }
0x4c: {  	_ =	shalt  }
0x4d: {  	_ =	shalt  }
0x4e: {  	_ =	shalt  }
0x4f: {  	_ =	shalt  }
0x50: {  	_ =	shalt  }
0x51: {  	_ =	shalt  }
0x52: {  	_ =	shalt  }
0x53: {  	_ =	shalt  }
0x54: {  	_ =	shalt  }
0x55: {  	_ =	shalt  }
0x56: {  	_ =	shalt  }
0x57: {  	_ =	shalt  }
0x58: {  	_ =	shalt  }
0x59: {  	_ =	shalt  }
0x5a: {  	_ =	shalt  }
0x5b: {  	_ =	shalt  }
0x5c: {  	_ =	shalt  }
0x5d: {  	_ =	shalt  }
0x5e: {  	_ =	shalt  }
0x5f: {  	_ =	shalt  }
0x60: {  	_ =	shalt  }
0x61: {  	_ =	shalt  }
0x62: {  	_ =	shalt  }
0x63: {  	_ =	shalt  }
0x64: {  	_ =	shalt  }
0x65: {  	_ =	shalt  }
0x66: {  	_ =	shalt  }
0x67: {  	_ =	shalt  }
0x68: {  	_ =	shalt  }
0x69: {  	_ =	shalt  }
0x6a: {  	_ =	shalt  }
0x6b: {  	_ =	shalt  }
0x6c: {  	_ =	shalt  }
0x6d: {  	_ =	shalt  }
0x6e: {  	_ =	shalt  }
0x6f: {  	_ =	shalt  }
0x70: {  	_ =	shalt  }
0x71: {  	_ =	shalt  }
0x72: {  	_ =	shalt  }
0x73: {  	_ =	shalt  }
0x74: {  	_ =	shalt  }
0x75: {  	_ =	shalt  }
0x76: {  	_ =	shalt  }
0x77: {  	_ =	shalt  }
0x78: {  	_ =	shalt  }
0x79: {  	_ =	shalt  }
0x7a: {  	_ =	shalt  }
0x7b: {  	_ =	shalt  }
0x7c: {  	_ =	shalt  }
0x7d: {  	_ =	shalt  }
0x7e: {  	_ =	shalt  }
0x7f: {  	_ =	shalt  }
0x80: {  	_ =	shalt  }
0x81: {  	_ =	shalt  }
0x82: {  	_ =	shalt  }
0x83: {  	_ =	shalt  }
0x84: {  	_ =	shalt  }
0x85: {  	_ =	shalt  }
0x86: {  	_ =	shalt  }
0x87: {  	_ =	shalt  }
.Lfunc_end0:
.L_simem_size_0:
called_computation_lowered:
.L_overlay_start_0:
0x88: {  	s2 =	sld [smem:$0x3FD9]  }
0x89: {  	s3 =	sld [smem:$0x3FFE];
	_ =	sdelay $0x1  }
0x8a: {  	s1 =	srdreg.scid  }
0x8b: {  	s0 =	sand.u32 $0x1, s1  }
0x8c: {  	s14 =	sshll.u32 s0, $0xA;
	s2 =	sadd.s32 s3, s2  }
0x8d: {  	s2 =	sadd.s32 s2, s14  }
0x8e: {  	[smem:$0x3FC1] =	sst s2  }
0x8f: {  	_ = 	snop  }
0x90: {  	s2 =	sld [smem:$0x3FD0];
	_ =	sdelay $0x2  }
0x91: {  	s4 =	simm.s32 $0xA;
	s5 =	simm.s32 $0x10;
	s15 =	sld [smem:$0x3FC7]  }
0x92: {  	[smem:s5], [sflag:s4] =	dma.local [hbm:s2], $0x1  }
0x93: {  	_ =	swait.eq [sflag:s4], $0x1  }
0x94: {  	[sflag:s4] =	ssyncset.done $0x0  }
0x95: {  	s16 =	sld [smem:$0x10];
	[sflag:s4] =	ssyncadd.s32 $0xFFFFFFFF  }
0x96: {  	s17 =	sld [smem:$0x11];
	(tm) =	ssettm $0x1  }
0x97: {  	s18 =	sld [smem:$0x3FFB];
	_ =	sdelay $0x3  }
0x98: {  	_ =	strace s18  }
0x99: {  	s5 =	sld [smem:$0x3FFC];
	_ =	sdelay $0x3  }
0x9a: {  	_ =	strace s5  }
0x9b: {  	s5 =	sld [smem:$0x3FFD];
	_ =	sdelay $0x3  }
0x9c: {  	_ =	strace s5  }
0x9d: {  	_ =	strace $0x8FFFFFFF  }
0x9e: {  	s19 =	sld [smem:$0x3FDB];
	_ =	sdelay $0x1  }
0x9f: {  	s6 =	simm.s32 $_scs_section_size  }
0xa0: {  	s7 =	simm.s32 $_size__tile_overlayer_lowered;
	s8 =	simm.s32 $_tile_overlayer_lowered  }
0xa1: {  	s22 =	simm.s32 $0x1BFF;
	s21 =	sshll.u32 s8, $0x1;
	s5 =	sadd.s32 s6, s19  }
0xa2: {  	s9 =	simm.s32 $0x0;
	s20 =	sshll.u32 s7, $0x1;
	s7 =	sadd.s32 s21, s5  }
0xa3: {  	[timem:s9], [sflag:s22] =	dma.local [hbm:s7], s20  }
0xa4: {  	_ =	swait.ge [sflag:s22], s20  }
0xa5: {  	s6 =	ssub.s32 $0x0, s20;
	[sflag:s22] =	ssyncset.done $0x0  }
0xa6: {  	[sflag:s22] =	ssyncadd.s32 s6;
	_ =	sdelay $0x1  }
0xa7: {  	s23 =	simm.s32 $0x1B8B  }
0xa8: {  	_ =	swait.ge [sflag:s23], $0x1  }
0xa9: {  	[sflag:s23] =	ssyncset.done $0x0  }
0xaa: {  	s25 =	simm.s32 $0x1B8E;
	s24 =	sld [smem:$0x3FFE];
	[sflag:s23] =	ssyncadd.s32 $0xFFFFFFFF  }
0xab: {  	s26 =	simm.s32 $execute0_lowered;
	[smem:$0x3FD2] =	sst s25  }
0xac: {  	s7 =	sshll.u32 s26, $0x1;
	_ =	strace $0x80000046;
	[dreg:$0x1] =	wrdreg $0xFFFFFFFF  }
0xad: {  	s28 =	simm.s32 $_size_execute0_lowered;
	s5 =	sadd.s32 s5, s7;
	[dreg:$0x0] =	wrdreg $0x0  }
0xae: {  	s7 =	sshll.u32 s28, $0x1;
	[dreg:$0x2] =	wrdreg s5  }
0xaf: {  	[dreg:$0x3] =	wrdreg s7  }
0xb0: {  	[dreg:$0x4] =	wrdreg $0xC0  }
0xb1: {  	_ =	task [dreg:s9], $0x5FFFF  }
0xb2: {  	[dreg:$0x1] =	wrdreg $0xFFFFFFFF  }
0xb3: {  	[dreg:$0x0] =	wrdreg $0x60  }
0xb4: {  	[dreg:$0x2] =	wrdreg s15  }
0xb5: {  	[dreg:$0x3] =	wrdreg s17  }
0xb6: {  	[dreg:$0x4] =	wrdreg s24  }
0xb7: {  	[dreg:$0x5] =	wrdreg s16  }
0xb8: {  	[dreg:$0x6] =	wrdreg $0x89000  }
0xb9: {  	[dreg:$0x7] =	wrdreg $0x9  }
0xba: {  	_ =	task.clear_ibuf [dreg:s9], $0x8FFFF;
	_ =	strace $0x90000046  }
0xbb: {  	s29 =	simm.s32 $0x9;
	_ =	strace $0x80000048  }
0xbc: {  	_ =	swait.ge [sflag:s29], $0x1  }
0xbd: {  	[sflag:s29] =	ssyncadd.s32 $0xFFFFFFFF  }
0xbe: {  	_ =	strace $0x90000048  }
0xbf: {  	_ =	sfence  }
0xc0: {  	s30 =	sld [smem:$0x0];
	_ =	sdelay $0x2  }
0xc1: {  	s31 =	sshll.u32 s1, $0xD;
	s1 =	sshrl.u32 s1, $0x2  }
0xc2: {  	s3 =	sand.u32 $0x4000, s31;
	s1 =	sadd.s32 s1, s30  }
0xc3: {  	s0 =	sor.u32 s3, s0;
	s1 =	sshll.u32 s1, $0x11  }
0xc4: {  	s0 =	sor.u32 s1, s0  }
0xc5: {  	s0 =	sadd.s32 $0x8F2B, s0  }
0xc6: {  	[sflag:s0] =	ssyncadd.remote.s32 $0x1  }
0xc7: {  	_ =	sfence.sel $0xFFFF  }
0xc8: {  	[dreg:$0x0] =	wrdreg $0xFFFFFFFF;
	(pc) =	sbr.abs _section_cstart, $3  }
0xc9: {  	[dreg:$0x1] =	wrdreg $0xFFFFFFFF  }
0xca: {  	_ =	task.clear_ibuf [dreg:s9], $0x2FFFF;
	_ =	strace $0x9FFFFFFF  }
0xcb: {  	(tm) =	ssettm $0x7FFFFFFF  }
tec
execute0_lowered:
.L_overlay_start_1:
0x0: {  	(tag) =	ssettag $0x1  }
0x1: {  	s1 =	rddreg [dreg:$0x0]  }
0x2: {  	s3 =	rddreg [dreg:$0x1]  }
0x3: {  	s0 =	srdreg.scid;
	s4 =	rddreg [dreg:$0x2]  }
0x4: {  	s13 =	stileid.u32;
	s6 =	rddreg [dreg:$0x3];
	s0 =	sand.u32 $0x1, s0  }
0x5: {  	s9 =	smul.u32 $0x50000, s13;
	s2 =	sshll.u32 s0, $0x4;
	s8 =	ssub.s32 $0x2, s0  }
0x6: {  	s0 =	smul.u32 $0x140000, s0;
	s5 =	sor.u32 s13, s2;
	s2 =	simm.s32 $0x0  }
0x7: {  	s10 =	sshrl.u32 s8, $0x1;
	s9 =	sshrl.u32 s9, $0x2;
	s7 =	smul.u32 $0x500, s5  }
0x8: {  	[smem:$0x7FF] =	sst s2;
	s11 =	smul.u32 $0x140, s5;
	s8 =	ssub.s32 s8, s10  }
0x9: {  	s5 =	smul.u32 $0x1400, s5;
	s7 =	sadd.s32 s7, s4;
	s4 =	sadd.s32 $0xCA00, s4  }
0xa: {  	s15 =	sshrl.u32 s11, $0x3;
	s12 =	sadd.s32 $0x40, s11;
	s18 =	sadd.s32 $0x80, s11  }
0xb: {  	s20 =	sadd.s32 $0xC0, s11;
	s24 =	sadd.s32 $0x100, s11;
	s10 =	sadd.s32 s3, s15  }
0xc: {  	s5 =	sadd.s32 s4, s5;
	s16 =	sshrl.u32 s12, $0x3;
	s17 =	sshll.u32 s12, $0x4  }
0xd: {  	s19 =	sshrl.u32 s18, $0x3;
	s21 =	sshll.u32 s18, $0x4;
	[dreg:$0x6] =	wrdreg s10  }
0xe: {  	s22 =	sshrl.u32 s20, $0x3;
	[dreg:$0x7] =	wrdreg s5;
	s5 =	sadd.s32 s3, s16  }
0xf: {  	s25 =	sshll.u32 s20, $0x4;
	s23 =	sadd.s32 s3, s22;
	[dreg:$0x8] =	wrdreg s5  }
0x10: {  	s11 =	sshrl.u32 s24, $0x3;
	s10 =	sadd.s32 s4, s25;
	[dreg:$0xc] =	wrdreg s23  }
0x11: {  	s26 =	sshll.u32 s24, $0x4;
	s16 =	smul.u32 $0x14000, s13;
	[dreg:$0xd] =	wrdreg s10  }
0x12: {  	s12 =	sadd.s32 s4, s26;
	s5 =	sadd.s32 s4, s17;
	s17 =	rddreg [dreg:$0x4]  }
0x13: {  	[dreg:$0x9] =	wrdreg s5;
	s5 =	sadd.s32 s3, s19;
	s3 =	sadd.s32 s3, s11  }
0x14: {  	s11 =	sadd.s32 $0x8000, s16;
	s25 =	sadd.s32 $0xC000, s16;
	[dreg:$0xa] =	wrdreg s5  }
0x15: {  	s20 =	sadd.s32 s9, s17;
	s5 =	sadd.s32 s4, s21;
	[dreg:$0xe] =	wrdreg s3  }
0x16: {  	s4 =	sadd.s32 $0x4000, s16;
	s23 =	sadd.s32 s0, s11;
	s26 =	sadd.s32 s0, s25  }
0x17: {  	s21 =	sadd.s32 $0x2A00, s7;
	s25 =	sadd.s32 s25, s17;
	s28 =	sadd.s32 $0x4000, s20  }
0x18: {  	s29 =	sadd.s32 $0x8000, s20;
	s30 =	sadd.s32 $0xC000, s20;
	s31 =	sadd.s32 $0x10000, s20  }
0x19: {  	s7 =	simm.s32 $0x0;
	[dreg:$0xb] =	wrdreg s5;
	s5 =	sadd.s32 s0, s16  }
0x1a: {  	s10 =	sadd.s32 s0, s4;
	s24 =	sshrl.u32 s23, $0x3;
	s16 =	sadd.s32 $0x10000, s16  }
0x1b: {  	s23 =	sadd.s32 s4, s17;
	s4 =	simm.s32 $0x1;
	s3 =	sshrl.u32 s5, $0x3  }
0x1c: {  	s22 =	sshrl.u32 s10, $0x3;
	s15 =	sadd.s32 s6, s24;
	s0 =	sadd.s32 s0, s16  }
0x1d: {  	_ =	strace $0x80000047;
	s24 =	sadd.s32 s11, s17;
	s5 =	simm.s32 $0x2080  }
0x1e: {  	s13 =	sadd.s32 s6, s3;
	s14 =	sadd.s32 s6, s22;
	s3 =	sshrl.u32 s26, $0x3  }
0x1f: {  	s0 =	sshrl.u32 s0, $0x3;
	s22 =	smax.u32 s8, $0x1;
	s26 =	sadd.s32 s16, s17  }
0x20: {  	s16 =	simm.s32 $0x2;
	s18 =	sadd.s32 s6, s3;
	s19 =	sadd.s32 s6, s0  }
0x21: {  	v0 =	vimm.f32 $0.0e+00;
	v1 =	vimm.f32 $1.000000000e+00;
	s0 =	simm.s32 $0x40;
	s3 =	simm.s32 $0x80;
	s6 =	simm.s32 $0x8880  }
.LBB2_1:
0x22: {  	s8 =	rddreg [dreg:$0x6]  }
0x23: {  	[tilespmem:s2], [sflag:$0x2] =	stream.linear.gather [hbm4b:s8+s2], $0x40, $0x38;
	[tilespmem:$0x1C900] =	vst v63  }
0x24: {  	_ =	swait.ge [sflag:s16], $0x40  }
0x25: {  	[sflag:s16] =	ssyncset.done $0x0  }
0x26: {  	[sflag:s16] =	ssyncadd.s32 $0xFFFFFFC0  }
0x27: {  	[tilespmem:s3], [sflag:$0x1] =	stream.indirect.gather [hbm4b:s1+s0], $0x80, s2, s0, $0xb8;
	[tilespmem:$0x1C900] =	vst v63  }
0x28: {  	_ =	swait.ge [sflag:s4], $0x2000  }
0x29: {  	[sflag:s4] =	ssyncset.done $0x0  }
0x2a: {  	s9 =	rddreg [dreg:$0x7];
	[sflag:s4] =	ssyncadd.s32 $0xFFFFE000  }
0x2b: {  	[hbm4b:s9+s2] =	stream.linear.scatter [tilespmem:s3], [sflag:$0x2], $0x2000, $0x38;
	[tilespmem:$0x1C900] =	vst v63  }
0x2c: {  	_ =	swait.ge [sflag:s16], $0x2000  }
0x2d: {  	[sflag:s16] =	ssyncset.done $0x0  }
0x2e: {  	s10 =	rddreg [dreg:$0x8];
	[sflag:s16] =	ssyncadd.s32 $0xFFFFE000  }
0x2f: {  	[tilespmem:s2], [sflag:$0x2] =	stream.linear.gather [hbm4b:s10+s2], $0x40, $0x38;
	[tilespmem:$0x1C900] =	vst v63  }
0x30: {  	_ =	swait.ge [sflag:s16], $0x40  }
0x31: {  	[sflag:s16] =	ssyncset.done $0x0  }
0x32: {  	[sflag:s16] =	ssyncadd.s32 $0xFFFFFFC0  }
0x33: {  	[tilespmem:s3], [sflag:$0x1] =	stream.indirect.gather [hbm4b:s1+s0], $0x80, s2, s0, $0xb8;
	[tilespmem:$0x1C900] =	vst v63  }
0x34: {  	_ =	swait.ge [sflag:s4], $0x2000  }
0x35: {  	[sflag:s4] =	ssyncset.done $0x0  }
0x36: {  	s11 =	rddreg [dreg:$0x9];
	[sflag:s4] =	ssyncadd.s32 $0xFFFFE000  }
0x37: {  	[hbm4b:s11+s2] =	stream.linear.scatter [tilespmem:s3], [sflag:$0x2], $0x2000, $0x38;
	[tilespmem:$0x1C900] =	vst v63  }
0x38: {  	_ =	swait.ge [sflag:s16], $0x2000  }
0x39: {  	[sflag:s16] =	ssyncset.done $0x0  }
0x3a: {  	s9 =	rddreg [dreg:$0xa];
	[sflag:s16] =	ssyncadd.s32 $0xFFFFE000  }
0x3b: {  	[tilespmem:s2], [sflag:$0x2] =	stream.linear.gather [hbm4b:s9+s2], $0x40, $0x38;
	[tilespmem:$0x1C900] =	vst v63  }
0x3c: {  	_ =	swait.ge [sflag:s16], $0x40  }
0x3d: {  	[sflag:s16] =	ssyncset.done $0x0  }
0x3e: {  	[sflag:s16] =	ssyncadd.s32 $0xFFFFFFC0  }
0x3f: {  	[tilespmem:s3], [sflag:$0x1] =	stream.indirect.gather [hbm4b:s1+s0], $0x80, s2, s0, $0xb8;
	[tilespmem:$0x1C900] =	vst v63  }
0x40: {  	_ =	swait.ge [sflag:s4], $0x2000  }
0x41: {  	[sflag:s4] =	ssyncset.done $0x0  }
0x42: {  	s10 =	rddreg [dreg:$0xb];
	[sflag:s4] =	ssyncadd.s32 $0xFFFFE000  }
0x43: {  	[hbm4b:s10+s2] =	stream.linear.scatter [tilespmem:s3], [sflag:$0x2], $0x2000, $0x38;
	[tilespmem:$0x1C900] =	vst v63  }
0x44: {  	_ =	swait.ge [sflag:s16], $0x2000  }
0x45: {  	[sflag:s16] =	ssyncset.done $0x0  }
0x46: {  	s11 =	rddreg [dreg:$0xc];
	[sflag:s16] =	ssyncadd.s32 $0xFFFFE000  }
0x47: {  	[tilespmem:s2], [sflag:$0x2] =	stream.linear.gather [hbm4b:s11+s2], $0x40, $0x38;
	[tilespmem:$0x1C900] =	vst v63  }
0x48: {  	_ =	swait.ge [sflag:s16], $0x40  }
0x49: {  	[sflag:s16] =	ssyncset.done $0x0  }
0x4a: {  	[sflag:s16] =	ssyncadd.s32 $0xFFFFFFC0  }
0x4b: {  	[tilespmem:s3], [sflag:$0x1] =	stream.indirect.gather [hbm4b:s1+s0], $0x80, s2, s0, $0xb8;
	[tilespmem:$0x1C900] =	vst v63  }
0x4c: {  	_ =	swait.ge [sflag:s4], $0x2000  }
0x4d: {  	[sflag:s4] =	ssyncset.done $0x0  }
0x4e: {  	s9 =	rddreg [dreg:$0xd];
	[sflag:s4] =	ssyncadd.s32 $0xFFFFE000  }
0x4f: {  	[hbm4b:s9+s2] =	stream.linear.scatter [tilespmem:s3], [sflag:$0x2], $0x2000, $0x38;
	[tilespmem:$0x1C900] =	vst v63  }
0x50: {  	_ =	swait.ge [sflag:s16], $0x2000  }
0x51: {  	[sflag:s16] =	ssyncset.done $0x0  }
0x52: {  	s10 =	rddreg [dreg:$0xe];
	[sflag:s16] =	ssyncadd.s32 $0xFFFFE000  }
0x53: {  	[tilespmem:s2], [sflag:$0x2] =	stream.linear.gather [hbm4b:s10+s2], $0x40, $0x38;
	[tilespmem:$0x1C900] =	vst v63  }
0x54: {  	_ =	swait.ge [sflag:s16], $0x40  }
0x55: {  	[sflag:s16] =	ssyncset.done $0x0  }
0x56: {  	[sflag:s16] =	ssyncadd.s32 $0xFFFFFFC0  }
0x57: {  	[tilespmem:s3], [sflag:$0x1] =	stream.indirect.gather [hbm4b:s1+s0], $0x80, s2, s0, $0xb8;
	[tilespmem:$0x1C900] =	vst v63  }
0x58: {  	_ =	swait.ge [sflag:s4], $0x2000  }
0x59: {  	[sflag:s4] =	ssyncset.done $0x0  }
0x5a: {  	[sflag:s4] =	ssyncadd.s32 $0xFFFFE000  }
0x5b: {  	[hbm4b:s12+s2] =	stream.linear.scatter [tilespmem:s3], [sflag:$0x2], $0x2000, $0x38;
	[tilespmem:$0x1C900] =	vst v63  }
0x5c: {  	s8 =	simm.s32 $0x40;
	s11 =	sand.u32 $0xFE00, s2;
	_ =	swait.ge [sflag:s16], $0x2000  }
0x5d: {  	s9 =	sand.u32 $0x70, s2;
	s10 =	sshrl.u32 s11, $0x2;
	[sflag:s16] =	ssyncset.done $0x0  }
0x5e: {  	s10 =	sor.u32 s9, s10;
	s9 =	simm.s32 $0x0;
	[sflag:s16] =	ssyncadd.s32 $0xFFFFE000  }
.LBB2_2:
0x5f: {  	p0 =	seq.s32 s8, $0xFFC0  }
0x60: {  	[tilespmem:s10+$0x2080] =	vst v0;
	s9 =	sadd.s32 $0x10, s9;
	s10 =	smov.u32 s8;
	s8 =	sadd.s32 $0x40, s8  }
.Ltmp0:
0x61: {  	(pc) =	sbr.rel @!p0 .LBB2_2-.Ltmp0, $4  }
0x62: {  	_ = 	snop  }
0x63: {  	s10 =	sand.u32 $0xFE00, s10  }
0x64: {  	s11 =	sand.u32 $0x70, s9;
	s10 =	sshrl.u32 s10, $0x2  }
0x65: {  	s10 =	sor.u32 s11, s10  }
0x66: {  	[tilespmem:s10+$0x2080] =	vst v0  }
0x67: {  	[spmem:s20] =	stream.linear.scatter [tilespmem:s5], [sflag:$0x2], $0x4000, $0x38;
	[tilespmem:$0x1C900] =	vst v63  }
0x68: {  	_ =	swait.ge [sflag:s16], $0x4000  }
0x69: {  	[sflag:s16] =	ssyncset.done $0x0  }
0x6a: {  	[sflag:s16] =	ssyncadd.s32 $0xFFFFC000  }
0x6b: {  	[spmem:s28] =	stream.linear.scatter [tilespmem:s5], [sflag:$0x2], $0x4000, $0x38;
	[tilespmem:$0x1C900] =	vst v63  }
0x6c: {  	_ =	swait.ge [sflag:s16], $0x4000  }
0x6d: {  	[sflag:s16] =	ssyncset.done $0x0  }
0x6e: {  	[sflag:s16] =	ssyncadd.s32 $0xFFFFC000  }
0x6f: {  	[spmem:s29] =	stream.linear.scatter [tilespmem:s5], [sflag:$0x2], $0x4000, $0x38;
	[tilespmem:$0x1C900] =	vst v63  }
0x70: {  	_ =	swait.ge [sflag:s16], $0x4000  }
0x71: {  	[sflag:s16] =	ssyncset.done $0x0  }
0x72: {  	[sflag:s16] =	ssyncadd.s32 $0xFFFFC000  }
0x73: {  	[spmem:s30] =	stream.linear.scatter [tilespmem:s5], [sflag:$0x2], $0x4000, $0x38;
	[tilespmem:$0x1C900] =	vst v63  }
0x74: {  	_ =	swait.ge [sflag:s16], $0x4000  }
0x75: {  	[sflag:s16] =	ssyncset.done $0x0  }
0x76: {  	s8 =	simm.s32 $0x0;
	[sflag:s16] =	ssyncadd.s32 $0xFFFFC000  }
0x77: {  	[spmem:s31] =	stream.linear.scatter [tilespmem:s5], [sflag:$0x2], $0x4000, $0x38;
	[tilespmem:$0x1C900] =	vst v63  }
0x78: {  	s9 =	sand.u32 $0xFE00, s8;
	_ =	swait.ge [sflag:s16], $0x4000  }
0x79: {  	s10 =	sand.u32 $0x70, s8;
	s11 =	sshrl.u32 s9, $0x2;
	[sflag:s16] =	ssyncset.done $0x0  }
0x7a: {  	s9 =	simm.s32 $0x40;
	s10 =	sor.u32 s10, s11;
	[sflag:s16] =	ssyncadd.s32 $0xFFFFC000  }
.LBB2_4:
0x7b: {  	p0 =	sne.s32 s9, $0xFFC0  }
0x7c: {  	[tilespmem:s10+$0x2080] =	vst v1;
	s8 =	sadd.s32 $0x10, s8;
	s10 =	smov.u32 s9;
	s9 =	sadd.s32 $0x40, s9  }
.Ltmp1:
0x7d: {  	(pc) =	sbr.rel @p0 .LBB2_4-.Ltmp1, $4  }
0x7e: {  	_ = 	snop  }
0x7f: {  	s10 =	sand.u32 $0xFE00, s10  }
0x80: {  	s11 =	sand.u32 $0x70, s8;
	s10 =	sshrl.u32 s10, $0x2  }
0x81: {  	s10 =	sor.u32 s11, s10  }
0x82: {  	[tilespmem:s10+$0x2080] =	vst v1;
	s8 =	simm.s32 $0x0;
	s9 =	simm.s32 $0x6080  }
0x83: {  	[tilespmem:s9], [sflag:$0x2] =	stream.linear.gather [hbm4b:s21+s8], $0x2800, $0x38;
	[tilespmem:$0x1C900] =	vst v63  }
0x84: {  	_ =	swait.ge [sflag:s16], $0x2800  }
0x85: {  	[sflag:s16] =	ssyncset.done $0x0  }
0x86: {  	[sflag:s16] =	ssyncadd.s32 $0xFFFFD800  }
0x87: {  	s11 =	simm.s32 $0x0;
	[bflag:$0x0] =	sbarrier.arrive $0xFFFF  }
0x88: {  	v2 =	vld [tilespmem:s11+$0x6080];
	_ =	sdelay $0x4  }
0x89: {  	[tilespmem:$0x8880] =	vst v2  }
0x8a: {  	v2 =	vld [tilespmem:s11+$0x6090];
	_ =	sdelay $0x4  }
0x8b: {  	[tilespmem:$0x8890] =	vst v2  }
0x8c: {  	v2 =	vld [tilespmem:s11+$0x60A0];
	_ =	sdelay $0x4  }
0x8d: {  	[tilespmem:$0x88A0] =	vst v2  }
0x8e: {  	v2 =	vld [tilespmem:s11+$0x60B0];
	_ =	sdelay $0x4  }
0x8f: {  	[tilespmem:$0x88B0] =	vst v2  }
0x90: {  	v2 =	vld [tilespmem:s11+$0x60C0];
	_ =	sdelay $0x4  }
0x91: {  	[tilespmem:$0x88C0] =	vst v2  }
0x92: {  	v2 =	vld [tilespmem:s11+$0x60D0];
	_ =	sdelay $0x4  }
0x93: {  	[tilespmem:$0x88D0] =	vst v2  }
0x94: {  	v2 =	vld [tilespmem:s11+$0x60E0];
	_ =	sdelay $0x4  }
0x95: {  	[tilespmem:$0x88E0] =	vst v2  }
0x96: {  	v2 =	vld [tilespmem:s11+$0x60F0];
	_ =	sdelay $0x4  }
0x97: {  	[tilespmem:$0x88F0] =	vst v2  }
0x98: {  	[spmem:s17] =	stream.indirect.scatter.add.f32 [tilespmem:s5], [sflag:$0x2], $0x80, s6, s3, $0xb8;
	[tilespmem:$0x1C900] =	vst v63  }
0x99: {  	_ =	swait.ge [sflag:s16], $0x4000  }
0x9a: {  	s8 =	simm.s32 $0x200;
	s9 =	simm.s32 $0x400;
	[sflag:s16] =	ssyncset.done $0x0  }
.LBB2_6:
0x9b: {  	s11 =	sshra.s32 s8, $0x2  }
0x9c: {  	[sflag:s16] =	ssyncadd.s32 $0xFFFFC000;
	s8 =	smov.u32 s9;
	s10 =	sadd.s32 $0x200, s9  }
0x9d: {  	p0 =	sne.s32 s9, $0x9E00;
	v2 =	vld [tilespmem:s11+$0x6080];
	_ =	sdelay $0x4  }
0x9e: {  	[tilespmem:$0x8880] =	vst v2  }
0x9f: {  	v2 =	vld [tilespmem:s11+$0x6090];
	_ =	sdelay $0x4  }
0xa0: {  	[tilespmem:$0x8890] =	vst v2  }
0xa1: {  	v2 =	vld [tilespmem:s11+$0x60A0];
	_ =	sdelay $0x4  }
0xa2: {  	[tilespmem:$0x88A0] =	vst v2  }
0xa3: {  	v2 =	vld [tilespmem:s11+$0x60B0];
	_ =	sdelay $0x4  }
0xa4: {  	[tilespmem:$0x88B0] =	vst v2  }
0xa5: {  	v2 =	vld [tilespmem:s11+$0x60C0];
	_ =	sdelay $0x4  }
0xa6: {  	[tilespmem:$0x88C0] =	vst v2  }
0xa7: {  	v2 =	vld [tilespmem:s11+$0x60D0];
	_ =	sdelay $0x4  }
0xa8: {  	[tilespmem:$0x88D0] =	vst v2  }
0xa9: {  	v2 =	vld [tilespmem:s11+$0x60E0];
	_ =	sdelay $0x4  }
0xaa: {  	[tilespmem:$0x88E0] =	vst v2  }
0xab: {  	v2 =	vld [tilespmem:s11+$0x60F0];
	_ =	sdelay $0x3  }
.Ltmp2:
0xac: {  	(pc) =	sbr.rel @p0 .LBB2_6-.Ltmp2, $4  }
0xad: {  	[tilespmem:$0x88F0] =	vst v2  }
0xae: {  	[spmem:s17] =	stream.indirect.scatter.add.f32 [tilespmem:s5], [sflag:$0x2], $0x80, s6, s3, $0xb8;
	[tilespmem:$0x1C900] =	vst v63  }
0xaf: {  	_ =	swait.ge [sflag:s16], $0x4000  }
0xb0: {  	s9 =	smov.u32 s10;
	[sflag:s16] =	ssyncset.done $0x0  }
0xb1: {  	s8 =	sshra.s32 s8, $0x2;
	[sflag:s16] =	ssyncadd.s32 $0xFFFFC000  }
0xb2: {  	v2 =	vld [tilespmem:s8+$0x6080];
	_ =	sdelay $0x4  }
0xb3: {  	[tilespmem:$0x8880] =	vst v2  }
0xb4: {  	v2 =	vld [tilespmem:s8+$0x6090];
	_ =	sdelay $0x4  }
0xb5: {  	[tilespmem:$0x8890] =	vst v2  }
0xb6: {  	v2 =	vld [tilespmem:s8+$0x60A0];
	_ =	sdelay $0x4  }
0xb7: {  	[tilespmem:$0x88A0] =	vst v2  }
0xb8: {  	v2 =	vld [tilespmem:s8+$0x60B0];
	_ =	sdelay $0x4  }
0xb9: {  	[tilespmem:$0x88B0] =	vst v2  }
0xba: {  	v2 =	vld [tilespmem:s8+$0x60C0];
	_ =	sdelay $0x4  }
0xbb: {  	[tilespmem:$0x88C0] =	vst v2  }
0xbc: {  	v2 =	vld [tilespmem:s8+$0x60D0];
	_ =	sdelay $0x4  }
0xbd: {  	[tilespmem:$0x88D0] =	vst v2  }
0xbe: {  	v2 =	vld [tilespmem:s8+$0x60E0];
	_ =	sdelay $0x4  }
0xbf: {  	[tilespmem:$0x88E0] =	vst v2  }
0xc0: {  	v2 =	vld [tilespmem:s8+$0x60F0];
	_ =	sdelay $0x4  }
0xc1: {  	[tilespmem:$0x88F0] =	vst v2  }
0xc2: {  	[spmem:s17] =	stream.indirect.scatter.add.f32 [tilespmem:s5], [sflag:$0x2], $0x80, s6, s3, $0xb8;
	[tilespmem:$0x1C900] =	vst v63  }
0xc3: {  	_ =	swait.ge [sflag:s16], $0x4000  }
0xc4: {  	[sflag:s16] =	ssyncset.done $0x0  }
0xc5: {  	[sflag:s16] =	ssyncadd.s32 $0xFFFFC000  }
0xc6: {  	[bflag:$0x0] =	sbarrier.arrive $0xFFFF  }
0xc7: {  	[tilespmem:s5], [sflag:$0x2] =	stream.linear.gather [spmem:s20], $0x4000, $0x38;
	[tilespmem:$0x1C900] =	vst v63  }
0xc8: {  	_ =	swait.ge [sflag:s16], $0x4000  }
0xc9: {  	[sflag:s16] =	ssyncset.done $0x0  }
0xca: {  	[sflag:s16] =	ssyncadd.s32 $0xFFFFC000  }
0xcb: {  	[hbm4b:s13+s2] =	stream.linear.scatter [tilespmem:s5], [sflag:$0x2], $0x4000, $0x38;
	[tilespmem:$0x1C900] =	vst v63  }
0xcc: {  	_ =	swait.ge [sflag:s16], $0x4000  }
0xcd: {  	[sflag:s16] =	ssyncset.done $0x0  }
0xce: {  	[sflag:s16] =	ssyncadd.s32 $0xFFFFC000  }
0xcf: {  	[tilespmem:s5], [sflag:$0x2] =	stream.linear.gather [spmem:s23], $0x4000, $0x38;
	[tilespmem:$0x1C900] =	vst v63  }
0xd0: {  	_ =	swait.ge [sflag:s16], $0x4000  }
0xd1: {  	[sflag:s16] =	ssyncset.done $0x0  }
0xd2: {  	[sflag:s16] =	ssyncadd.s32 $0xFFFFC000  }
0xd3: {  	[hbm4b:s14+s2] =	stream.linear.scatter [tilespmem:s5], [sflag:$0x2], $0x4000, $0x38;
	[tilespmem:$0x1C900] =	vst v63  }
0xd4: {  	_ =	swait.ge [sflag:s16], $0x4000  }
0xd5: {  	[sflag:s16] =	ssyncset.done $0x0  }
0xd6: {  	[sflag:s16] =	ssyncadd.s32 $0xFFFFC000  }
0xd7: {  	[tilespmem:s5], [sflag:$0x2] =	stream.linear.gather [spmem:s24], $0x4000, $0x38;
	[tilespmem:$0x1C900] =	vst v63  }
0xd8: {  	_ =	swait.ge [sflag:s16], $0x4000  }
0xd9: {  	[sflag:s16] =	ssyncset.done $0x0  }
0xda: {  	[sflag:s16] =	ssyncadd.s32 $0xFFFFC000  }
0xdb: {  	[hbm4b:s15+s2] =	stream.linear.scatter [tilespmem:s5], [sflag:$0x2], $0x4000, $0x38;
	[tilespmem:$0x1C900] =	vst v63  }
0xdc: {  	_ =	swait.ge [sflag:s16], $0x4000  }
0xdd: {  	[sflag:s16] =	ssyncset.done $0x0  }
0xde: {  	[sflag:s16] =	ssyncadd.s32 $0xFFFFC000  }
0xdf: {  	[tilespmem:s5], [sflag:$0x2] =	stream.linear.gather [spmem:s25], $0x4000, $0x38;
	[tilespmem:$0x1C900] =	vst v63  }
0xe0: {  	_ =	swait.ge [sflag:s16], $0x4000  }
0xe1: {  	[sflag:s16] =	ssyncset.done $0x0  }
0xe2: {  	[sflag:s16] =	ssyncadd.s32 $0xFFFFC000  }
0xe3: {  	[hbm4b:s18+s2] =	stream.linear.scatter [tilespmem:s5], [sflag:$0x2], $0x4000, $0x38;
	[tilespmem:$0x1C900] =	vst v63  }
0xe4: {  	_ =	swait.ge [sflag:s16], $0x4000  }
0xe5: {  	[sflag:s16] =	ssyncset.done $0x0  }
0xe6: {  	[sflag:s16] =	ssyncadd.s32 $0xFFFFC000  }
0xe7: {  	[tilespmem:s5], [sflag:$0x2] =	stream.linear.gather [spmem:s26], $0x4000, $0x38;
	[tilespmem:$0x1C900] =	vst v63  }
0xe8: {  	s7 =	sadd.s32 $0x1, s7;
	_ =	swait.ge [sflag:s16], $0x4000  }
0xe9: {  	p0 =	sne.s32 s7, s22;
	[sflag:s16] =	ssyncset.done $0x0  }
.Ltmp3:
0xea: {  	[sflag:s16] =	ssyncadd.s32 $0xFFFFC000;
	(pc) =	sbr.rel @p0 .LBB2_1-.Ltmp3, $4  }
0xeb: {  	[hbm4b:s19+s2] =	stream.linear.scatter [tilespmem:s5], [sflag:$0x2], $0x4000, $0x38;
	[tilespmem:$0x1C900] =	vst v63  }
0xec: {  	_ =	swait.ge [sflag:s16], $0x4000  }
0xed: {  	[sflag:s16] =	ssyncset.done $0x0  }
0xee: {  	[sflag:s16] =	ssyncadd.s32 $0xFFFFC000  }
0xef: {  	_ =	sfence.sel $0x180000  }
0xf0: {  	[bflag:$0x0] =	sbarrier.arrive $0xFFFF  }
0xf1: {  	_ =	strace $0x90000047  }
0xf2: {  	s0 =	stileid.u32;
	[bflag:$0x2] =	sbarrier.arrive $0xFFFF  }
0xf3: {  	p0 =	sne.s32 s0, $0x0;
	s0 =	rddreg [dreg:$0x5]  }
0xf4: {  	s0 =	sadd.s32 @!p0 $0x100000, s0  }
0xf5: {  	[sflag:s0] =	ssyncadd.tile.s32 @!p0 $0x1;
	_ =	shalt  }
.Lfunc_end2:
_tile_overlayer_lowered:
.L_overlay_start_2:
0xf6: {  	(tag) =	ssettag $0x2  }
0xf7: {  	s0 =	rddreg [dreg:$0x0];
	s2 =	stileid.u32  }
0xf8: {  	s1 =	rddreg [dreg:$0x1];
	p0 =	sne.s32 s2, $0x0  }
0xf9: {  	s3 =	rddreg [dreg:$0x2];
	[bflag:$0x3] =	sbarrier.arrive $0xFFFF;
	s2 =	simm.s32 @!p0 $0x1C02  }
0xfa: {  	[timem:s3], [sflag:s2] =	dma.local @!p0 [hbm:s0], s1  }
0xfb: {  	s0 =	simm.s32 @!p0 $0x2  }
0xfc: {  	_ =	swait.ge @!p0 [sflag:s0], s1  }
0xfd: {  	s1 =	ssub.s32 @!p0 $0x0, s1;
	[sflag:s0] =	ssyncset.done @!p0 $0x0  }
0xfe: {  	[sflag:s0] =	ssyncadd.s32 @!p0 s1  }
0xff: {  	[bflag:$0x3] =	sbarrier.arrive $0xFFFF  }
0x100: {  	_ =	shalt  }

// kernel: kernel.13.cloned.1.call-start
scs
__scs_entry_jumppad:
0x0: {  	(pc) =	sbr.rel $0x88, $3  }
0x1: {  	(tag) =	ssettag $0x0;
	lr =	simm.s32 $0x1  }
0x2: {  	[smem:$0x3F9A] =	sst lr;
	_ =	strace $0xD0000000  }
0x3: {  	_ = 	snop  }
0x4: {  	_ = 	snop  }
0x5: {  	_ = 	snop  }
0x6: {  	_ = 	snop  }
0x7: {  	_ = 	snop  }
__scs_overlays_trampoline_lowered:
0x8: {  	[smem:$0x3FA9] =	sst s0  }
0x9: {  	[smem:$0x3FAA] =	sst s1  }
0xa: {  	[smem:$0x3FAB] =	sst s2  }
0xb: {  	[smem:$0x3FAC] =	sst s3  }
0xc: {  	[smem:$0x3FAD] =	sst s4  }
0xd: {  	[smem:$0x3FAE] =	sst s5  }
0xe: {  	[smem:$0x3FAF] =	sst s6  }
0xf: {  	[smem:$0x3FB0] =	sst s7  }
0x10: {  	[smem:$0x3FB1] =	sst s8  }
0x11: {  	[smem:$0x3FB2] =	sst s9;
	s0 =	simm.s32 @!p0 $0x0  }
0x12: {  	s1 =	sld [smem:$0x3F98];
	s0 =	simm.s32 @p0 $0x1  }
0x13: {  	[smem:$0x3FB3] =	sst s0;
	s0 =	simm.s32 @!p1 $0x0  }
0x14: {  	s2 =	sld [smem:$0x3F97];
	s0 =	simm.s32 @p1 $0x1  }
0x15: {  	[smem:$0x3FB4] =	sst s0;
	s0 =	simm.s32 @!p2 $0x0  }
0x16: {  	s3 =	sld [smem:$0x3FDB];
	s0 =	simm.s32 @p2 $0x1  }
0x17: {  	s4 =	simm.s32 $0x1BF5;
	[smem:$0x3FB6] =	sst s0  }
0x18: {  	s0 =	sld [smem:$0x3F99];
	_ =	swait.ge [sflag:s4], $0x0  }
0x19: {  	s7 =	sld [smem:$0x3F9A]  }
0x1a: {  	s8 =	sadd.s32 $0xFFFFE003, lr  }
0x1b: {  	s9 =	sadd.s32 $0xFFFFFEF7, lr;
	s5 =	simm.s32 $0xFFFFFFFF;
	p2 =	slt.u32 s8, $0xFFFFF086  }
0x1c: {  	p1 =	slt.u32 s9, $0xF7A;
	s5 =	simm.s32 @!p2 $0x0  }
0x1d: {  	s5 =	simm.s32 @p1 $0x1;
	p0 =	seq.s32 s7, s2  }
0x1e: {  	s7 =	smul.u32 @!p0 $0xF7A, s2;
	p2 =	seq.s32 @!p0 s5, $0x0  }
0x1f: {  	s9 =	smul.u32 $0xF7A, s1;
	s8 =	simm.s32 @!p0 $0x1BF5;
	p2 =	por !p2, p0  }
0x20: {  	[sflag:s8] =	ssyncset.s32 @!p0 $0xFFFFF086;
	s6 =	sadd.s32 @!p0 s3, s7;
	s7 =	simm.s32 @!p0 $0x108  }
0x21: {  	s3 =	sadd.s32 s3, s9;
	s6 =	sadd.s32 @!p0 $0x88, s6;
	s7 =	simm.s32 @p2 $0x1082  }
0x22: {  	[simem:s7], [sflag:s8] =	dma.local @!p0 [hbm:s6], $0xF7A  }
0x23: {  	s9 =	sor.u32 $0xD0000000, s2;
	s6 =	simm.s32 $0x108;
	_ =	swait.ge @!p0 [sflag:s8], $0x0  }
0x24: {  	s3 =	sadd.s32 $0x88, s3;
	s6 =	simm.s32 @!p1 $0x1082;
	[sflag:s4] =	ssyncset.s32 $0xFFFFF086  }
0x25: {  	[simem:s6], [sflag:s4] =	dma.local [hbm:s3], $0xF7A  }
0x26: {  	[smem:$0x3F9A] =	sst s1;
	(tag) =	ssettag s2;
	_ =	strace s9  }
0x27: {  	s1 =	sld [smem:$0x3FAA]  }
0x28: {  	s2 =	sld [smem:$0x3FAB]  }
0x29: {  	s4 =	sld [smem:$0x3FAD]  }
0x2a: {  	p0 =	seq.s32 s5, $0x0;
	s5 =	sld [smem:$0x3FAE]  }
0x2b: {  	s6 =	sld [smem:$0x3FAF]  }
0x2c: {  	s7 =	sld [smem:$0x3FB0]  }
0x2d: {  	s3 =	simm.s32 $0x108;
	s8 =	sld [smem:$0x3FB1]  }
0x2e: {  	s3 =	simm.s32 @!p0 $0x1082;
	s9 =	sld [smem:$0x3FB2]  }
0x2f: {  	lr =	sadd.s32 s0, s3;
	s0 =	sld [smem:$0x3FA9]  }
0x30: {  	s3 =	sld [smem:$0x3FAC]  }
0x31: {  	[smem:$0x3FB5] =	sst s10  }
0x32: {  	s10 =	sld [smem:$0x3FB3];
	_ =	sdelay $0x3  }
0x33: {  	p0 =	seq.s32 s10, $0x1;
	s10 =	sld [smem:$0x3FB5];
	_ =	sdelay $0x3  }
0x34: {  	[smem:$0x3FB5] =	sst s10  }
0x35: {  	s10 =	sld [smem:$0x3FB4];
	_ =	sdelay $0x3  }
0x36: {  	p1 =	seq.s32 s10, $0x1;
	s10 =	sld [smem:$0x3FB5];
	_ =	sdelay $0x3  }
0x37: {  	[smem:$0x3FB5] =	sst s10  }
0x38: {  	s10 =	sld [smem:$0x3FB6]  }
0x39: {  	_ = 	snop;
	(pc) =	sbr.ind lr, $3  }
0x3a: {  	_ = 	snop  }
0x3b: {  	_ = 	snop  }
0x3c: {  	p2 =	seq.s32 s10, $0x1;
	s10 =	sld [smem:$0x3FB5]  }
0x3d: {  	_ =	shalt  }
0x3e: {  	_ =	shalt  }
0x3f: {  	_ =	shalt  }
0x40: {  	_ =	shalt  }
0x41: {  	_ =	shalt  }
0x42: {  	_ =	shalt  }
0x43: {  	_ =	shalt  }
0x44: {  	_ =	shalt  }
0x45: {  	_ =	shalt  }
0x46: {  	_ =	shalt  }
0x47: {  	_ =	shalt  }
0x48: {  	_ =	shalt  }
0x49: {  	_ =	shalt  }
0x4a: {  	_ =	shalt  }
0x4b: {  	_ =	shalt  }
0x4c: {  	_ =	shalt  }
0x4d: {  	_ =	shalt  }
0x4e: {  	_ =	shalt  }
0x4f: {  	_ =	shalt  }
0x50: {  	_ =	shalt  }
0x51: {  	_ =	shalt  }
0x52: {  	_ =	shalt  }
0x53: {  	_ =	shalt  }
0x54: {  	_ =	shalt  }
0x55: {  	_ =	shalt  }
0x56: {  	_ =	shalt  }
0x57: {  	_ =	shalt  }
0x58: {  	_ =	shalt  }
0x59: {  	_ =	shalt  }
0x5a: {  	_ =	shalt  }
0x5b: {  	_ =	shalt  }
0x5c: {  	_ =	shalt  }
0x5d: {  	_ =	shalt  }
0x5e: {  	_ =	shalt  }
0x5f: {  	_ =	shalt  }
0x60: {  	_ =	shalt  }
0x61: {  	_ =	shalt  }
0x62: {  	_ =	shalt  }
0x63: {  	_ =	shalt  }
0x64: {  	_ =	shalt  }
0x65: {  	_ =	shalt  }
0x66: {  	_ =	shalt  }
0x67: {  	_ =	shalt  }
0x68: {  	_ =	shalt  }
0x69: {  	_ =	shalt  }
0x6a: {  	_ =	shalt  }
0x6b: {  	_ =	shalt  }
0x6c: {  	_ =	shalt  }
0x6d: {  	_ =	shalt  }
0x6e: {  	_ =	shalt  }
0x6f: {  	_ =	shalt  }
0x70: {  	_ =	shalt  }
0x71: {  	_ =	shalt  }
0x72: {  	_ =	shalt  }
0x73: {  	_ =	shalt  }
0x74: {  	_ =	shalt  }
0x75: {  	_ =	shalt  }
0x76: {  	_ =	shalt  }
0x77: {  	_ =	shalt  }
0x78: {  	_ =	shalt  }
0x79: {  	_ =	shalt  }
0x7a: {  	_ =	shalt  }
0x7b: {  	_ =	shalt  }
0x7c: {  	_ =	shalt  }
0x7d: {  	_ =	shalt  }
0x7e: {  	_ =	shalt  }
0x7f: {  	_ =	shalt  }
0x80: {  	_ =	shalt  }
0x81: {  	_ =	shalt  }
0x82: {  	_ =	shalt  }
0x83: {  	_ =	shalt  }
0x84: {  	_ =	shalt  }
0x85: {  	_ =	shalt  }
0x86: {  	_ =	shalt  }
0x87: {  	_ =	shalt  }
.Lfunc_end0:
.L_simem_size_0:
called_computation.1_lowered:
.L_overlay_start_0:
0x88: {  	s2 =	sld [smem:$0x3FD9]  }
0x89: {  	s3 =	sld [smem:$0x3FFE];
	_ =	sdelay $0x1  }
0x8a: {  	s1 =	srdreg.scid  }
0x8b: {  	s0 =	sand.u32 $0x1, s1  }
0x8c: {  	s14 =	sshll.u32 s0, $0xA;
	s2 =	sadd.s32 s3, s2  }
0x8d: {  	s2 =	sadd.s32 s2, s14  }
0x8e: {  	[smem:$0x3FC1] =	sst s2  }
0x8f: {  	_ = 	snop  }
0x90: {  	s2 =	sld [smem:$0x3FD0];
	_ =	sdelay $0x2  }
0x91: {  	s15 =	simm.s32 $0xA;
	s4 =	simm.s32 $0x10  }
0x92: {  	[smem:s4], [sflag:s15] =	dma.local [hbm:s2], $0x1  }
0x93: {  	_ =	swait.eq [sflag:s15], $0x1  }
0x94: {  	[sflag:s15] =	ssyncset.done $0x0  }
0x95: {  	s16 =	sld [smem:$0x10];
	[sflag:s15] =	ssyncadd.s32 $0xFFFFFFFF  }
0x96: {  	s17 =	sld [smem:$0x11];
	(tm) =	ssettm $0x1  }
0x97: {  	s18 =	sld [smem:$0x3FFB];
	_ =	sdelay $0x3  }
0x98: {  	_ =	strace s18  }
0x99: {  	s4 =	sld [smem:$0x3FFC];
	_ =	sdelay $0x3  }
0x9a: {  	_ =	strace s4  }
0x9b: {  	s4 =	sld [smem:$0x3FFD];
	_ =	sdelay $0x3  }
0x9c: {  	_ =	strace s4  }
0x9d: {  	_ =	strace $0x8FFFFFFF  }
0x9e: {  	s19 =	sld [smem:$0x3FDB];
	_ =	sdelay $0x1  }
0x9f: {  	s5 =	simm.s32 $_scs_section_size  }
0xa0: {  	s6 =	simm.s32 $_size__tile_overlayer_lowered;
	s7 =	simm.s32 $_tile_overlayer_lowered  }
0xa1: {  	s22 =	simm.s32 $0x1BFF;
	s21 =	sshll.u32 s7, $0x1;
	s4 =	sadd.s32 s5, s19  }
0xa2: {  	s8 =	simm.s32 $0x0;
	s20 =	sshll.u32 s6, $0x1;
	s6 =	sadd.s32 s21, s4  }
0xa3: {  	[timem:s8], [sflag:s22] =	dma.local [hbm:s6], s20  }
0xa4: {  	_ =	swait.ge [sflag:s22], s20  }
0xa5: {  	s5 =	ssub.s32 $0x0, s20;
	[sflag:s22] =	ssyncset.done $0x0  }
0xa6: {  	[sflag:s22] =	ssyncadd.s32 s5;
	_ =	sdelay $0x1  }
0xa7: {  	s23 =	simm.s32 $0x1B8B  }
0xa8: {  	_ =	swait.ge [sflag:s23], $0x1  }
0xa9: {  	[sflag:s23] =	ssyncset.done $0x0  }
0xaa: {  	s25 =	simm.s32 $0x1B8E;
	s24 =	sld [smem:$0x3FFE];
	[sflag:s23] =	ssyncadd.s32 $0xFFFFFFFF  }
0xab: {  	s26 =	simm.s32 $execute0_lowered;
	[smem:$0x3FD2] =	sst s25  }
0xac: {  	s6 =	sshll.u32 s26, $0x1;
	_ =	strace $0x80000049;
	[dreg:$0x1] =	wrdreg $0xFFFFFFFF  }
0xad: {  	s28 =	simm.s32 $_size_execute0_lowered;
	s4 =	sadd.s32 s4, s6;
	[dreg:$0x0] =	wrdreg $0x0  }
0xae: {  	s6 =	sshll.u32 s28, $0x1;
	[dreg:$0x2] =	wrdreg s4  }
0xaf: {  	[dreg:$0x3] =	wrdreg s6  }
0xb0: {  	[dreg:$0x4] =	wrdreg $0xC0  }
0xb1: {  	_ =	task [dreg:s8], $0x5FFFF  }
0xb2: {  	[dreg:$0x1] =	wrdreg $0xFFFFFFFF  }
0xb3: {  	[dreg:$0x0] =	wrdreg $0x60  }
0xb4: {  	[dreg:$0x2] =	wrdreg s17  }
0xb5: {  	[dreg:$0x3] =	wrdreg s24  }
0xb6: {  	[dreg:$0x4] =	wrdreg s16  }
0xb7: {  	[dreg:$0x5] =	wrdreg $0xA9000  }
0xb8: {  	[dreg:$0x6] =	wrdreg $0x9  }
0xb9: {  	_ =	task.clear_ibuf [dreg:s8], $0x7FFFF;
	_ =	strace $0x90000049  }
0xba: {  	s29 =	simm.s32 $0x9;
	_ =	strace $0x8000004B  }
0xbb: {  	_ =	swait.ge [sflag:s29], $0x1  }
0xbc: {  	[sflag:s29] =	ssyncadd.s32 $0xFFFFFFFF  }
0xbd: {  	_ =	strace $0x9000004B  }
0xbe: {  	_ =	sfence  }
0xbf: {  	s30 =	sld [smem:$0x0];
	_ =	sdelay $0x2  }
0xc0: {  	s31 =	sshll.u32 s1, $0xD;
	s1 =	sshrl.u32 s1, $0x2  }
0xc1: {  	s3 =	sand.u32 $0x4000, s31;
	s1 =	sadd.s32 s1, s30  }
0xc2: {  	s0 =	sor.u32 s3, s0;
	s1 =	sshll.u32 s1, $0x11  }
0xc3: {  	s0 =	sor.u32 s1, s0  }
0xc4: {  	s0 =	sadd.s32 $0x8F2B, s0  }
0xc5: {  	[sflag:s0] =	ssyncadd.remote.s32 $0x1  }
0xc6: {  	_ =	sfence.sel $0xFFFF  }
0xc7: {  	[dreg:$0x0] =	wrdreg $0xFFFFFFFF;
	(pc) =	sbr.abs _section_cstart, $3  }
0xc8: {  	[dreg:$0x1] =	wrdreg $0xFFFFFFFF  }
0xc9: {  	_ =	task.clear_ibuf [dreg:s8], $0x2FFFF;
	_ =	strace $0x9FFFFFFF  }
0xca: {  	(tm) =	ssettm $0x7FFFFFFF  }
0xcb: {  	_ =	shalt  }
tec
execute0_lowered:
.L_overlay_start_1:
0x0: {  	(tag) =	ssettag $0x1  }
0x1: {  	s0 =	rddreg [dreg:$0x0]  }
0x2: {  	s1 =	rddreg [dreg:$0x1]  }
0x3: {  	s2 =	srdreg.scid;
	s5 =	rddreg [dreg:$0x2]  }
0x4: {  	s3 =	rddreg [dreg:$0x3];
	s12 =	stileid.u32;
	s4 =	simm.s32 $0x0  }
0x5: {  	s28 =	simm.s32 $0x2800;
	s29 =	simm.s32 $0x80;
	s30 =	simm.s32 $0x6900  }
0x6: {  	s31 =	simm.s32 $0x2880;
	s2 =	sand.u32 $0x1, s2;
	s9 =	smul.u32 $0x50000, s12  }
0x7: {  	[smem:$0x7FF] =	sst s4;
	s26 =	smul.u32 $0x14000, s12;
	s6 =	sshll.u32 s2, $0x4  }
0x8: {  	_ =	strace $0x8000004A;
	s7 =	ssub.s32 $0x2, s2;
	s6 =	sor.u32 s12, s6  }
0x9: {  	s23 =	sshrl.u32 s7, $0x1;
	s25 =	sshrl.u32 s9, $0x2;
	s9 =	smul.u32 $0x140000, s2  }
0xa: {  	s16 =	sadd.s32 $0x4000, s26;
	s6 =	smul.u32 $0x2800, s6;
	s11 =	ssub.s32 s7, s23  }
0xb: {  	s2 =	smul.u32 $0x28000, s2;
	s15 =	sadd.s32 s16, s3;
	s18 =	smax.u32 s11, $0x1  }
0xc: {  	s22 =	sadd.s32 s9, s26;
	s23 =	sadd.s32 s9, s16;
	s8 =	sshrl.u32 s6, $0x3  }
0xd: {  	s6 =	sadd.s32 s25, s3;
	[dreg:$0x7] =	wrdreg s18;
	s18 =	smul.u32 $0x2800, s12  }
0xe: {  	s10 =	sadd.s32 s8, s1;
	s1 =	sadd.s32 $0x2A00, s1;
	s19 =	sadd.s32 $0x4000, s6  }
0xf: {  	s20 =	sadd.s32 $0x8000, s6;
	s21 =	sadd.s32 $0xC000, s6;
	[dreg:$0x8] =	wrdreg s19  }
0x10: {  	s13 =	sadd.s32 $0x10000, s6;
	s24 =	sadd.s32 $0x34A00, s10;
	[dreg:$0x9] =	wrdreg s20  }
0x11: {  	s7 =	sadd.s32 s1, s8;
	[dreg:$0xa] =	wrdreg s21;
	s10 =	sshrl.u32 s22, $0x3  }
0x12: {  	s19 =	sadd.s32 $0xC000, s26;
	s2 =	sadd.s32 s18, s2;
	s8 =	sadd.s32 $0x10000, s26  }
0x13: {  	[dreg:$0x5] =	wrdreg s24;
	s17 =	sadd.s32 $0x4F0, s7;
	s14 =	sadd.s32 s5, s10  }
0x14: {  	s10 =	sshrl.u32 s23, $0x3;
	s20 =	sadd.s32 s9, s19;
	s19 =	sadd.s32 s19, s3  }
0x15: {  	s22 =	sadd.s32 s8, s3;
	[dreg:$0x6] =	wrdreg s17;
	s17 =	sadd.s32 $0x8000, s26  }
0x16: {  	s16 =	sadd.s32 s5, s10;
	s25 =	sshrl.u32 s20, $0x3;
	s26 =	sor.u32 $0x100, s2  }
0x17: {  	s2 =	sor.u32 $0x80, s2;
	s24 =	sadd.s32 s9, s17;
	s17 =	sadd.s32 s17, s3  }
0x18: {  	s9 =	sadd.s32 s9, s8;
	s20 =	sadd.s32 s5, s25;
	s2 =	sshrl.u32 s2, $0x3  }
0x19: {  	s25 =	simm.s32 $0x3;
	s10 =	sshrl.u32 s24, $0x3;
	s9 =	sshrl.u32 s9, $0x3  }
0x1a: {  	s24 =	sadd.s32 s2, s1;
	s2 =	simm.s32 $0x2;
	s18 =	sadd.s32 s5, s10  }
0x1b: {  	s21 =	sadd.s32 s5, s9;
	s5 =	sshrl.u32 s26, $0x3;
	s26 =	simm.s32 $0x2900  }
0x1c: {  	v0 =	vimm.f32 $0.0e+00;
	s23 =	sadd.s32 s5, s1;
	s1 =	simm.s32 $0x1;
	s5 =	simm.s32 $0x0  }
.LBB2_1:
0x1d: {  	s8 =	rddreg [dreg:$0x5]  }
0x1e: {  	[tilespmem:s4], [sflag:$0x3] =	stream.linear.gather [hbm4b:s8+s4], $0x2800, $0x38;
	[tilespmem:$0x1E900] =	vst v63  }
0x1f: {  	s12 =	sand.u32 $0xFE00, s4;
	s9 =	sand.u32 $0x70, s4;
	_ =	swait.ge [sflag:s25], $0x2800  }
0x20: {  	s10 =	sshrl.u32 s12, $0x2;
	s8 =	simm.s32 $0x40;
	[sflag:s25] =	ssyncset.done $0x0  }
0x21: {  	s10 =	sor.u32 s9, s10;
	s9 =	simm.s32 $0x0;
	[sflag:s25] =	ssyncadd.s32 $0xFFFFD800  }
.LBB2_2:
0x22: {  	p0 =	sne.s32 s8, $0xFFC0  }
0x23: {  	[tilespmem:s10+$0x2900] =	vst v0;
	s9 =	sadd.s32 $0x10, s9;
	s10 =	smov.u32 s8;
	s8 =	sadd.s32 $0x40, s8  }
.Ltmp0:
0x24: {  	(pc) =	sbr.rel @p0 .LBB2_2-.Ltmp0, $4  }
0x25: {  	_ = 	snop  }
0x26: {  	s10 =	sand.u32 $0xFE00, s10  }
0x27: {  	s11 =	sand.u32 $0x70, s9;
	s10 =	sshrl.u32 s10, $0x2  }
0x28: {  	s10 =	sor.u32 s11, s10  }
0x29: {  	[tilespmem:s10+$0x2900] =	vst v0  }
0x2a: {  	[spmem:s6] =	stream.linear.scatter [tilespmem:s26], [sflag:$0x3], $0x4000, $0x38;
	[tilespmem:$0x1E900] =	vst v63  }
0x2b: {  	_ =	swait.ge [sflag:s25], $0x4000  }
0x2c: {  	[sflag:s25] =	ssyncset.done $0x0  }
0x2d: {  	s8 =	rddreg [dreg:$0x8];
	[sflag:s25] =	ssyncadd.s32 $0xFFFFC000  }
0x2e: {  	[spmem:s8] =	stream.linear.scatter [tilespmem:s26], [sflag:$0x3], $0x4000, $0x38;
	[tilespmem:$0x1E900] =	vst v63  }
0x2f: {  	_ =	swait.ge [sflag:s25], $0x4000  }
0x30: {  	[sflag:s25] =	ssyncset.done $0x0  }
0x31: {  	s10 =	rddreg [dreg:$0x9];
	[sflag:s25] =	ssyncadd.s32 $0xFFFFC000  }
0x32: {  	[spmem:s10] =	stream.linear.scatter [tilespmem:s26], [sflag:$0x3], $0x4000, $0x38;
	[tilespmem:$0x1E900] =	vst v63  }
0x33: {  	_ =	swait.ge [sflag:s25], $0x4000  }
0x34: {  	[sflag:s25] =	ssyncset.done $0x0  }
0x35: {  	s11 =	rddreg [dreg:$0xa];
	[sflag:s25] =	ssyncadd.s32 $0xFFFFC000  }
0x36: {  	[spmem:s11] =	stream.linear.scatter [tilespmem:s26], [sflag:$0x3], $0x4000, $0x38;
	[tilespmem:$0x1E900] =	vst v63  }
0x37: {  	_ =	swait.ge [sflag:s25], $0x4000  }
0x38: {  	[sflag:s25] =	ssyncset.done $0x0  }
0x39: {  	[sflag:s25] =	ssyncadd.s32 $0xFFFFC000  }
0x3a: {  	[spmem:s13] =	stream.linear.scatter [tilespmem:s26], [sflag:$0x3], $0x4000, $0x38;
	[tilespmem:$0x1E900] =	vst v63  }
0x3b: {  	_ =	swait.ge [sflag:s25], $0x4000  }
0x3c: {  	[sflag:s25] =	ssyncset.done $0x0  }
0x3d: {  	[sflag:s25] =	ssyncadd.s32 $0xFFFFC000  }
0x3e: {  	s12 =	simm.s32 $0x0;
	[bflag:$0x0] =	sbarrier.arrive $0xFFFF  }
0x3f: {  	[tilespmem:s28], [sflag:$0x3] =	stream.linear.gather [hbm4b:s7+s12], $0x80, $0x38;
	[tilespmem:$0x1E900] =	vst v63  }
0x40: {  	_ =	swait.ge [sflag:s25], $0x80  }
0x41: {  	[sflag:s25] =	ssyncset.done $0x0  }
0x42: {  	[sflag:s25] =	ssyncadd.s32 $0xFFFFFF80  }
0x43: {  	[tilespmem:s26], [sflag:$0x1] =	stream.indirect.gather [hbm4b:s0+s29], $0x80, s12, s29, $0xb8;
	[tilespmem:$0x1E900] =	vst v63  }
0x44: {  	s9 =	simm.s32 $0x80  }
0x45: {  	[tilespmem:s30], [sflag:$0x2] =	stream.indirect.gather [hbm4b:s0+s29], $0x80, s9, s29, $0xb8;
	[tilespmem:$0x1E900] =	vst v63  }
0x46: {  	s10 =	sadd.s32 $0x0, s24  }
0x47: {  	[tilespmem:s31], [sflag:$0x3] =	stream.linear.gather [hbm4b:s10+s4], $0x80, $0x38;
	[tilespmem:$0x1E900] =	vst v63  }
0x48: {  	_ =	swait.ge [sflag:s25], $0x80  }
0x49: {  	[sflag:s25] =	ssyncset.done $0x0  }
0x4a: {  	[sflag:s25] =	ssyncadd.s32 $0xFFFFFF80  }
0x4b: {  	_ =	swait.ge [sflag:s1], $0x4000  }
0x4c: {  	[sflag:s1] =	ssyncset.done $0x0  }
0x4d: {  	[sflag:s1] =	ssyncadd.s32 $0xFFFFC000  }
0x4e: {  	[spmem:s3] =	stream.indirect.scatter.add.f32 [tilespmem:s26], [sflag:$0x3], $0x80, s28, s29, $0xb8;
	[tilespmem:$0x1E900] =	vst v63  }
0x4f: {  	_ =	swait.ge [sflag:s25], $0x4000  }
0x50: {  	[sflag:s25] =	ssyncset.done $0x0  }
0x51: {  	s11 =	simm.s32 $0x100;
	[sflag:s25] =	ssyncadd.s32 $0xFFFFC000  }
0x52: {  	[tilespmem:s26], [sflag:$0x1] =	stream.indirect.gather [hbm4b:s0+s29], $0x80, s11, s29, $0xb8;
	[tilespmem:$0x1E900] =	vst v63  }
0x53: {  	s12 =	sadd.s32 $0x0, s23  }
0x54: {  	[tilespmem:s28], [sflag:$0x3] =	stream.linear.gather [hbm4b:s12+s4], $0x80, $0x38;
	[tilespmem:$0x1E900] =	vst v63  }
0x55: {  	_ =	swait.ge [sflag:s25], $0x80  }
0x56: {  	[sflag:s25] =	ssyncset.done $0x0  }
0x57: {  	[sflag:s25] =	ssyncadd.s32 $0xFFFFFF80  }
0x58: {  	_ =	swait.ge [sflag:s2], $0x4000  }
0x59: {  	[sflag:s2] =	ssyncset.done $0x0  }
0x5a: {  	[sflag:s2] =	ssyncadd.s32 $0xFFFFC000  }
0x5b: {  	[spmem:s3] =	stream.indirect.scatter.add.f32 [tilespmem:s30], [sflag:$0x3], $0x80, s31, s29, $0xb8;
	[tilespmem:$0x1E900] =	vst v63  }
0x5c: {  	s8 =	simm.s32 $0x20;
	_ =	swait.ge [sflag:s25], $0x4000  }
0x5d: {  	s9 =	simm.s32 $0x200;
	s10 =	simm.s32 $0x40;
	[sflag:s25] =	ssyncset.done $0x0  }
.LBB2_4:
0x5e: {  	p0 =	sne.s32 s10, $0x4C0;
	s11 =	sadd.s32 $0xFFFFFF80, s9;
	[sflag:s25] =	ssyncadd.s32 $0xFFFFC000  }
0x5f: {  	[tilespmem:s30], [sflag:$0x2] =	stream.indirect.gather [hbm4b:s0+s29], $0x80, s11, s29, $0xb8;
	[tilespmem:$0x1E900] =	vst v63  }
0x60: {  	s12 =	smov.u32 s10;
	s10 =	sadd.s32 $0x20, s10;
	s11 =	sadd.s32 s8, s24  }
0x61: {  	[tilespmem:s31], [sflag:$0x3] =	stream.linear.gather [hbm4b:s11+s4], $0x80, $0x38;
	[tilespmem:$0x1E900] =	vst v63  }
0x62: {  	_ =	swait.ge [sflag:s25], $0x80  }
0x63: {  	[sflag:s25] =	ssyncset.done $0x0  }
0x64: {  	[sflag:s25] =	ssyncadd.s32 $0xFFFFFF80  }
0x65: {  	_ =	swait.ge [sflag:s1], $0x4000  }
0x66: {  	[sflag:s1] =	ssyncset.done $0x0  }
0x67: {  	[sflag:s1] =	ssyncadd.s32 $0xFFFFC000  }
0x68: {  	[spmem:s3] =	stream.indirect.scatter.add.f32 [tilespmem:s26], [sflag:$0x3], $0x80, s28, s29, $0xb8;
	[tilespmem:$0x1E900] =	vst v63  }
0x69: {  	_ =	swait.ge [sflag:s25], $0x4000  }
0x6a: {  	[sflag:s25] =	ssyncset.done $0x0  }
0x6b: {  	[sflag:s25] =	ssyncadd.s32 $0xFFFFC000  }
0x6c: {  	[tilespmem:s26], [sflag:$0x1] =	stream.indirect.gather [hbm4b:s0+s29], $0x80, s9, s29, $0xb8;
	[tilespmem:$0x1E900] =	vst v63  }
0x6d: {  	s11 =	sadd.s32 s8, s23;
	s8 =	smov.u32 s12  }
0x6e: {  	[tilespmem:s28], [sflag:$0x3] =	stream.linear.gather [hbm4b:s11+s4], $0x80, $0x38;
	[tilespmem:$0x1E900] =	vst v63  }
0x6f: {  	_ =	swait.ge [sflag:s25], $0x80  }
0x70: {  	[sflag:s25] =	ssyncset.done $0x0  }
0x71: {  	[sflag:s25] =	ssyncadd.s32 $0xFFFFFF80  }
0x72: {  	_ =	swait.ge [sflag:s2], $0x4000  }
.Ltmp1:
0x73: {  	[sflag:s2] =	ssyncset.done $0x0;
	(pc) =	sbr.rel @p0 .LBB2_4-.Ltmp1, $4  }
0x74: {  	[sflag:s2] =	ssyncadd.s32 $0xFFFFC000  }
0x75: {  	[spmem:s3] =	stream.indirect.scatter.add.f32 [tilespmem:s30], [sflag:$0x3], $0x80, s31, s29, $0xb8;
	[tilespmem:$0x1E900] =	vst v63  }
0x76: {  	_ =	swait.ge [sflag:s25], $0x4000  }
0x77: {  	s9 =	sadd.s32 $0x100, s9;
	[sflag:s25] =	ssyncset.done $0x0  }
0x78: {  	s10 =	sadd.s32 $0xFFFFFF80, s9;
	[sflag:s25] =	ssyncadd.s32 $0xFFFFC000  }
0x79: {  	[tilespmem:s30], [sflag:$0x2] =	stream.indirect.gather [hbm4b:s0+s29], $0x80, s10, s29, $0xb8;
	[tilespmem:$0x1E900] =	vst v63  }
0x7a: {  	s12 =	sadd.s32 s8, s24  }
0x7b: {  	[tilespmem:s31], [sflag:$0x3] =	stream.linear.gather [hbm4b:s12+s4], $0x80, $0x38;
	[tilespmem:$0x1E900] =	vst v63  }
0x7c: {  	_ =	swait.ge [sflag:s25], $0x80  }
0x7d: {  	[sflag:s25] =	ssyncset.done $0x0  }
0x7e: {  	[sflag:s25] =	ssyncadd.s32 $0xFFFFFF80  }
0x7f: {  	_ =	swait.ge [sflag:s1], $0x4000  }
0x80: {  	[sflag:s1] =	ssyncset.done $0x0  }
0x81: {  	[sflag:s1] =	ssyncadd.s32 $0xFFFFC000  }
0x82: {  	[spmem:s3] =	stream.indirect.scatter.add.f32 [tilespmem:s26], [sflag:$0x3], $0x80, s28, s29, $0xb8;
	[tilespmem:$0x1E900] =	vst v63  }
0x83: {  	_ =	swait.ge [sflag:s25], $0x4000  }
0x84: {  	[sflag:s25] =	ssyncset.done $0x0  }
0x85: {  	[sflag:s25] =	ssyncadd.s32 $0xFFFFC000  }
0x86: {  	[tilespmem:s26], [sflag:$0x1] =	stream.indirect.gather [hbm4b:s0+s29], $0x80, s9, s29, $0xb8;
	[tilespmem:$0x1E900] =	vst v63  }
0x87: {  	s9 =	sadd.s32 s8, s23  }
0x88: {  	[tilespmem:s28], [sflag:$0x3] =	stream.linear.gather [hbm4b:s9+s4], $0x80, $0x38;
	[tilespmem:$0x1E900] =	vst v63  }
0x89: {  	_ =	swait.ge [sflag:s25], $0x80  }
0x8a: {  	[sflag:s25] =	ssyncset.done $0x0  }
0x8b: {  	[sflag:s25] =	ssyncadd.s32 $0xFFFFFF80  }
0x8c: {  	_ =	swait.ge [sflag:s2], $0x4000  }
0x8d: {  	[sflag:s2] =	ssyncset.done $0x0  }
0x8e: {  	[sflag:s2] =	ssyncadd.s32 $0xFFFFC000  }
0x8f: {  	[spmem:s3] =	stream.indirect.scatter.add.f32 [tilespmem:s30], [sflag:$0x3], $0x80, s31, s29, $0xb8;
	[tilespmem:$0x1E900] =	vst v63  }
0x90: {  	_ =	swait.ge [sflag:s25], $0x4000  }
0x91: {  	[sflag:s25] =	ssyncset.done $0x0  }
0x92: {  	s10 =	simm.s32 $0x2780;
	[sflag:s25] =	ssyncadd.s32 $0xFFFFC000  }
0x93: {  	[tilespmem:s30], [sflag:$0x2] =	stream.indirect.gather [hbm4b:s0+s29], $0x80, s10, s29, $0xb8;
	[tilespmem:$0x1E900] =	vst v63  }
0x94: {  	s11 =	rddreg [dreg:$0x6]  }
0x95: {  	[tilespmem:s31], [sflag:$0x3] =	stream.linear.gather [hbm4b:s11+s4], $0x80, $0x38;
	[tilespmem:$0x1E900] =	vst v63  }
0x96: {  	_ =	swait.ge [sflag:s25], $0x80  }
0x97: {  	[sflag:s25] =	ssyncset.done $0x0  }
0x98: {  	[sflag:s25] =	ssyncadd.s32 $0xFFFFFF80  }
0x99: {  	_ =	swait.ge [sflag:s1], $0x4000  }
0x9a: {  	[sflag:s1] =	ssyncset.done $0x0  }
0x9b: {  	[sflag:s1] =	ssyncadd.s32 $0xFFFFC000  }
0x9c: {  	[spmem:s3] =	stream.indirect.scatter.add.f32 [tilespmem:s26], [sflag:$0x3], $0x80, s28, s29, $0xb8;
	[tilespmem:$0x1E900] =	vst v63  }
0x9d: {  	_ =	swait.ge [sflag:s25], $0x4000  }
0x9e: {  	[sflag:s25] =	ssyncset.done $0x0  }
0x9f: {  	[sflag:s25] =	ssyncadd.s32 $0xFFFFC000  }
0xa0: {  	_ =	swait.ge [sflag:s2], $0x4000  }
0xa1: {  	[sflag:s2] =	ssyncset.done $0x0  }
0xa2: {  	[sflag:s2] =	ssyncadd.s32 $0xFFFFC000  }
0xa3: {  	[spmem:s3] =	stream.indirect.scatter.add.f32 [tilespmem:s30], [sflag:$0x3], $0x80, s31, s29, $0xb8;
	[tilespmem:$0x1E900] =	vst v63  }
0xa4: {  	_ =	swait.ge [sflag:s25], $0x4000  }
0xa5: {  	[sflag:s25] =	ssyncset.done $0x0  }
0xa6: {  	[sflag:s25] =	ssyncadd.s32 $0xFFFFC000  }
0xa7: {  	[bflag:$0x0] =	sbarrier.arrive $0xFFFF  }
0xa8: {  	[tilespmem:s26], [sflag:$0x3] =	stream.linear.gather [spmem:s6], $0x4000, $0x38;
	[tilespmem:$0x1E900] =	vst v63  }
0xa9: {  	_ =	swait.ge [sflag:s25], $0x4000  }
0xaa: {  	[sflag:s25] =	ssyncset.done $0x0  }
0xab: {  	[sflag:s25] =	ssyncadd.s32 $0xFFFFC000  }
0xac: {  	[hbm4b:s14+s4] =	stream.linear.scatter [tilespmem:s26], [sflag:$0x3], $0x4000, $0x38;
	[tilespmem:$0x1E900] =	vst v63  }
0xad: {  	_ =	swait.ge [sflag:s25], $0x4000  }
0xae: {  	[sflag:s25] =	ssyncset.done $0x0  }
0xaf: {  	[sflag:s25] =	ssyncadd.s32 $0xFFFFC000  }
0xb0: {  	[tilespmem:s26], [sflag:$0x3] =	stream.linear.gather [spmem:s15], $0x4000, $0x38;
	[tilespmem:$0x1E900] =	vst v63  }
0xb1: {  	_ =	swait.ge [sflag:s25], $0x4000  }
0xb2: {  	[sflag:s25] =	ssyncset.done $0x0  }
0xb3: {  	[sflag:s25] =	ssyncadd.s32 $0xFFFFC000  }
0xb4: {  	[hbm4b:s16+s4] =	stream.linear.scatter [tilespmem:s26], [sflag:$0x3], $0x4000, $0x38;
	[tilespmem:$0x1E900] =	vst v63  }
0xb5: {  	_ =	swait.ge [sflag:s25], $0x4000  }
0xb6: {  	[sflag:s25] =	ssyncset.done $0x0  }
0xb7: {  	[sflag:s25] =	ssyncadd.s32 $0xFFFFC000  }
0xb8: {  	[tilespmem:s26], [sflag:$0x3] =	stream.linear.gather [spmem:s17], $0x4000, $0x38;
	[tilespmem:$0x1E900] =	vst v63  }
0xb9: {  	_ =	swait.ge [sflag:s25], $0x4000  }
0xba: {  	[sflag:s25] =	ssyncset.done $0x0  }
0xbb: {  	[sflag:s25] =	ssyncadd.s32 $0xFFFFC000  }
0xbc: {  	[hbm4b:s18+s4] =	stream.linear.scatter [tilespmem:s26], [sflag:$0x3], $0x4000, $0x38;
	[tilespmem:$0x1E900] =	vst v63  }
0xbd: {  	_ =	swait.ge [sflag:s25], $0x4000  }
0xbe: {  	[sflag:s25] =	ssyncset.done $0x0  }
0xbf: {  	[sflag:s25] =	ssyncadd.s32 $0xFFFFC000  }
0xc0: {  	[tilespmem:s26], [sflag:$0x3] =	stream.linear.gather [spmem:s19], $0x4000, $0x38;
	[tilespmem:$0x1E900] =	vst v63  }
0xc1: {  	_ =	swait.ge [sflag:s25], $0x4000  }
0xc2: {  	[sflag:s25] =	ssyncset.done $0x0  }
0xc3: {  	[sflag:s25] =	ssyncadd.s32 $0xFFFFC000  }
0xc4: {  	[hbm4b:s20+s4] =	stream.linear.scatter [tilespmem:s26], [sflag:$0x3], $0x4000, $0x38;
	[tilespmem:$0x1E900] =	vst v63  }
0xc5: {  	_ =	swait.ge [sflag:s25], $0x4000  }
0xc6: {  	[sflag:s25] =	ssyncset.done $0x0  }
0xc7: {  	[sflag:s25] =	ssyncadd.s32 $0xFFFFC000  }
0xc8: {  	[tilespmem:s26], [sflag:$0x3] =	stream.linear.gather [spmem:s22], $0x4000, $0x38;
	[tilespmem:$0x1E900] =	vst v63  }
0xc9: {  	_ =	swait.ge [sflag:s25], $0x4000  }
0xca: {  	[sflag:s25] =	ssyncset.done $0x0  }
0xcb: {  	[sflag:s25] =	ssyncadd.s32 $0xFFFFC000  }
0xcc: {  	[hbm4b:s21+s4] =	stream.linear.scatter [tilespmem:s26], [sflag:$0x3], $0x4000, $0x38;
	[tilespmem:$0x1E900] =	vst v63  }
0xcd: {  	_ =	swait.ge [sflag:s25], $0x4000  }
0xce: {  	s5 =	sadd.s32 $0x1, s5;
	s12 =	rddreg [dreg:$0x7]  }
0xcf: {  	p0 =	sne.s32 s5, s12  }
.Ltmp2:
0xd0: {  	_ = 	snop;
	(pc) =	sbr.rel @p0 .LBB2_1-.Ltmp2, $3  }
0xd1: {  	_ =	sdelay $0x1  }
0xd2: {  	[sflag:s25] =	ssyncset.done $0x0  }
0xd3: {  	[sflag:s25] =	ssyncadd.s32 $0xFFFFC000  }
0xd4: {  	_ =	sfence.sel $0x180000  }
0xd5: {  	[bflag:$0x0] =	sbarrier.arrive $0xFFFF  }
0xd6: {  	_ =	strace $0x9000004A  }
0xd7: {  	s0 =	stileid.u32;
	[bflag:$0x2] =	sbarrier.arrive $0xFFFF  }
0xd8: {  	p0 =	sne.s32 s0, $0x0;
	s0 =	rddreg [dreg:$0x4]  }
0xd9: {  	s0 =	sadd.s32 @!p0 $0x100000, s0  }
0xda: {  	[sflag:s0] =	ssyncadd.tile.s32 @!p0 $0x1;
	_ =	shalt  }
.Lfunc_end2:
_tile_overlayer_lowered:
.L_overlay_start_2:
0xdb: {  	(tag) =	ssettag $0x2  }
0xdc: {  	s0 =	rddreg [dreg:$0x0];
	s2 =	stileid.u32  }
0xdd: {  	s1 =	rddreg [dreg:$0x1];
	p0 =	sne.s32 s2, $0x0  }
0xde: {  	s3 =	rddreg [dreg:$0x2];
	[bflag:$0x3] =	sbarrier.arrive $0xFFFF;
	s2 =	simm.s32 @!p0 $0x1C03  }
0xdf: {  	[timem:s3], [sflag:s2] =	dma.local @!p0 [hbm:s0], s1  }
0xe0: {  	s0 =	simm.s32 @!p0 $0x3  }
0xe1: {  	_ =	swait.ge @!p0 [sflag:s0], s1  }
0xe2: {  	s1 =	ssub.s32 @!p0 $0x0, s1;
	[sflag:s0] =	ssyncset.done @!p0 $0x0  }
0xe3: {  	[sflag:s0] =	ssyncadd.s32 @!p0 s1  }
0xe4: {  	[bflag:$0x3] =	sbarrier.arrive $0xFFFF  }
0xe5: {  	_ =	shalt  }

// kernel: kernel.16.cloned.1.call-start
scs
__scs_entry_jumppad:
0x0: {  	(pc) =	sbr.rel $0x88, $3  }
0x1: {  	(tag) =	ssettag $0x0;
	lr =	simm.s32 $0x1  }
0x2: {  	[smem:$0x3F9A] =	sst lr;
	_ =	strace $0xD0000000  }
0x3: {  	_ = 	snop  }
0x4: {  	_ = 	snop  }
0x5: {  	_ = 	snop  }
0x6: {  	_ = 	snop  }
0x7: {  	_ = 	snop  }
__scs_overlays_trampoline_lowered:
0x8: {  	[smem:$0x3FA9] =	sst s0  }
0x9: {  	[smem:$0x3FAA] =	sst s1  }
0xa: {  	[smem:$0x3FAB] =	sst s2  }
0xb: {  	[smem:$0x3FAC] =	sst s3  }
0xc: {  	[smem:$0x3FAD] =	sst s4  }
0xd: {  	[smem:$0x3FAE] =	sst s5  }
0xe: {  	[smem:$0x3FAF] =	sst s6  }
0xf: {  	[smem:$0x3FB0] =	sst s7  }
0x10: {  	[smem:$0x3FB1] =	sst s8  }
0x11: {  	[smem:$0x3FB2] =	sst s9;
	s0 =	simm.s32 @!p0 $0x0  }
0x12: {  	s1 =	sld [smem:$0x3F98];
	s0 =	simm.s32 @p0 $0x1  }
0x13: {  	[smem:$0x3FB3] =	sst s0;
	s0 =	simm.s32 @!p1 $0x0  }
0x14: {  	s2 =	sld [smem:$0x3F97];
	s0 =	simm.s32 @p1 $0x1  }
0x15: {  	[smem:$0x3FB4] =	sst s0;
	s0 =	simm.s32 @!p2 $0x0  }
0x16: {  	s3 =	sld [smem:$0x3FDB];
	s0 =	simm.s32 @p2 $0x1  }
0x17: {  	s4 =	simm.s32 $0x1BF5;
	[smem:$0x3FB6] =	sst s0  }
0x18: {  	s0 =	sld [smem:$0x3F99];
	_ =	swait.ge [sflag:s4], $0x0  }
0x19: {  	s7 =	sld [smem:$0x3F9A]  }
0x1a: {  	s8 =	sadd.s32 $0xFFFFE003, lr  }
0x1b: {  	s9 =	sadd.s32 $0xFFFFFEF7, lr;
	s5 =	simm.s32 $0xFFFFFFFF;
	p2 =	slt.u32 s8, $0xFFFFF086  }
0x1c: {  	p1 =	slt.u32 s9, $0xF7A;
	s5 =	simm.s32 @!p2 $0x0  }
0x1d: {  	s5 =	simm.s32 @p1 $0x1;
	p0 =	seq.s32 s7, s2  }
0x1e: {  	s7 =	smul.u32 @!p0 $0xF7A, s2;
	p2 =	seq.s32 @!p0 s5, $0x0  }
0x1f: {  	s9 =	smul.u32 $0xF7A, s1;
	s8 =	simm.s32 @!p0 $0x1BF5;
	p2 =	por !p2, p0  }
0x20: {  	[sflag:s8] =	ssyncset.s32 @!p0 $0xFFFFF086;
	s6 =	sadd.s32 @!p0 s3, s7;
	s7 =	simm.s32 @!p0 $0x108  }
0x21: {  	s3 =	sadd.s32 s3, s9;
	s6 =	sadd.s32 @!p0 $0x88, s6;
	s7 =	simm.s32 @p2 $0x1082  }
0x22: {  	[simem:s7], [sflag:s8] =	dma.local @!p0 [hbm:s6], $0xF7A  }
0x23: {  	s9 =	sor.u32 $0xD0000000, s2;
	s6 =	simm.s32 $0x108;
	_ =	swait.ge @!p0 [sflag:s8], $0x0  }
0x24: {  	s3 =	sadd.s32 $0x88, s3;
	s6 =	simm.s32 @!p1 $0x1082;
	[sflag:s4] =	ssyncset.s32 $0xFFFFF086  }
0x25: {  	[simem:s6], [sflag:s4] =	dma.local [hbm:s3], $0xF7A  }
0x26: {  	[smem:$0x3F9A] =	sst s1;
	(tag) =	ssettag s2;
	_ =	strace s9  }
0x27: {  	s1 =	sld [smem:$0x3FAA]  }
0x28: {  	s2 =	sld [smem:$0x3FAB]  }
0x29: {  	s4 =	sld [smem:$0x3FAD]  }
0x2a: {  	p0 =	seq.s32 s5, $0x0;
	s5 =	sld [smem:$0x3FAE]  }
0x2b: {  	s6 =	sld [smem:$0x3FAF]  }
0x2c: {  	s7 =	sld [smem:$0x3FB0]  }
0x2d: {  	s3 =	simm.s32 $0x108;
	s8 =	sld [smem:$0x3FB1]  }
0x2e: {  	s3 =	simm.s32 @!p0 $0x1082;
	s9 =	sld [smem:$0x3FB2]  }
0x2f: {  	lr =	sadd.s32 s0, s3;
	s0 =	sld [smem:$0x3FA9]  }
0x30: {  	s3 =	sld [smem:$0x3FAC]  }
0x31: {  	[smem:$0x3FB5] =	sst s10  }
0x32: {  	s10 =	sld [smem:$0x3FB3];
	_ =	sdelay $0x3  }
0x33: {  	p0 =	seq.s32 s10, $0x1;
	s10 =	sld [smem:$0x3FB5];
	_ =	sdelay $0x3  }
0x34: {  	[smem:$0x3FB5] =	sst s10  }
0x35: {  	s10 =	sld [smem:$0x3FB4];
	_ =	sdelay $0x3  }
0x36: {  	p1 =	seq.s32 s10, $0x1;
	s10 =	sld [smem:$0x3FB5];
	_ =	sdelay $0x3  }
0x37: {  	[smem:$0x3FB5] =	sst s10  }
0x38: {  	s10 =	sld [smem:$0x3FB6]  }
0x39: {  	_ = 	snop;
	(pc) =	sbr.ind lr, $3  }
0x3a: {  	_ = 	snop  }
0x3b: {  	_ = 	snop  }
0x3c: {  	p2 =	seq.s32 s10, $0x1;
	s10 =	sld [smem:$0x3FB5]  }
0x3d: {  	_ =	shalt  }
0x3e: {  	_ =	shalt  }
0x3f: {  	_ =	shalt  }
0x40: {  	_ =	shalt  }
0x41: {  	_ =	shalt  }
0x42: {  	_ =	shalt  }
0x43: {  	_ =	shalt  }
0x44: {  	_ =	shalt  }
0x45: {  	_ =	shalt  }
0x46: {  	_ =	shalt  }
0x47: {  	_ =	shalt  }
0x48: {  	_ =	shalt  }
0x49: {  	_ =	shalt  }
0x4a: {  	_ =	shalt  }
0x4b: {  	_ =	shalt  }
0x4c: {  	_ =	shalt  }
0x4d: {  	_ =	shalt  }
0x4e: {  	_ =	shalt  }
0x4f: {  	_ =	shalt  }
0x50: {  	_ =	shalt  }
0x51: {  	_ =	shalt  }
0x52: {  	_ =	shalt  }
0x53: {  	_ =	shalt  }
0x54: {  	_ =	shalt  }
0x55: {  	_ =	shalt  }
0x56: {  	_ =	shalt  }
0x57: {  	_ =	shalt  }
0x58: {  	_ =	shalt  }
0x59: {  	_ =	shalt  }
0x5a: {  	_ =	shalt  }
0x5b: {  	_ =	shalt  }
0x5c: {  	_ =	shalt  }
0x5d: {  	_ =	shalt  }
0x5e: {  	_ =	shalt  }
0x5f: {  	_ =	shalt  }
0x60: {  	_ =	shalt  }
0x61: {  	_ =	shalt  }
0x62: {  	_ =	shalt  }
0x63: {  	_ =	shalt  }
0x64: {  	_ =	shalt  }
0x65: {  	_ =	shalt  }
0x66: {  	_ =	shalt  }
0x67: {  	_ =	shalt  }
0x68: {  	_ =	shalt  }
0x69: {  	_ =	shalt  }
0x6a: {  	_ =	shalt  }
0x6b: {  	_ =	shalt  }
0x6c: {  	_ =	shalt  }
0x6d: {  	_ =	shalt  }
0x6e: {  	_ =	shalt  }
0x6f: {  	_ =	shalt  }
0x70: {  	_ =	shalt  }
0x71: {  	_ =	shalt  }
0x72: {  	_ =	shalt  }
0x73: {  	_ =	shalt  }
0x74: {  	_ =	shalt  }
0x75: {  	_ =	shalt  }
0x76: {  	_ =	shalt  }
0x77: {  	_ =	shalt  }
0x78: {  	_ =	shalt  }
0x79: {  	_ =	shalt  }
0x7a: {  	_ =	shalt  }
0x7b: {  	_ =	shalt  }
0x7c: {  	_ =	shalt  }
0x7d: {  	_ =	shalt  }
0x7e: {  	_ =	shalt  }
0x7f: {  	_ =	shalt  }
0x80: {  	_ =	shalt  }
0x81: {  	_ =	shalt  }
0x82: {  	_ =	shalt  }
0x83: {  	_ =	shalt  }
0x84: {  	_ =	shalt  }
0x85: {  	_ =	shalt  }
0x86: {  	_ =	shalt  }
0x87: {  	_ =	shalt  }
.Lfunc_end0:
.L_simem_size_0:
called_computation.2_lowered:
.L_overlay_start_0:
0x88: {  	s2 =	sld [smem:$0x3FD9]  }
0x89: {  	s3 =	sld [smem:$0x3FFE];
	_ =	sdelay $0x1  }
0x8a: {  	s1 =	srdreg.scid  }
0x8b: {  	s0 =	sand.u32 $0x1, s1  }
0x8c: {  	s14 =	sshll.u32 s0, $0xA;
	s2 =	sadd.s32 s3, s2  }
0x8d: {  	s2 =	sadd.s32 s2, s14  }
0x8e: {  	[smem:$0x3FC1] =	sst s2  }
0x8f: {  	_ = 	snop  }
0x90: {  	s2 =	sld [smem:$0x3FD0];
	_ =	sdelay $0x2  }
0x91: {  	s15 =	simm.s32 $0xA;
	s4 =	simm.s32 $0x10  }
0x92: {  	[smem:s4], [sflag:s15] =	dma.local [hbm:s2], $0x1  }
0x93: {  	_ =	swait.eq [sflag:s15], $0x1  }
0x94: {  	[sflag:s15] =	ssyncset.done $0x0  }
0x95: {  	s16 =	sld [smem:$0x10];
	[sflag:s15] =	ssyncadd.s32 $0xFFFFFFFF  }
0x96: {  	s17 =	sld [smem:$0x11];
	(tm) =	ssettm $0x1  }
0x97: {  	s18 =	sld [smem:$0x3FFB];
	_ =	sdelay $0x3  }
0x98: {  	_ =	strace s18  }
0x99: {  	s4 =	sld [smem:$0x3FFC];
	_ =	sdelay $0x3  }
0x9a: {  	_ =	strace s4  }
0x9b: {  	s4 =	sld [smem:$0x3FFD];
	_ =	sdelay $0x3  }
0x9c: {  	_ =	strace s4  }
0x9d: {  	_ =	strace $0x8FFFFFFF  }
0x9e: {  	s19 =	sld [smem:$0x3FDB];
	_ =	sdelay $0x1  }
0x9f: {  	s5 =	simm.s32 $_scs_section_size  }
0xa0: {  	s6 =	simm.s32 $_size__tile_overlayer_lowered;
	s7 =	simm.s32 $_tile_overlayer_lowered  }
0xa1: {  	s22 =	simm.s32 $0x1BFF;
	s21 =	sshll.u32 s7, $0x1;
	s4 =	sadd.s32 s5, s19  }
0xa2: {  	s8 =	simm.s32 $0x0;
	s20 =	sshll.u32 s6, $0x1;
	s6 =	sadd.s32 s21, s4  }
0xa3: {  	[timem:s8], [sflag:s22] =	dma.local [hbm:s6], s20  }
0xa4: {  	_ =	swait.ge [sflag:s22], s20  }
0xa5: {  	s5 =	ssub.s32 $0x0, s20;
	[sflag:s22] =	ssyncset.done $0x0  }
0xa6: {  	[sflag:s22] =	ssyncadd.s32 s5;
	_ =	sdelay $0x1  }
0xa7: {  	s23 =	simm.s32 $0x1B8B  }
0xa8: {  	_ =	swait.ge [sflag:s23], $0x1  }
0xa9: {  	[sflag:s23] =	ssyncset.done $0x0  }
0xaa: {  	s25 =	simm.s32 $0x1B8E;
	s24 =	sld [smem:$0x3FFE];
	[sflag:s23] =	ssyncadd.s32 $0xFFFFFFFF  }
0xab: {  	s26 =	simm.s32 $execute0_lowered;
	[smem:$0x3FD2] =	sst s25  }
0xac: {  	s6 =	sshll.u32 s26, $0x1;
	_ =	strace $0x8000004C;
	[dreg:$0x1] =	wrdreg $0xFFFFFFFF  }
0xad: {  	s28 =	simm.s32 $_size_execute0_lowered;
	s4 =	sadd.s32 s4, s6;
	[dreg:$0x0] =	wrdreg $0x0  }
0xae: {  	s6 =	sshll.u32 s28, $0x1;
	[dreg:$0x2] =	wrdreg s4  }
0xaf: {  	[dreg:$0x3] =	wrdreg s6  }
0xb0: {  	[dreg:$0x4] =	wrdreg $0xC0  }
0xb1: {  	_ =	task [dreg:s8], $0x5FFFF  }
0xb2: {  	[dreg:$0x1] =	wrdreg $0xFFFFFFFF  }
0xb3: {  	[dreg:$0x0] =	wrdreg $0x60  }
0xb4: {  	[dreg:$0x2] =	wrdreg s17  }
0xb5: {  	[dreg:$0x3] =	wrdreg s24  }
0xb6: {  	[dreg:$0x4] =	wrdreg s16  }
0xb7: {  	[dreg:$0x5] =	wrdreg $0xA9000  }
0xb8: {  	[dreg:$0x6] =	wrdreg $0x9  }
0xb9: {  	_ =	task.clear_ibuf [dreg:s8], $0x7FFFF;
	_ =	strace $0x9000004C  }
0xba: {  	s29 =	simm.s32 $0x9;
	_ =	strace $0x8000004E  }
0xbb: {  	_ =	swait.ge [sflag:s29], $0x1  }
0xbc: {  	[sflag:s29] =	ssyncadd.s32 $0xFFFFFFFF  }
0xbd: {  	_ =	strace $0x9000004E  }
0xbe: {  	_ =	sfence  }
0xbf: {  	s30 =	sld [smem:$0x0];
	_ =	sdelay $0x2  }
0xc0: {  	s31 =	sshll.u32 s1, $0xD;
	s1 =	sshrl.u32 s1, $0x2  }
0xc1: {  	s3 =	sand.u32 $0x4000, s31;
	s1 =	sadd.s32 s1, s30  }
0xc2: {  	s0 =	sor.u32 s3, s0;
	s1 =	sshll.u32 s1, $0x11  }
0xc3: {  	s0 =	sor.u32 s1, s0  }
0xc4: {  	s0 =	sadd.s32 $0x8F2B, s0  }
0xc5: {  	[sflag:s0] =	ssyncadd.remote.s32 $0x1  }
0xc6: {  	_ =	sfence.sel $0xFFFF  }
0xc7: {  	[dreg:$0x0] =	wrdreg $0xFFFFFFFF;
	(pc) =	sbr.abs _section_cstart, $3  }
0xc8: {  	[dreg:$0x1] =	wrdreg $0xFFFFFFFF  }
0xc9: {  	_ =	task.clear_ibuf [dreg:s8], $0x2FFFF;
	_ =	strace $0x9FFFFFFF  }
0xca: {  	(tm) =	ssettm $0x7FFFFFFF  }
0xcb: {  	_ =	shalt  }
tec
execute0_lowered:
.L_overlay_start_1:
0x0: {  	(tag) =	ssettag $0x1  }
0x1: {  	s0 =	rddreg [dreg:$0x0]  }
0x2: {  	s1 =	rddreg [dreg:$0x1]  }
0x3: {  	s2 =	srdreg.scid;
	s5 =	rddreg [dreg:$0x2]  }
0x4: {  	s3 =	rddreg [dreg:$0x3];
	s12 =	stileid.u32;
	s4 =	simm.s32 $0x0  }
0x5: {  	s28 =	simm.s32 $0x2800;
	s29 =	simm.s32 $0x80;
	s30 =	simm.s32 $0x6900  }
0x6: {  	s31 =	simm.s32 $0x2880;
	s2 =	sand.u32 $0x1, s2;
	s9 =	smul.u32 $0x50000, s12  }
0x7: {  	[smem:$0x7FF] =	sst s4;
	s26 =	smul.u32 $0x14000, s12;
	s6 =	sshll.u32 s2, $0x4  }
0x8: {  	_ =	strace $0x8000004D;
	s7 =	ssub.s32 $0x2, s2;
	s6 =	sor.u32 s12, s6  }
0x9: {  	s23 =	sshrl.u32 s7, $0x1;
	s25 =	sshrl.u32 s9, $0x2;
	s9 =	smul.u32 $0x140000, s2  }
0xa: {  	s16 =	sadd.s32 $0x4000, s26;
	s6 =	smul.u32 $0x2800, s6;
	s11 =	ssub.s32 s7, s23  }
0xb: {  	s2 =	smul.u32 $0x28000, s2;
	s15 =	sadd.s32 s16, s3;
	s18 =	smax.u32 s11, $0x1  }
0xc: {  	s22 =	sadd.s32 s9, s26;
	s23 =	sadd.s32 s9, s16;
	s8 =	sshrl.u32 s6, $0x3  }
0xd: {  	s6 =	sadd.s32 s25, s3;
	[dreg:$0x7] =	wrdreg s18;
	s18 =	smul.u32 $0x2800, s12  }
0xe: {  	s10 =	sadd.s32 s8, s1;
	s1 =	sadd.s32 $0x2A00, s1;
	s19 =	sadd.s32 $0x4000, s6  }
0xf: {  	s20 =	sadd.s32 $0x8000, s6;
	s21 =	sadd.s32 $0xC000, s6;
	[dreg:$0x8] =	wrdreg s19  }
0x10: {  	s13 =	sadd.s32 $0x10000, s6;
	s24 =	sadd.s32 $0x34A00, s10;
	[dreg:$0x9] =	wrdreg s20  }
0x11: {  	s7 =	sadd.s32 s1, s8;
	[dreg:$0xa] =	wrdreg s21;
	s10 =	sshrl.u32 s22, $0x3  }
0x12: {  	s19 =	sadd.s32 $0xC000, s26;
	s2 =	sadd.s32 s18, s2;
	s8 =	sadd.s32 $0x10000, s26  }
0x13: {  	[dreg:$0x5] =	wrdreg s24;
	s17 =	sadd.s32 $0x4F0, s7;
	s14 =	sadd.s32 s5, s10  }
0x14: {  	s10 =	sshrl.u32 s23, $0x3;
	s20 =	sadd.s32 s9, s19;
	s19 =	sadd.s32 s19, s3  }
0x15: {  	s22 =	sadd.s32 s8, s3;
	[dreg:$0x6] =	wrdreg s17;
	s17 =	sadd.s32 $0x8000, s26  }
0x16: {  	s16 =	sadd.s32 s5, s10;
	s25 =	sshrl.u32 s20, $0x3;
	s26 =	sor.u32 $0x100, s2  }
0x17: {  	s2 =	sor.u32 $0x80, s2;
	s24 =	sadd.s32 s9, s17;
	s17 =	sadd.s32 s17, s3  }
0x18: {  	s9 =	sadd.s32 s9, s8;
	s20 =	sadd.s32 s5, s25;
	s2 =	sshrl.u32 s2, $0x3  }
0x19: {  	s25 =	simm.s32 $0x3;
	s10 =	sshrl.u32 s24, $0x3;
	s9 =	sshrl.u32 s9, $0x3  }
0x1a: {  	s24 =	sadd.s32 s2, s1;
	s2 =	simm.s32 $0x2;
	s18 =	sadd.s32 s5, s10  }
0x1b: {  	s21 =	sadd.s32 s5, s9;
	s5 =	sshrl.u32 s26, $0x3;
	s26 =	simm.s32 $0x2900  }
0x1c: {  	v0 =	vimm.f32 $0.0e+00;
	s23 =	sadd.s32 s5, s1;
	s1 =	simm.s32 $0x1;
	s5 =	simm.s32 $0x0  }
.LBB2_1:
0x1d: {  	s8 =	rddreg [dreg:$0x5]  }
0x1e: {  	[tilespmem:s4], [sflag:$0x3] =	stream.linear.gather [hbm4b:s8+s4], $0x2800, $0x38;
	[tilespmem:$0x1E900] =	vst v63  }
0x1f: {  	s12 =	sand.u32 $0xFE00, s4;
	s9 =	sand.u32 $0x70, s4;
	_ =	swait.ge [sflag:s25], $0x2800  }
0x20: {  	s10 =	sshrl.u32 s12, $0x2;
	s8 =	simm.s32 $0x40;
	[sflag:s25] =	ssyncset.done $0x0  }
0x21: {  	s10 =	sor.u32 s9, s10;
	s9 =	simm.s32 $0x0;
	[sflag:s25] =	ssyncadd.s32 $0xFFFFD800  }
.LBB2_2:
0x22: {  	p0 =	sne.s32 s8, $0xFFC0  }
0x23: {  	[tilespmem:s10+$0x2900] =	vst v0;
	s9 =	sadd.s32 $0x10, s9;
	s10 =	smov.u32 s8;
	s8 =	sadd.s32 $0x40, s8  }
.Ltmp0:
0x24: {  	(pc) =	sbr.rel @p0 .LBB2_2-.Ltmp0, $4  }
0x25: {  	_ = 	snop  }
0x26: {  	s10 =	sand.u32 $0xFE00, s10  }
0x27: {  	s11 =	sand.u32 $0x70, s9;
	s10 =	sshrl.u32 s10, $0x2  }
0x28: {  	s10 =	sor.u32 s11, s10  }
0x29: {  	[tilespmem:s10+$0x2900] =	vst v0  }
0x2a: {  	[spmem:s6] =	stream.linear.scatter [tilespmem:s26], [sflag:$0x3], $0x4000, $0x38;
	[tilespmem:$0x1E900] =	vst v63  }
0x2b: {  	_ =	swait.ge [sflag:s25], $0x4000  }
0x2c: {  	[sflag:s25] =	ssyncset.done $0x0  }
0x2d: {  	s8 =	rddreg [dreg:$0x8];
	[sflag:s25] =	ssyncadd.s32 $0xFFFFC000  }
0x2e: {  	[spmem:s8] =	stream.linear.scatter [tilespmem:s26], [sflag:$0x3], $0x4000, $0x38;
	[tilespmem:$0x1E900] =	vst v63  }
0x2f: {  	_ =	swait.ge [sflag:s25], $0x4000  }
0x30: {  	[sflag:s25] =	ssyncset.done $0x0  }
0x31: {  	s10 =	rddreg [dreg:$0x9];
	[sflag:s25] =	ssyncadd.s32 $0xFFFFC000  }
0x32: {  	[spmem:s10] =	stream.linear.scatter [tilespmem:s26], [sflag:$0x3], $0x4000, $0x38;
	[tilespmem:$0x1E900] =	vst v63  }
0x33: {  	_ =	swait.ge [sflag:s25], $0x4000  }
0x34: {  	[sflag:s25] =	ssyncset.done $0x0  }
0x35: {  	s11 =	rddreg [dreg:$0xa];
	[sflag:s25] =	ssyncadd.s32 $0xFFFFC000  }
0x36: {  	[spmem:s11] =	stream.linear.scatter [tilespmem:s26], [sflag:$0x3], $0x4000, $0x38;
	[tilespmem:$0x1E900] =	vst v63  }
0x37: {  	_ =	swait.ge [sflag:s25], $0x4000  }
0x38: {  	[sflag:s25] =	ssyncset.done $0x0  }
0x39: {  	[sflag:s25] =	ssyncadd.s32 $0xFFFFC000  }
0x3a: {  	[spmem:s13] =	stream.linear.scatter [tilespmem:s26], [sflag:$0x3], $0x4000, $0x38;
	[tilespmem:$0x1E900] =	vst v63  }
0x3b: {  	_ =	swait.ge [sflag:s25], $0x4000  }
0x3c: {  	[sflag:s25] =	ssyncset.done $0x0  }
0x3d: {  	[sflag:s25] =	ssyncadd.s32 $0xFFFFC000  }
0x3e: {  	s12 =	simm.s32 $0x0;
	[bflag:$0x0] =	sbarrier.arrive $0xFFFF  }
0x3f: {  	[tilespmem:s28], [sflag:$0x3] =	stream.linear.gather [hbm4b:s7+s12], $0x80, $0x38;
	[tilespmem:$0x1E900] =	vst v63  }
0x40: {  	_ =	swait.ge [sflag:s25], $0x80  }
0x41: {  	[sflag:s25] =	ssyncset.done $0x0  }
0x42: {  	[sflag:s25] =	ssyncadd.s32 $0xFFFFFF80  }
0x43: {  	[tilespmem:s26], [sflag:$0x1] =	stream.indirect.gather [hbm4b:s0+s29], $0x80, s12, s29, $0xb8;
	[tilespmem:$0x1E900] =	vst v63  }
0x44: {  	s9 =	simm.s32 $0x80  }
0x45: {  	[tilespmem:s30], [sflag:$0x2] =	stream.indirect.gather [hbm4b:s0+s29], $0x80, s9, s29, $0xb8;
	[tilespmem:$0x1E900] =	vst v63  }
0x46: {  	s10 =	sadd.s32 $0x0, s24  }
0x47: {  	[tilespmem:s31], [sflag:$0x3] =	stream.linear.gather [hbm4b:s10+s4], $0x80, $0x38;
	[tilespmem:$0x1E900] =	vst v63  }
0x48: {  	_ =	swait.ge [sflag:s25], $0x80  }
0x49: {  	[sflag:s25] =	ssyncset.done $0x0  }
0x4a: {  	[sflag:s25] =	ssyncadd.s32 $0xFFFFFF80  }
0x4b: {  	_ =	swait.ge [sflag:s1], $0x4000  }
0x4c: {  	[sflag:s1] =	ssyncset.done $0x0  }
0x4d: {  	[sflag:s1] =	ssyncadd.s32 $0xFFFFC000  }
0x4e: {  	[spmem:s3] =	stream.indirect.scatter.add.f32 [tilespmem:s26], [sflag:$0x3], $0x80, s28, s29, $0xb8;
	[tilespmem:$0x1E900] =	vst v63  }
0x4f: {  	_ =	swait.ge [sflag:s25], $0x4000  }
0x50: {  	[sflag:s25] =	ssyncset.done $0x0  }
0x51: {  	s11 =	simm.s32 $0x100;
	[sflag:s25] =	ssyncadd.s32 $0xFFFFC000  }
0x52: {  	[tilespmem:s26], [sflag:$0x1] =	stream.indirect.gather [hbm4b:s0+s29], $0x80, s11, s29, $0xb8;
	[tilespmem:$0x1E900] =	vst v63  }
0x53: {  	s12 =	sadd.s32 $0x0, s23  }
0x54: {  	[tilespmem:s28], [sflag:$0x3] =	stream.linear.gather [hbm4b:s12+s4], $0x80, $0x38;
	[tilespmem:$0x1E900] =	vst v63  }
0x55: {  	_ =	swait.ge [sflag:s25], $0x80  }
0x56: {  	[sflag:s25] =	ssyncset.done $0x0  }
0x57: {  	[sflag:s25] =	ssyncadd.s32 $0xFFFFFF80  }
0x58: {  	_ =	swait.ge [sflag:s2], $0x4000  }
0x59: {  	[sflag:s2] =	ssyncset.done $0x0  }
0x5a: {  	[sflag:s2] =	ssyncadd.s32 $0xFFFFC000  }
0x5b: {  	[spmem:s3] =	stream.indirect.scatter.add.f32 [tilespmem:s30], [sflag:$0x3], $0x80, s31, s29, $0xb8;
	[tilespmem:$0x1E900] =	vst v63  }
0x5c: {  	s8 =	simm.s32 $0x20;
	_ =	swait.ge [sflag:s25], $0x4000  }
0x5d: {  	s9 =	simm.s32 $0x200;
	s10 =	simm.s32 $0x40;
	[sflag:s25] =	ssyncset.done $0x0  }
.LBB2_4:
0x5e: {  	p0 =	sne.s32 s10, $0x4C0;
	s11 =	sadd.s32 $0xFFFFFF80, s9;
	[sflag:s25] =	ssyncadd.s32 $0xFFFFC000  }
0x5f: {  	[tilespmem:s30], [sflag:$0x2] =	stream.indirect.gather [hbm4b:s0+s29], $0x80, s11, s29, $0xb8;
	[tilespmem:$0x1E900] =	vst v63  }
0x60: {  	s12 =	smov.u32 s10;
	s10 =	sadd.s32 $0x20, s10;
	s11 =	sadd.s32 s8, s24  }
0x61: {  	[tilespmem:s31], [sflag:$0x3] =	stream.linear.gather [hbm4b:s11+s4], $0x80, $0x38;
	[tilespmem:$0x1E900] =	vst v63  }
0x62: {  	_ =	swait.ge [sflag:s25], $0x80  }
0x63: {  	[sflag:s25] =	ssyncset.done $0x0  }
0x64: {  	[sflag:s25] =	ssyncadd.s32 $0xFFFFFF80  }
0x65: {  	_ =	swait.ge [sflag:s1], $0x4000  }
0x66: {  	[sflag:s1] =	ssyncset.done $0x0  }
0x67: {  	[sflag:s1] =	ssyncadd.s32 $0xFFFFC000  }
0x68: {  	[spmem:s3] =	stream.indirect.scatter.add.f32 [tilespmem:s26], [sflag:$0x3], $0x80, s28, s29, $0xb8;
	[tilespmem:$0x1E900] =	vst v63  }
0x69: {  	_ =	swait.ge [sflag:s25], $0x4000  }
0x6a: {  	[sflag:s25] =	ssyncset.done $0x0  }
0x6b: {  	[sflag:s25] =	ssyncadd.s32 $0xFFFFC000  }
0x6c: {  	[tilespmem:s26], [sflag:$0x1] =	stream.indirect.gather [hbm4b:s0+s29], $0x80, s9, s29, $0xb8;
	[tilespmem:$0x1E900] =	vst v63  }
0x6d: {  	s11 =	sadd.s32 s8, s23;
	s8 =	smov.u32 s12  }
0x6e: {  	[tilespmem:s28], [sflag:$0x3] =	stream.linear.gather [hbm4b:s11+s4], $0x80, $0x38;
	[tilespmem:$0x1E900] =	vst v63  }
0x6f: {  	_ =	swait.ge [sflag:s25], $0x80  }
0x70: {  	[sflag:s25] =	ssyncset.done $0x0  }
0x71: {  	[sflag:s25] =	ssyncadd.s32 $0xFFFFFF80  }
0x72: {  	_ =	swait.ge [sflag:s2], $0x4000  }
.Ltmp1:
0x73: {  	[sflag:s2] =	ssyncset.done $0x0;
	(pc) =	sbr.rel @p0 .LBB2_4-.Ltmp1, $4  }
0x74: {  	[sflag:s2] =	ssyncadd.s32 $0xFFFFC000  }
0x75: {  	[spmem:s3] =	stream.indirect.scatter.add.f32 [tilespmem:s30], [sflag:$0x3], $0x80, s31, s29, $0xb8;
	[tilespmem:$0x1E900] =	vst v63  }
0x76: {  	_ =	swait.ge [sflag:s25], $0x4000  }
0x77: {  	s9 =	sadd.s32 $0x100, s9;
	[sflag:s25] =	ssyncset.done $0x0  }
0x78: {  	s10 =	sadd.s32 $0xFFFFFF80, s9;
	[sflag:s25] =	ssyncadd.s32 $0xFFFFC000  }
0x79: {  	[tilespmem:s30], [sflag:$0x2] =	stream.indirect.gather [hbm4b:s0+s29], $0x80, s10, s29, $0xb8;
	[tilespmem:$0x1E900] =	vst v63  }
0x7a: {  	s12 =	sadd.s32 s8, s24  }
0x7b: {  	[tilespmem:s31], [sflag:$0x3] =	stream.linear.gather [hbm4b:s12+s4], $0x80, $0x38;
	[tilespmem:$0x1E900] =	vst v63  }
0x7c: {  	_ =	swait.ge [sflag:s25], $0x80  }
0x7d: {  	[sflag:s25] =	ssyncset.done $0x0  }
0x7e: {  	[sflag:s25] =	ssyncadd.s32 $0xFFFFFF80  }
0x7f: {  	_ =	swait.ge [sflag:s1], $0x4000  }
0x80: {  	[sflag:s1] =	ssyncset.done $0x0  }
0x81: {  	[sflag:s1] =	ssyncadd.s32 $0xFFFFC000  }
0x82: {  	[spmem:s3] =	stream.indirect.scatter.add.f32 [tilespmem:s26], [sflag:$0x3], $0x80, s28, s29, $0xb8;
	[tilespmem:$0x1E900] =	vst v63  }
0x83: {  	_ =	swait.ge [sflag:s25], $0x4000  }
0x84: {  	[sflag:s25] =	ssyncset.done $0x0  }
0x85: {  	[sflag:s25] =	ssyncadd.s32 $0xFFFFC000  }
0x86: {  	[tilespmem:s26], [sflag:$0x1] =	stream.indirect.gather [hbm4b:s0+s29], $0x80, s9, s29, $0xb8;
	[tilespmem:$0x1E900] =	vst v63  }
0x87: {  	s9 =	sadd.s32 s8, s23  }
0x88: {  	[tilespmem:s28], [sflag:$0x3] =	stream.linear.gather [hbm4b:s9+s4], $0x80, $0x38;
	[tilespmem:$0x1E900] =	vst v63  }
0x89: {  	_ =	swait.ge [sflag:s25], $0x80  }
0x8a: {  	[sflag:s25] =	ssyncset.done $0x0  }
0x8b: {  	[sflag:s25] =	ssyncadd.s32 $0xFFFFFF80  }
0x8c: {  	_ =	swait.ge [sflag:s2], $0x4000  }
0x8d: {  	[sflag:s2] =	ssyncset.done $0x0  }
0x8e: {  	[sflag:s2] =	ssyncadd.s32 $0xFFFFC000  }
0x8f: {  	[spmem:s3] =	stream.indirect.scatter.add.f32 [tilespmem:s30], [sflag:$0x3], $0x80, s31, s29, $0xb8;
	[tilespmem:$0x1E900] =	vst v63  }
0x90: {  	_ =	swait.ge [sflag:s25], $0x4000  }
0x91: {  	[sflag:s25] =	ssyncset.done $0x0  }
0x92: {  	s10 =	simm.s32 $0x2780;
	[sflag:s25] =	ssyncadd.s32 $0xFFFFC000  }
0x93: {  	[tilespmem:s30], [sflag:$0x2] =	stream.indirect.gather [hbm4b:s0+s29], $0x80, s10, s29, $0xb8;
	[tilespmem:$0x1E900] =	vst v63  }
0x94: {  	s11 =	rddreg [dreg:$0x6]  }
0x95: {  	[tilespmem:s31], [sflag:$0x3] =	stream.linear.gather [hbm4b:s11+s4], $0x80, $0x38;
	[tilespmem:$0x1E900] =	vst v63  }
0x96: {  	_ =	swait.ge [sflag:s25], $0x80  }
0x97: {  	[sflag:s25] =	ssyncset.done $0x0  }
0x98: {  	[sflag:s25] =	ssyncadd.s32 $0xFFFFFF80  }
0x99: {  	_ =	swait.ge [sflag:s1], $0x4000  }
0x9a: {  	[sflag:s1] =	ssyncset.done $0x0  }
0x9b: {  	[sflag:s1] =	ssyncadd.s32 $0xFFFFC000  }
0x9c: {  	[spmem:s3] =	stream.indirect.scatter.add.f32 [tilespmem:s26], [sflag:$0x3], $0x80, s28, s29, $0xb8;
	[tilespmem:$0x1E900] =	vst v63  }
0x9d: {  	_ =	swait.ge [sflag:s25], $0x4000  }
0x9e: {  	[sflag:s25] =	ssyncset.done $0x0  }
0x9f: {  	[sflag:s25] =	ssyncadd.s32 $0xFFFFC000  }
0xa0: {  	_ =	swait.ge [sflag:s2], $0x4000  }
0xa1: {  	[sflag:s2] =	ssyncset.done $0x0  }
0xa2: {  	[sflag:s2] =	ssyncadd.s32 $0xFFFFC000  }
0xa3: {  	[spmem:s3] =	stream.indirect.scatter.add.f32 [tilespmem:s30], [sflag:$0x3], $0x80, s31, s29, $0xb8;
	[tilespmem:$0x1E900] =	vst v63  }
0xa4: {  	_ =	swait.ge [sflag:s25], $0x4000  }
0xa5: {  	[sflag:s25] =	ssyncset.done $0x0  }
0xa6: {  	[sflag:s25] =	ssyncadd.s32 $0xFFFFC000  }
0xa7: {  	[bflag:$0x0] =	sbarrier.arrive $0xFFFF  }
0xa8: {  	[tilespmem:s26], [sflag:$0x3] =	stream.linear.gather [spmem:s6], $0x4000, $0x38;
	[tilespmem:$0x1E900] =	vst v63  }
0xa9: {  	_ =	swait.ge [sflag:s25], $0x4000  }
0xaa: {  	[sflag:s25] =	ssyncset.done $0x0  }
0xab: {  	[sflag:s25] =	ssyncadd.s32 $0xFFFFC000  }
0xac: {  	[hbm4b:s14+s4] =	stream.linear.scatter [tilespmem:s26], [sflag:$0x3], $0x4000, $0x38;
	[tilespmem:$0x1E900] =	vst v63  }
0xad: {  	_ =	swait.ge [sflag:s25], $0x4000  }
0xae: {  	[sflag:s25] =	ssyncset.done $0x0  }
0xaf: {  	[sflag:s25] =	ssyncadd.s32 $0xFFFFC000  }
0xb0: {  	[tilespmem:s26], [sflag:$0x3] =	stream.linear.gather [spmem:s15], $0x4000, $0x38;
	[tilespmem:$0x1E900] =	vst v63  }
0xb1: {  	_ =	swait.ge [sflag:s25], $0x4000  }
0xb2: {  	[sflag:s25] =	ssyncset.done $0x0  }
0xb3: {  	[sflag:s25] =	ssyncadd.s32 $0xFFFFC000  }
0xb4: {  	[hbm4b:s16+s4] =	stream.linear.scatter [tilespmem:s26], [sflag:$0x3], $0x4000, $0x38;
	[tilespmem:$0x1E900] =	vst v63  }
0xb5: {  	_ =	swait.ge [sflag:s25], $0x4000  }
0xb6: {  	[sflag:s25] =	ssyncset.done $0x0  }
0xb7: {  	[sflag:s25] =	ssyncadd.s32 $0xFFFFC000  }
0xb8: {  	[tilespmem:s26], [sflag:$0x3] =	stream.linear.gather [spmem:s17], $0x4000, $0x38;
	[tilespmem:$0x1E900] =	vst v63  }
0xb9: {  	_ =	swait.ge [sflag:s25], $0x4000  }
0xba: {  	[sflag:s25] =	ssyncset.done $0x0  }
0xbb: {  	[sflag:s25] =	ssyncadd.s32 $0xFFFFC000  }
0xbc: {  	[hbm4b:s18+s4] =	stream.linear.scatter [tilespmem:s26], [sflag:$0x3], $0x4000, $0x38;
	[tilespmem:$0x1E900] =	vst v63  }
0xbd: {  	_ =	swait.ge [sflag:s25], $0x4000  }
0xbe: {  	[sflag:s25] =	ssyncset.done $0x0  }
0xbf: {  	[sflag:s25] =	ssyncadd.s32 $0xFFFFC000  }
0xc0: {  	[tilespmem:s26], [sflag:$0x3] =	stream.linear.gather [spmem:s19], $0x4000, $0x38;
	[tilespmem:$0x1E900] =	vst v63  }
0xc1: {  	_ =	swait.ge [sflag:s25], $0x4000  }
0xc2: {  	[sflag:s25] =	ssyncset.done $0x0  }
0xc3: {  	[sflag:s25] =	ssyncadd.s32 $0xFFFFC000  }
0xc4: {  	[hbm4b:s20+s4] =	stream.linear.scatter [tilespmem:s26], [sflag:$0x3], $0x4000, $0x38;
	[tilespmem:$0x1E900] =	vst v63  }
0xc5: {  	_ =	swait.ge [sflag:s25], $0x4000  }
0xc6: {  	[sflag:s25] =	ssyncset.done $0x0  }
0xc7: {  	[sflag:s25] =	ssyncadd.s32 $0xFFFFC000  }
0xc8: {  	[tilespmem:s26], [sflag:$0x3] =	stream.linear.gather [spmem:s22], $0x4000, $0x38;
	[tilespmem:$0x1E900] =	vst v63  }
0xc9: {  	_ =	swait.ge [sflag:s25], $0x4000  }
0xca: {  	[sflag:s25] =	ssyncset.done $0x0  }
0xcb: {  	[sflag:s25] =	ssyncadd.s32 $0xFFFFC000  }
0xcc: {  	[hbm4b:s21+s4] =	stream.linear.scatter [tilespmem:s26], [sflag:$0x3], $0x4000, $0x38;
	[tilespmem:$0x1E900] =	vst v63  }
0xcd: {  	_ =	swait.ge [sflag:s25], $0x4000  }
0xce: {  	s5 =	sadd.s32 $0x1, s5;
	s12 =	rddreg [dreg:$0x7]  }
0xcf: {  	p0 =	sne.s32 s5, s12  }
.Ltmp2:
0xd0: {  	_ = 	snop;
	(pc) =	sbr.rel @p0 .LBB2_1-.Ltmp2, $3  }
0xd1: {  	_ =	sdelay $0x1  }
0xd2: {  	[sflag:s25] =	ssyncset.done $0x0  }
0xd3: {  	[sflag:s25] =	ssyncadd.s32 $0xFFFFC000  }
0xd4: {  	_ =	sfence.sel $0x180000  }
0xd5: {  	[bflag:$0x0] =	sbarrier.arrive $0xFFFF  }
0xd6: {  	_ =	strace $0x9000004D  }
0xd7: {  	s0 =	stileid.u32;
	[bflag:$0x2] =	sbarrier.arrive $0xFFFF  }
0xd8: {  	p0 =	sne.s32 s0, $0x0;
	s0 =	rddreg [dreg:$0x4]  }
0xd9: {  	s0 =	sadd.s32 @!p0 $0x100000, s0  }
0xda: {  	[sflag:s0] =	ssyncadd.tile.s32 @!p0 $0x1;
	_ =	shalt  }
.Lfunc_end2:
_tile_overlayer_lowered:
.L_overlay_start_2:
0xdb: {  	(tag) =	ssettag $0x2  }
0xdc: {  	s0 =	rddreg [dreg:$0x0];
	s2 =	stileid.u32  }
0xdd: {  	s1 =	rddreg [dreg:$0x1];
	p0 =	sne.s32 s2, $0x0  }
0xde: {  	s3 =	rddreg [dreg:$0x2];
	[bflag:$0x3] =	sbarrier.arrive $0xFFFF;
	s2 =	simm.s32 @!p0 $0x1C03  }
0xdf: {  	[timem:s3], [sflag:s2] =	dma.local @!p0 [hbm:s0], s1  }
0xe0: {  	s0 =	simm.s32 @!p0 $0x3  }
0xe1: {  	_ =	swait.ge @!p0 [sflag:s0], s1  }
0xe2: {  	s1 =	ssub.s32 @!p0 $0x0, s1;
	[sflag:s0] =	ssyncset.done @!p0 $0x0  }
0xe3: {  	[sflag:s0] =	ssyncadd.s32 @!p0 s1  }
0xe4: {  	[bflag:$0x3] =	sbarrier.arrive $0xFFFF  }
0xe5: {  	_ =	shalt  }

// kernel: kernel.19.cloned.1.call-start
scs
__scs_entry_jumppad:
0x0: {  	(pc) =	sbr.rel $0x88, $3  }
0x1: {  	(tag) =	ssettag $0x0;
	lr =	simm.s32 $0x1  }
0x2: {  	[smem:$0x3F9A] =	sst lr;
	_ =	strace $0xD0000000  }
0x3: {  	_ = 	snop  }
0x4: {  	_ = 	snop  }
0x5: {  	_ = 	snop  }
0x6: {  	_ = 	snop  }
0x7: {  	_ = 	snop  }
__scs_overlays_trampoline_lowered:
0x8: {  	[smem:$0x3FA9] =	sst s0  }
0x9: {  	[smem:$0x3FAA] =	sst s1  }
0xa: {  	[smem:$0x3FAB] =	sst s2  }
0xb: {  	[smem:$0x3FAC] =	sst s3  }
0xc: {  	[smem:$0x3FAD] =	sst s4  }
0xd: {  	[smem:$0x3FAE] =	sst s5  }
0xe: {  	[smem:$0x3FAF] =	sst s6  }
0xf: {  	[smem:$0x3FB0] =	sst s7  }
0x10: {  	[smem:$0x3FB1] =	sst s8  }
0x11: {  	[smem:$0x3FB2] =	sst s9;
	s0 =	simm.s32 @!p0 $0x0  }
0x12: {  	s1 =	sld [smem:$0x3F98];
	s0 =	simm.s32 @p0 $0x1  }
0x13: {  	[smem:$0x3FB3] =	sst s0;
	s0 =	simm.s32 @!p1 $0x0  }
0x14: {  	s2 =	sld [smem:$0x3F97];
	s0 =	simm.s32 @p1 $0x1  }
0x15: {  	[smem:$0x3FB4] =	sst s0;
	s0 =	simm.s32 @!p2 $0x0  }
0x16: {  	s3 =	sld [smem:$0x3FDB];
	s0 =	simm.s32 @p2 $0x1  }
0x17: {  	s4 =	simm.s32 $0x1BF5;
	[smem:$0x3FB6] =	sst s0  }
0x18: {  	s0 =	sld [smem:$0x3F99];
	_ =	swait.ge [sflag:s4], $0x0  }
0x19: {  	s7 =	sld [smem:$0x3F9A]  }
0x1a: {  	s8 =	sadd.s32 $0xFFFFE003, lr  }
0x1b: {  	s9 =	sadd.s32 $0xFFFFFEF7, lr;
	s5 =	simm.s32 $0xFFFFFFFF;
	p2 =	slt.u32 s8, $0xFFFFF086  }
0x1c: {  	p1 =	slt.u32 s9, $0xF7A;
	s5 =	simm.s32 @!p2 $0x0  }
0x1d: {  	s5 =	simm.s32 @p1 $0x1;
	p0 =	seq.s32 s7, s2  }
0x1e: {  	s7 =	smul.u32 @!p0 $0xF7A, s2;
	p2 =	seq.s32 @!p0 s5, $0x0  }
0x1f: {  	s9 =	smul.u32 $0xF7A, s1;
	s8 =	simm.s32 @!p0 $0x1BF5;
	p2 =	por !p2, p0  }
0x20: {  	[sflag:s8] =	ssyncset.s32 @!p0 $0xFFFFF086;
	s6 =	sadd.s32 @!p0 s3, s7;
	s7 =	simm.s32 @!p0 $0x108  }
0x21: {  	s3 =	sadd.s32 s3, s9;
	s6 =	sadd.s32 @!p0 $0x88, s6;
	s7 =	simm.s32 @p2 $0x1082  }
0x22: {  	[simem:s7], [sflag:s8] =	dma.local @!p0 [hbm:s6], $0xF7A  }
0x23: {  	s9 =	sor.u32 $0xD0000000, s2;
	s6 =	simm.s32 $0x108;
	_ =	swait.ge @!p0 [sflag:s8], $0x0  }
0x24: {  	s3 =	sadd.s32 $0x88, s3;
	s6 =	simm.s32 @!p1 $0x1082;
	[sflag:s4] =	ssyncset.s32 $0xFFFFF086  }
0x25: {  	[simem:s6], [sflag:s4] =	dma.local [hbm:s3], $0xF7A  }
0x26: {  	[smem:$0x3F9A] =	sst s1;
	(tag) =	ssettag s2;
	_ =	strace s9  }
0x27: {  	s1 =	sld [smem:$0x3FAA]  }
0x28: {  	s2 =	sld [smem:$0x3FAB]  }
0x29: {  	s4 =	sld [smem:$0x3FAD]  }
0x2a: {  	p0 =	seq.s32 s5, $0x0;
	s5 =	sld [smem:$0x3FAE]  }
0x2b: {  	s6 =	sld [smem:$0x3FAF]  }
0x2c: {  	s7 =	sld [smem:$0x3FB0]  }
0x2d: {  	s3 =	simm.s32 $0x108;
	s8 =	sld [smem:$0x3FB1]  }
0x2e: {  	s3 =	simm.s32 @!p0 $0x1082;
	s9 =	sld [smem:$0x3FB2]  }
0x2f: {  	lr =	sadd.s32 s0, s3;
	s0 =	sld [smem:$0x3FA9]  }
0x30: {  	s3 =	sld [smem:$0x3FAC]  }
0x31: {  	[smem:$0x3FB5] =	sst s10  }
0x32: {  	s10 =	sld [smem:$0x3FB3];
	_ =	sdelay $0x3  }
0x33: {  	p0 =	seq.s32 s10, $0x1;
	s10 =	sld [smem:$0x3FB5];
	_ =	sdelay $0x3  }
0x34: {  	[smem:$0x3FB5] =	sst s10  }
0x35: {  	s10 =	sld [smem:$0x3FB4];
	_ =	sdelay $0x3  }
0x36: {  	p1 =	seq.s32 s10, $0x1;
	s10 =	sld [smem:$0x3FB5];
	_ =	sdelay $0x3  }
0x37: {  	[smem:$0x3FB5] =	sst s10  }
0x38: {  	s10 =	sld [smem:$0x3FB6]  }
0x39: {  	_ = 	snop;
	(pc) =	sbr.ind lr, $3  }
0x3a: {  	_ = 	snop  }
0x3b: {  	_ = 	snop  }
0x3c: {  	p2 =	seq.s32 s10, $0x1;
	s10 =	sld [smem:$0x3FB5]  }
0x3d: {  	_ =	shalt  }
0x3e: {  	_ =	shalt  }
0x3f: {  	_ =	shalt  }
0x40: {  	_ =	shalt  }
0x41: {  	_ =	shalt  }
0x42: {  	_ =	shalt  }
0x43: {  	_ =	shalt  }
0x44: {  	_ =	shalt  }
0x45: {  	_ =	shalt  }
0x46: {  	_ =	shalt  }
0x47: {  	_ =	shalt  }
0x48: {  	_ =	shalt  }
0x49: {  	_ =	shalt  }
0x4a: {  	_ =	shalt  }
0x4b: {  	_ =	shalt  }
0x4c: {  	_ =	shalt  }
0x4d: {  	_ =	shalt  }
0x4e: {  	_ =	shalt  }
0x4f: {  	_ =	shalt  }
0x50: {  	_ =	shalt  }
0x51: {  	_ =	shalt  }
0x52: {  	_ =	shalt  }
0x53: {  	_ =	shalt  }
0x54: {  	_ =	shalt  }
0x55: {  	_ =	shalt  }
0x56: {  	_ =	shalt  }
0x57: {  	_ =	shalt  }
0x58: {  	_ =	shalt  }
0x59: {  	_ =	shalt  }
0x5a: {  	_ =	shalt  }
0x5b: {  	_ =	shalt  }
0x5c: {  	_ =	shalt  }
0x5d: {  	_ =	shalt  }
0x5e: {  	_ =	shalt  }
0x5f: {  	_ =	shalt  }
0x60: {  	_ =	shalt  }
0x61: {  	_ =	shalt  }
0x62: {  	_ =	shalt  }
0x63: {  	_ =	shalt  }
0x64: {  	_ =	shalt  }
0x65: {  	_ =	shalt  }
0x66: {  	_ =	shalt  }
0x67: {  	_ =	shalt  }
0x68: {  	_ =	shalt  }
0x69: {  	_ =	shalt  }
0x6a: {  	_ =	shalt  }
0x6b: {  	_ =	shalt  }
0x6c: {  	_ =	shalt  }
0x6d: {  	_ =	shalt  }
0x6e: {  	_ =	shalt  }
0x6f: {  	_ =	shalt  }
0x70: {  	_ =	shalt  }
0x71: {  	_ =	shalt  }
0x72: {  	_ =	shalt  }
0x73: {  	_ =	shalt  }
0x74: {  	_ =	shalt  }
0x75: {  	_ =	shalt  }
0x76: {  	_ =	shalt  }
0x77: {  	_ =	shalt  }
0x78: {  	_ =	shalt  }
0x79: {  	_ =	shalt  }
0x7a: {  	_ =	shalt  }
0x7b: {  	_ =	shalt  }
0x7c: {  	_ =	shalt  }
0x7d: {  	_ =	shalt  }
0x7e: {  	_ =	shalt  }
0x7f: {  	_ =	shalt  }
0x80: {  	_ =	shalt  }
0x81: {  	_ =	shalt  }
0x82: {  	_ =	shalt  }
0x83: {  	_ =	shalt  }
0x84: {  	_ =	shalt  }
0x85: {  	_ =	shalt  }
0x86: {  	_ =	shalt  }
0x87: {  	_ =	shalt  }
.Lfunc_end0:
.L_simem_size_0:
called_computation.3_lowered:
.L_overlay_start_0:
0x88: {  	s2 =	sld [smem:$0x3FD9]  }
0x89: {  	s3 =	sld [smem:$0x3FFE];
	_ =	sdelay $0x1  }
0x8a: {  	s1 =	srdreg.scid  }
0x8b: {  	s0 =	sand.u32 $0x1, s1  }
0x8c: {  	s14 =	sshll.u32 s0, $0xA;
	s2 =	sadd.s32 s3, s2  }
0x8d: {  	s2 =	sadd.s32 s2, s14  }
0x8e: {  	[smem:$0x3FC1] =	sst s2  }
0x8f: {  	_ = 	snop  }
0x90: {  	s2 =	sld [smem:$0x3FD0];
	_ =	sdelay $0x2  }
0x91: {  	s15 =	simm.s32 $0xA;
	s4 =	simm.s32 $0x10  }
0x92: {  	[smem:s4], [sflag:s15] =	dma.local [hbm:s2], $0x1  }
0x93: {  	_ =	swait.eq [sflag:s15], $0x1  }
0x94: {  	[sflag:s15] =	ssyncset.done $0x0  }
0x95: {  	[sflag:s15] =	ssyncadd.s32 $0xFFFFFFFF  }
0x96: {  	s16 =	sld [smem:$0x11];
	(tm) =	ssettm $0x1  }
0x97: {  	s17 =	sld [smem:$0x3FFB];
	_ =	sdelay $0x3  }
0x98: {  	_ =	strace s17  }
0x99: {  	s3 =	sld [smem:$0x3FFC];
	_ =	sdelay $0x3  }
0x9a: {  	_ =	strace s3  }
0x9b: {  	s3 =	sld [smem:$0x3FFD];
	_ =	sdelay $0x3  }
0x9c: {  	_ =	strace s3  }
0x9d: {  	_ =	strace $0x8FFFFFFF  }
0x9e: {  	s18 =	sld [smem:$0x3FDB];
	_ =	sdelay $0x1  }
0x9f: {  	s19 =	simm.s32 $_scs_section_size  }
0xa0: {  	s5 =	simm.s32 $_size__tile_overlayer_lowered;
	s6 =	simm.s32 $_tile_overlayer_lowered  }
0xa1: {  	s22 =	simm.s32 $0x1BFF;
	s21 =	sshll.u32 s6, $0x1;
	s3 =	sadd.s32 s19, s18  }
0xa2: {  	s7 =	simm.s32 $0x0;
	s20 =	sshll.u32 s5, $0x1;
	s5 =	sadd.s32 s21, s3  }
0xa3: {  	[timem:s7], [sflag:s22] =	dma.local [hbm:s5], s20  }
0xa4: {  	_ =	swait.ge [sflag:s22], s20  }
0xa5: {  	s4 =	ssub.s32 $0x0, s20;
	[sflag:s22] =	ssyncset.done $0x0  }
0xa6: {  	[sflag:s22] =	ssyncadd.s32 s4;
	_ =	sdelay $0x1  }
0xa7: {  	s23 =	simm.s32 $0x1B8B  }
0xa8: {  	_ =	swait.ge [sflag:s23], $0x1  }
0xa9: {  	[sflag:s23] =	ssyncset.done $0x0  }
0xaa: {  	s25 =	simm.s32 $0x1B8E;
	s24 =	sld [smem:$0x3FFE];
	[sflag:s23] =	ssyncadd.s32 $0xFFFFFFFF  }
0xab: {  	s26 =	simm.s32 $execute0_lowered;
	[smem:$0x3FD2] =	sst s25  }
0xac: {  	s5 =	sshll.u32 s26, $0x1;
	_ =	strace $0x8000004F;
	[dreg:$0x1] =	wrdreg $0xFFFFFFFF  }
0xad: {  	s28 =	simm.s32 $_size_execute0_lowered;
	s3 =	sadd.s32 s3, s5;
	[dreg:$0x0] =	wrdreg $0x0  }
0xae: {  	s5 =	sshll.u32 s28, $0x1;
	[dreg:$0x2] =	wrdreg s3  }
0xaf: {  	[dreg:$0x3] =	wrdreg s5  }
0xb0: {  	[dreg:$0x4] =	wrdreg $0xC0  }
0xb1: {  	_ =	task [dreg:s7], $0x5FFFF  }
0xb2: {  	[dreg:$0x1] =	wrdreg $0xFFFFFFFF  }
0xb3: {  	[dreg:$0x0] =	wrdreg $0x60  }
0xb4: {  	[dreg:$0x2] =	wrdreg s16  }
0xb5: {  	[dreg:$0x3] =	wrdreg s24  }
0xb6: {  	[dreg:$0x4] =	wrdreg $0xA9000  }
0xb7: {  	[dreg:$0x5] =	wrdreg $0x9  }
0xb8: {  	_ =	task.clear_ibuf [dreg:s7], $0x6FFFF;
	_ =	strace $0x9000004F  }
0xb9: {  	s29 =	simm.s32 $0x9;
	_ =	strace $0x80000051  }
0xba: {  	_ =	swait.ge [sflag:s29], $0x1  }
0xbb: {  	[sflag:s29] =	ssyncadd.s32 $0xFFFFFFFF  }
0xbc: {  	_ =	strace $0x90000051  }
0xbd: {  	_ =	sfence  }
0xbe: {  	s30 =	sld [smem:$0x0];
	_ =	sdelay $0x2  }
0xbf: {  	s31 =	sshll.u32 s1, $0xD;
	s1 =	sshrl.u32 s1, $0x2  }
0xc0: {  	s3 =	sand.u32 $0x4000, s31;
	s1 =	sadd.s32 s1, s30  }
0xc1: {  	s0 =	sor.u32 s3, s0;
	s1 =	sshll.u32 s1, $0x11  }
0xc2: {  	s0 =	sor.u32 s1, s0  }
0xc3: {  	s0 =	sadd.s32 $0x8F2B, s0  }
0xc4: {  	[sflag:s0] =	ssyncadd.remote.s32 $0x1  }
0xc5: {  	_ =	sfence.sel $0xFFFF  }
0xc6: {  	[dreg:$0x0] =	wrdreg $0xFFFFFFFF;
	(pc) =	sbr.abs _section_cstart, $3  }
0xc7: {  	[dreg:$0x1] =	wrdreg $0xFFFFFFFF  }
0xc8: {  	_ =	task.clear_ibuf [dreg:s7], $0x2FFFF;
	_ =	strace $0x9FFFFFFF  }
0xc9: {  	(tm) =	ssettm $0x7FFFFFFF  }
tec
execute0_lowered:
.L_overlay_start_1:
0x0: {  	(tag) =	ssettag $0x1  }
0x1: {  	s0 =	srdreg.scid;
	s1 =	rddreg [dreg:$0x0]  }
0x2: {  	s2 =	rddreg [dreg:$0x1];
	s11 =	stileid.u32  }
0x3: {  	s3 =	rddreg [dreg:$0x2];
	s28 =	simm.s32 $0x2800;
	s29 =	simm.s32 $0x80  }
0x4: {  	s30 =	simm.s32 $0x6900;
	s31 =	simm.s32 $0x2880;
	s9 =	smul.u32 $0x50000, s11  }
0x5: {  	s0 =	sand.u32 $0x1, s0;
	s10 =	sadd.s32 $0x2A00, s2;
	s26 =	smul.u32 $0x14000, s11  }
0x6: {  	s4 =	sshll.u32 s0, $0x4;
	s6 =	ssub.s32 $0x2, s0;
	s25 =	smul.u32 $0x140000, s0  }
0x7: {  	s0 =	smul.u32 $0x28000, s0;
	s5 =	sor.u32 s11, s4;
	s4 =	simm.s32 $0x0  }
0x8: {  	s8 =	sshrl.u32 s6, $0x1;
	s24 =	sshrl.u32 s9, $0x2;
	s16 =	sadd.s32 $0x4000, s26  }
0x9: {  	s17 =	sadd.s32 $0x8000, s26;
	s5 =	smul.u32 $0x2800, s5;
	[smem:$0x7FF] =	sst s4  }
0xa: {  	s8 =	ssub.s32 s6, s8;
	s6 =	sadd.s32 s24, s3;
	s21 =	sadd.s32 s25, s26  }
0xb: {  	s15 =	sadd.s32 s16, s3;
	s22 =	sadd.s32 s25, s16;
	s8 =	smax.u32 s8, $0x1  }
0xc: {  	_ =	strace $0x80000050;
	s18 =	sadd.s32 $0x4000, s6;
	[dreg:$0x6] =	wrdreg s8  }
0xd: {  	s19 =	sadd.s32 $0x8000, s6;
	s20 =	sadd.s32 $0xC000, s6;
	[dreg:$0x7] =	wrdreg s18  }
0xe: {  	s13 =	sadd.s32 $0x10000, s6;
	s5 =	sshrl.u32 s5, $0x3;
	[dreg:$0x8] =	wrdreg s19  }
0xf: {  	[dreg:$0x9] =	wrdreg s20;
	s8 =	sshrl.u32 s21, $0x3;
	s18 =	smul.u32 $0x2800, s11  }
0x10: {  	s19 =	sadd.s32 $0xC000, s26;
	s7 =	sadd.s32 s5, s2;
	s2 =	sadd.s32 $0x3EA00, s2  }
0x11: {  	s20 =	sadd.s32 s25, s19;
	s19 =	sadd.s32 s19, s3;
	s23 =	sadd.s32 $0x34A00, s7  }
0x12: {  	s7 =	sadd.s32 s10, s5;
	s14 =	sadd.s32 s2, s8;
	s8 =	sshrl.u32 s22, $0x3  }
0x13: {  	s0 =	sadd.s32 s18, s0;
	s5 =	sadd.s32 $0x10000, s26;
	s24 =	sshrl.u32 s20, $0x3  }
0x14: {  	[dreg:$0x4] =	wrdreg s23;
	s12 =	sadd.s32 $0x4F0, s7;
	s16 =	sadd.s32 s2, s8  }
0x15: {  	s23 =	sadd.s32 s25, s17;
	s17 =	sadd.s32 s17, s3;
	s9 =	sadd.s32 s25, s5  }
0x16: {  	s20 =	sadd.s32 s2, s24;
	s26 =	sor.u32 $0x100, s0;
	s0 =	sor.u32 $0x80, s0  }
0x17: {  	s22 =	sadd.s32 s5, s3;
	s5 =	simm.s32 $0x0;
	[dreg:$0x5] =	wrdreg s12  }
0x18: {  	s8 =	sshrl.u32 s23, $0x3;
	s25 =	sshrl.u32 s9, $0x3;
	s0 =	sshrl.u32 s0, $0x3  }
0x19: {  	s18 =	sadd.s32 s2, s8;
	s21 =	sadd.s32 s2, s25;
	s2 =	sshrl.u32 s26, $0x3  }
0x1a: {  	s24 =	sadd.s32 s0, s10;
	s25 =	simm.s32 $0x3;
	s26 =	simm.s32 $0x2900  }
0x1b: {  	v0 =	vimm.f32 $0.0e+00;
	s0 =	simm.s32 $0x2;
	s23 =	sadd.s32 s2, s10;
	s2 =	simm.s32 $0x1  }
.LBB2_1:
0x1c: {  	s8 =	rddreg [dreg:$0x4]  }
0x1d: {  	[tilespmem:s4], [sflag:$0x3] =	stream.linear.gather [hbm4b:s8+s4], $0x2800, $0x38;
	[tilespmem:$0x1E900] =	vst v63  }
0x1e: {  	s12 =	sand.u32 $0xFE00, s4;
	s9 =	sand.u32 $0x70, s4;
	_ =	swait.ge [sflag:s25], $0x2800  }
0x1f: {  	s10 =	sshrl.u32 s12, $0x2;
	s8 =	simm.s32 $0x40;
	[sflag:s25] =	ssyncset.done $0x0  }
0x20: {  	s10 =	sor.u32 s9, s10;
	s9 =	simm.s32 $0x0;
	[sflag:s25] =	ssyncadd.s32 $0xFFFFD800  }
.LBB2_2:
0x21: {  	p0 =	sne.s32 s8, $0xFFC0  }
0x22: {  	[tilespmem:s10+$0x2900] =	vst v0;
	s9 =	sadd.s32 $0x10, s9;
	s10 =	smov.u32 s8;
	s8 =	sadd.s32 $0x40, s8  }
.Ltmp0:
0x23: {  	(pc) =	sbr.rel @p0 .LBB2_2-.Ltmp0, $4  }
0x24: {  	_ = 	snop  }
0x25: {  	s10 =	sand.u32 $0xFE00, s10  }
0x26: {  	s11 =	sand.u32 $0x70, s9;
	s10 =	sshrl.u32 s10, $0x2  }
0x27: {  	s10 =	sor.u32 s11, s10  }
0x28: {  	[tilespmem:s10+$0x2900] =	vst v0  }
0x29: {  	[spmem:s6] =	stream.linear.scatter [tilespmem:s26], [sflag:$0x3], $0x4000, $0x38;
	[tilespmem:$0x1E900] =	vst v63  }
0x2a: {  	_ =	swait.ge [sflag:s25], $0x4000  }
0x2b: {  	[sflag:s25] =	ssyncset.done $0x0  }
0x2c: {  	s8 =	rddreg [dreg:$0x7];
	[sflag:s25] =	ssyncadd.s32 $0xFFFFC000  }
0x2d: {  	[spmem:s8] =	stream.linear.scatter [tilespmem:s26], [sflag:$0x3], $0x4000, $0x38;
	[tilespmem:$0x1E900] =	vst v63  }
0x2e: {  	_ =	swait.ge [sflag:s25], $0x4000  }
0x2f: {  	[sflag:s25] =	ssyncset.done $0x0  }
0x30: {  	s10 =	rddreg [dreg:$0x8];
	[sflag:s25] =	ssyncadd.s32 $0xFFFFC000  }
0x31: {  	[spmem:s10] =	stream.linear.scatter [tilespmem:s26], [sflag:$0x3], $0x4000, $0x38;
	[tilespmem:$0x1E900] =	vst v63  }
0x32: {  	_ =	swait.ge [sflag:s25], $0x4000  }
0x33: {  	[sflag:s25] =	ssyncset.done $0x0  }
0x34: {  	s11 =	rddreg [dreg:$0x9];
	[sflag:s25] =	ssyncadd.s32 $0xFFFFC000  }
0x35: {  	[spmem:s11] =	stream.linear.scatter [tilespmem:s26], [sflag:$0x3], $0x4000, $0x38;
	[tilespmem:$0x1E900] =	vst v63  }
0x36: {  	_ =	swait.ge [sflag:s25], $0x4000  }
0x37: {  	[sflag:s25] =	ssyncset.done $0x0  }
0x38: {  	[sflag:s25] =	ssyncadd.s32 $0xFFFFC000  }
0x39: {  	[spmem:s13] =	stream.linear.scatter [tilespmem:s26], [sflag:$0x3], $0x4000, $0x38;
	[tilespmem:$0x1E900] =	vst v63  }
0x3a: {  	_ =	swait.ge [sflag:s25], $0x4000  }
0x3b: {  	[sflag:s25] =	ssyncset.done $0x0  }
0x3c: {  	[sflag:s25] =	ssyncadd.s32 $0xFFFFC000  }
0x3d: {  	s12 =	simm.s32 $0x0;
	[bflag:$0x0] =	sbarrier.arrive $0xFFFF  }
0x3e: {  	[tilespmem:s28], [sflag:$0x3] =	stream.linear.gather [hbm4b:s7+s12], $0x80, $0x38;
	[tilespmem:$0x1E900] =	vst v63  }
0x3f: {  	_ =	swait.ge [sflag:s25], $0x80  }
0x40: {  	[sflag:s25] =	ssyncset.done $0x0  }
0x41: {  	[sflag:s25] =	ssyncadd.s32 $0xFFFFFF80  }
0x42: {  	[tilespmem:s26], [sflag:$0x1] =	stream.indirect.gather [hbm4b:s1+s29], $0x80, s12, s29, $0xb8;
	[tilespmem:$0x1E900] =	vst v63  }
0x43: {  	s9 =	simm.s32 $0x80  }
0x44: {  	[tilespmem:s30], [sflag:$0x2] =	stream.indirect.gather [hbm4b:s1+s29], $0x80, s9, s29, $0xb8;
	[tilespmem:$0x1E900] =	vst v63  }
0x45: {  	s10 =	sadd.s32 $0x0, s24  }
0x46: {  	[tilespmem:s31], [sflag:$0x3] =	stream.linear.gather [hbm4b:s10+s4], $0x80, $0x38;
	[tilespmem:$0x1E900] =	vst v63  }
0x47: {  	_ =	swait.ge [sflag:s25], $0x80  }
0x48: {  	[sflag:s25] =	ssyncset.done $0x0  }
0x49: {  	[sflag:s25] =	ssyncadd.s32 $0xFFFFFF80  }
0x4a: {  	_ =	swait.ge [sflag:s2], $0x4000  }
0x4b: {  	[sflag:s2] =	ssyncset.done $0x0  }
0x4c: {  	[sflag:s2] =	ssyncadd.s32 $0xFFFFC000  }
0x4d: {  	[spmem:s3] =	stream.indirect.scatter.add.f32 [tilespmem:s26], [sflag:$0x3], $0x80, s28, s29, $0xb8;
	[tilespmem:$0x1E900] =	vst v63  }
0x4e: {  	_ =	swait.ge [sflag:s25], $0x4000  }
0x4f: {  	[sflag:s25] =	ssyncset.done $0x0  }
0x50: {  	s11 =	simm.s32 $0x100;
	[sflag:s25] =	ssyncadd.s32 $0xFFFFC000  }
0x51: {  	[tilespmem:s26], [sflag:$0x1] =	stream.indirect.gather [hbm4b:s1+s29], $0x80, s11, s29, $0xb8;
	[tilespmem:$0x1E900] =	vst v63  }
0x52: {  	s12 =	sadd.s32 $0x0, s23  }
0x53: {  	[tilespmem:s28], [sflag:$0x3] =	stream.linear.gather [hbm4b:s12+s4], $0x80, $0x38;
	[tilespmem:$0x1E900] =	vst v63  }
0x54: {  	_ =	swait.ge [sflag:s25], $0x80  }
0x55: {  	[sflag:s25] =	ssyncset.done $0x0  }
0x56: {  	[sflag:s25] =	ssyncadd.s32 $0xFFFFFF80  }
0x57: {  	_ =	swait.ge [sflag:s0], $0x4000  }
0x58: {  	[sflag:s0] =	ssyncset.done $0x0  }
0x59: {  	[sflag:s0] =	ssyncadd.s32 $0xFFFFC000  }
0x5a: {  	[spmem:s3] =	stream.indirect.scatter.add.f32 [tilespmem:s30], [sflag:$0x3], $0x80, s31, s29, $0xb8;
	[tilespmem:$0x1E900] =	vst v63  }
0x5b: {  	s8 =	simm.s32 $0x20;
	_ =	swait.ge [sflag:s25], $0x4000  }
0x5c: {  	s9 =	simm.s32 $0x200;
	s10 =	simm.s32 $0x40;
	[sflag:s25] =	ssyncset.done $0x0  }
.LBB2_4:
0x5d: {  	p0 =	sne.s32 s10, $0x4C0;
	s11 =	sadd.s32 $0xFFFFFF80, s9;
	[sflag:s25] =	ssyncadd.s32 $0xFFFFC000  }
0x5e: {  	[tilespmem:s30], [sflag:$0x2] =	stream.indirect.gather [hbm4b:s1+s29], $0x80, s11, s29, $0xb8;
	[tilespmem:$0x1E900] =	vst v63  }
0x5f: {  	s12 =	smov.u32 s10;
	s10 =	sadd.s32 $0x20, s10;
	s11 =	sadd.s32 s8, s24  }
0x60: {  	[tilespmem:s31], [sflag:$0x3] =	stream.linear.gather [hbm4b:s11+s4], $0x80, $0x38;
	[tilespmem:$0x1E900] =	vst v63  }
0x61: {  	_ =	swait.ge [sflag:s25], $0x80  }
0x62: {  	[sflag:s25] =	ssyncset.done $0x0  }
0x63: {  	[sflag:s25] =	ssyncadd.s32 $0xFFFFFF80  }
0x64: {  	_ =	swait.ge [sflag:s2], $0x4000  }
0x65: {  	[sflag:s2] =	ssyncset.done $0x0  }
0x66: {  	[sflag:s2] =	ssyncadd.s32 $0xFFFFC000  }
0x67: {  	[spmem:s3] =	stream.indirect.scatter.add.f32 [tilespmem:s26], [sflag:$0x3], $0x80, s28, s29, $0xb8;
	[tilespmem:$0x1E900] =	vst v63  }
0x68: {  	_ =	swait.ge [sflag:s25], $0x4000  }
0x69: {  	[sflag:s25] =	ssyncset.done $0x0  }
0x6a: {  	[sflag:s25] =	ssyncadd.s32 $0xFFFFC000  }
0x6b: {  	[tilespmem:s26], [sflag:$0x1] =	stream.indirect.gather [hbm4b:s1+s29], $0x80, s9, s29, $0xb8;
	[tilespmem:$0x1E900] =	vst v63  }
0x6c: {  	s11 =	sadd.s32 s8, s23;
	s8 =	smov.u32 s12  }
0x6d: {  	[tilespmem:s28], [sflag:$0x3] =	stream.linear.gather [hbm4b:s11+s4], $0x80, $0x38;
	[tilespmem:$0x1E900] =	vst v63  }
0x6e: {  	_ =	swait.ge [sflag:s25], $0x80  }
0x6f: {  	[sflag:s25] =	ssyncset.done $0x0  }
0x70: {  	[sflag:s25] =	ssyncadd.s32 $0xFFFFFF80  }
0x71: {  	_ =	swait.ge [sflag:s0], $0x4000  }
.Ltmp1:
0x72: {  	[sflag:s0] =	ssyncset.done $0x0;
	(pc) =	sbr.rel @p0 .LBB2_4-.Ltmp1, $4  }
0x73: {  	[sflag:s0] =	ssyncadd.s32 $0xFFFFC000  }
0x74: {  	[spmem:s3] =	stream.indirect.scatter.add.f32 [tilespmem:s30], [sflag:$0x3], $0x80, s31, s29, $0xb8;
	[tilespmem:$0x1E900] =	vst v63  }
0x75: {  	_ =	swait.ge [sflag:s25], $0x4000  }
0x76: {  	s9 =	sadd.s32 $0x100, s9;
	[sflag:s25] =	ssyncset.done $0x0  }
0x77: {  	s10 =	sadd.s32 $0xFFFFFF80, s9;
	[sflag:s25] =	ssyncadd.s32 $0xFFFFC000  }
0x78: {  	[tilespmem:s30], [sflag:$0x2] =	stream.indirect.gather [hbm4b:s1+s29], $0x80, s10, s29, $0xb8;
	[tilespmem:$0x1E900] =	vst v63  }
0x79: {  	s12 =	sadd.s32 s8, s24  }
0x7a: {  	[tilespmem:s31], [sflag:$0x3] =	stream.linear.gather [hbm4b:s12+s4], $0x80, $0x38;
	[tilespmem:$0x1E900] =	vst v63  }
0x7b: {  	_ =	swait.ge [sflag:s25], $0x80  }
0x7c: {  	[sflag:s25] =	ssyncset.done $0x0  }
0x7d: {  	[sflag:s25] =	ssyncadd.s32 $0xFFFFFF80  }
0x7e: {  	_ =	swait.ge [sflag:s2], $0x4000  }
0x7f: {  	[sflag:s2] =	ssyncset.done $0x0  }
0x80: {  	[sflag:s2] =	ssyncadd.s32 $0xFFFFC000  }
0x81: {  	[spmem:s3] =	stream.indirect.scatter.add.f32 [tilespmem:s26], [sflag:$0x3], $0x80, s28, s29, $0xb8;
	[tilespmem:$0x1E900] =	vst v63  }
0x82: {  	_ =	swait.ge [sflag:s25], $0x4000  }
0x83: {  	[sflag:s25] =	ssyncset.done $0x0  }
0x84: {  	[sflag:s25] =	ssyncadd.s32 $0xFFFFC000  }
0x85: {  	[tilespmem:s26], [sflag:$0x1] =	stream.indirect.gather [hbm4b:s1+s29], $0x80, s9, s29, $0xb8;
	[tilespmem:$0x1E900] =	vst v63  }
0x86: {  	s9 =	sadd.s32 s8, s23  }
0x87: {  	[tilespmem:s28], [sflag:$0x3] =	stream.linear.gather [hbm4b:s9+s4], $0x80, $0x38;
	[tilespmem:$0x1E900] =	vst v63  }
0x88: {  	_ =	swait.ge [sflag:s25], $0x80  }
0x89: {  	[sflag:s25] =	ssyncset.done $0x0  }
0x8a: {  	[sflag:s25] =	ssyncadd.s32 $0xFFFFFF80  }
0x8b: {  	_ =	swait.ge [sflag:s0], $0x4000  }
0x8c: {  	[sflag:s0] =	ssyncset.done $0x0  }
0x8d: {  	[sflag:s0] =	ssyncadd.s32 $0xFFFFC000  }
0x8e: {  	[spmem:s3] =	stream.indirect.scatter.add.f32 [tilespmem:s30], [sflag:$0x3], $0x80, s31, s29, $0xb8;
	[tilespmem:$0x1E900] =	vst v63  }
0x8f: {  	_ =	swait.ge [sflag:s25], $0x4000  }
0x90: {  	[sflag:s25] =	ssyncset.done $0x0  }
0x91: {  	s10 =	simm.s32 $0x2780;
	[sflag:s25] =	ssyncadd.s32 $0xFFFFC000  }
0x92: {  	[tilespmem:s30], [sflag:$0x2] =	stream.indirect.gather [hbm4b:s1+s29], $0x80, s10, s29, $0xb8;
	[tilespmem:$0x1E900] =	vst v63  }
0x93: {  	s11 =	rddreg [dreg:$0x5]  }
0x94: {  	[tilespmem:s31], [sflag:$0x3] =	stream.linear.gather [hbm4b:s11+s4], $0x80, $0x38;
	[tilespmem:$0x1E900] =	vst v63  }
0x95: {  	_ =	swait.ge [sflag:s25], $0x80  }
0x96: {  	[sflag:s25] =	ssyncset.done $0x0  }
0x97: {  	[sflag:s25] =	ssyncadd.s32 $0xFFFFFF80  }
0x98: {  	_ =	swait.ge [sflag:s2], $0x4000  }
0x99: {  	[sflag:s2] =	ssyncset.done $0x0  }
0x9a: {  	[sflag:s2] =	ssyncadd.s32 $0xFFFFC000  }
0x9b: {  	[spmem:s3] =	stream.indirect.scatter.add.f32 [tilespmem:s26], [sflag:$0x3], $0x80, s28, s29, $0xb8;
	[tilespmem:$0x1E900] =	vst v63  }
0x9c: {  	_ =	swait.ge [sflag:s25], $0x4000  }
0x9d: {  	[sflag:s25] =	ssyncset.done $0x0  }
0x9e: {  	[sflag:s25] =	ssyncadd.s32 $0xFFFFC000  }
0x9f: {  	_ =	swait.ge [sflag:s0], $0x4000  }
0xa0: {  	[sflag:s0] =	ssyncset.done $0x0  }
0xa1: {  	[sflag:s0] =	ssyncadd.s32 $0xFFFFC000  }
0xa2: {  	[spmem:s3] =	stream.indirect.scatter.add.f32 [tilespmem:s30], [sflag:$0x3], $0x80, s31, s29, $0xb8;
	[tilespmem:$0x1E900] =	vst v63  }
0xa3: {  	_ =	swait.ge [sflag:s25], $0x4000  }
0xa4: {  	[sflag:s25] =	ssyncset.done $0x0  }
0xa5: {  	[sflag:s25] =	ssyncadd.s32 $0xFFFFC000  }
0xa6: {  	[bflag:$0x0] =	sbarrier.arrive $0xFFFF  }
0xa7: {  	[tilespmem:s26], [sflag:$0x3] =	stream.linear.gather [spmem:s6], $0x4000, $0x38;
	[tilespmem:$0x1E900] =	vst v63  }
0xa8: {  	_ =	swait.ge [sflag:s25], $0x4000  }
0xa9: {  	[sflag:s25] =	ssyncset.done $0x0  }
0xaa: {  	[sflag:s25] =	ssyncadd.s32 $0xFFFFC000  }
0xab: {  	[hbm4b:s14+s4] =	stream.linear.scatter [tilespmem:s26], [sflag:$0x3], $0x4000, $0x38;
	[tilespmem:$0x1E900] =	vst v63  }
0xac: {  	_ =	swait.ge [sflag:s25], $0x4000  }
0xad: {  	[sflag:s25] =	ssyncset.done $0x0  }
0xae: {  	[sflag:s25] =	ssyncadd.s32 $0xFFFFC000  }
0xaf: {  	[tilespmem:s26], [sflag:$0x3] =	stream.linear.gather [spmem:s15], $0x4000, $0x38;
	[tilespmem:$0x1E900] =	vst v63  }
0xb0: {  	_ =	swait.ge [sflag:s25], $0x4000  }
0xb1: {  	[sflag:s25] =	ssyncset.done $0x0  }
0xb2: {  	[sflag:s25] =	ssyncadd.s32 $0xFFFFC000  }
0xb3: {  	[hbm4b:s16+s4] =	stream.linear.scatter [tilespmem:s26], [sflag:$0x3], $0x4000, $0x38;
	[tilespmem:$0x1E900] =	vst v63  }
0xb4: {  	_ =	swait.ge [sflag:s25], $0x4000  }
0xb5: {  	[sflag:s25] =	ssyncset.done $0x0  }
0xb6: {  	[sflag:s25] =	ssyncadd.s32 $0xFFFFC000  }
0xb7: {  	[tilespmem:s26], [sflag:$0x3] =	stream.linear.gather [spmem:s17], $0x4000, $0x38;
	[tilespmem:$0x1E900] =	vst v63  }
0xb8: {  	_ =	swait.ge [sflag:s25], $0x4000  }
0xb9: {  	[sflag:s25] =	ssyncset.done $0x0  }
0xba: {  	[sflag:s25] =	ssyncadd.s32 $0xFFFFC000  }
0xbb: {  	[hbm4b:s18+s4] =	stream.linear.scatter [tilespmem:s26], [sflag:$0x3], $0x4000, $0x38;
	[tilespmem:$0x1E900] =	vst v63  }
0xbc: {  	_ =	swait.ge [sflag:s25], $0x4000  }
0xbd: {  	[sflag:s25] =	ssyncset.done $0x0  }
0xbe: {  	[sflag:s25] =	ssyncadd.s32 $0xFFFFC000  }
0xbf: {  	[tilespmem:s26], [sflag:$0x3] =	stream.linear.gather [spmem:s19], $0x4000, $0x38;
	[tilespmem:$0x1E900] =	vst v63  }
0xc0: {  	_ =	swait.ge [sflag:s25], $0x4000  }
0xc1: {  	[sflag:s25] =	ssyncset.done $0x0  }
0xc2: {  	[sflag:s25] =	ssyncadd.s32 $0xFFFFC000  }
0xc3: {  	[hbm4b:s20+s4] =	stream.linear.scatter [tilespmem:s26], [sflag:$0x3], $0x4000, $0x38;
	[tilespmem:$0x1E900] =	vst v63  }
0xc4: {  	_ =	swait.ge [sflag:s25], $0x4000  }
0xc5: {  	[sflag:s25] =	ssyncset.done $0x0  }
0xc6: {  	[sflag:s25] =	ssyncadd.s32 $0xFFFFC000  }
0xc7: {  	[tilespmem:s26], [sflag:$0x3] =	stream.linear.gather [spmem:s22], $0x4000, $0x38;
	[tilespmem:$0x1E900] =	vst v63  }
0xc8: {  	_ =	swait.ge [sflag:s25], $0x4000  }
0xc9: {  	[sflag:s25] =	ssyncset.done $0x0  }
0xca: {  	[sflag:s25] =	ssyncadd.s32 $0xFFFFC000  }
0xcb: {  	[hbm4b:s21+s4] =	stream.linear.scatter [tilespmem:s26], [sflag:$0x3], $0x4000, $0x38;
	[tilespmem:$0x1E900] =	vst v63  }
0xcc: {  	_ =	swait.ge [sflag:s25], $0x4000  }
0xcd: {  	s5 =	sadd.s32 $0x1, s5;
	s12 =	rddreg [dreg:$0x6]  }
0xce: {  	p0 =	sne.s32 s5, s12  }
.Ltmp2:
0xcf: {  	_ = 	snop;
	(pc) =	sbr.rel @p0 .LBB2_1-.Ltmp2, $3  }
0xd0: {  	_ =	sdelay $0x1  }
0xd1: {  	[sflag:s25] =	ssyncset.done $0x0  }
0xd2: {  	[sflag:s25] =	ssyncadd.s32 $0xFFFFC000  }
0xd3: {  	_ =	sfence.sel $0x180000  }
0xd4: {  	[bflag:$0x0] =	sbarrier.arrive $0xFFFF  }
0xd5: {  	_ =	strace $0x90000050  }
0xd6: {  	s0 =	stileid.u32;
	[bflag:$0x2] =	sbarrier.arrive $0xFFFF  }
0xd7: {  	p0 =	sne.s32 s0, $0x0;
	s0 =	rddreg [dreg:$0x3]  }
0xd8: {  	s0 =	sadd.s32 @!p0 $0x100000, s0  }
0xd9: {  	[sflag:s0] =	ssyncadd.tile.s32 @!p0 $0x1;
	_ =	shalt  }
.Lfunc_end2:
_tile_overlayer_lowered:
.L_overlay_start_2:
0xda: {  	(tag) =	ssettag $0x2  }
0xdb: {  	s0 =	rddreg [dreg:$0x0];
	s2 =	stileid.u32  }
0xdc: {  	s1 =	rddreg [dreg:$0x1];
	p0 =	sne.s32 s2, $0x0  }
0xdd: {  	s3 =	rddreg [dreg:$0x2];
	[bflag:$0x3] =	sbarrier.arrive $0xFFFF;
	s2 =	simm.s32 @!p0 $0x1C03  }
0xde: {  	[timem:s3], [sflag:s2] =	dma.local @!p0 [hbm:s0], s1  }
0xdf: {  	s0 =	simm.s32 @!p0 $0x3  }
0xe0: {  	_ =	swait.ge @!p0 [sflag:s0], s1  }
0xe1: {  	s1 =	ssub.s32 @!p0 $0x0, s1;
	[sflag:s0] =	ssyncset.done @!p0 $0x0  }
0xe2: {  	[sflag:s0] =	ssyncadd.s32 @!p0 s1  }
0xe3: {  	[bflag:$0x3] =	sbarrier.arrive $0xFFFF  }
0xe4: {  	_ =	shalt  }

</sc_bundles>
